<compile_context>
chip_gen: v7x
topology: tpu7x:2x2x1
jax: 0.10.2.dev20260603
libtpu: 0.0.44.dev20260713+nightly
codegen_flags: <defaults>
</compile_context>

<pallas_src>
import functools

import jax
import jax.numpy as jnp
from jax import lax
from jax.experimental import pallas as pl
from jax.experimental.pallas import tpu as pltpu
from jax.experimental.pallas import tpu_sc as plsc

N_A = 10000
N_R = 10000
E = 160000
C = 256
H = 8
D = 32
T = 0.2

NC = 2
NS = 16
NW = NC * NS

BLK_N = 1000
BLK_E = 2000
KG = 40
KS = 80


def _ln_rows(x, g, b):
    mu = jnp.mean(x, axis=-1, keepdims=True)
    var = jnp.mean((x - mu) * (x - mu), axis=-1, keepdims=True)
    return (x - mu) * lax.rsqrt(var + 1e-5) * g + b


def _head_expand_mat():
    col = lax.broadcasted_iota(jnp.int32, (H, C), 1) // D
    row = lax.broadcasted_iota(jnp.int32, (H, C), 0)
    return (col == row).astype(jnp.float32)


def _head_sum_mat():
    row = lax.broadcasted_iota(jnp.int32, (C, H), 0) // D
    col = lax.broadcasted_iota(jnp.int32, (C, H), 1)
    return (row == col).astype(jnp.float32)



def _prep_body(ax, rx, wq, wk, wv, wav, ga, ba, gr, br, ta, tr):
    xa = _ln_rows(ax[...], ga[...], ba[...])
    xr = _ln_rows(rx[...], gr[...], br[...])
    q = jnp.dot(xa, wq[...], preferred_element_type=jnp.float32)
    av = jnp.dot(xa, wav[...], preferred_element_type=jnp.float32)
    k = jnp.dot(xr, wk[...], preferred_element_type=jnp.float32)
    v = jnp.dot(xr, wv[...], preferred_element_type=jnp.float32)
    ta[...] = jnp.concatenate([q, av], axis=1)
    tr[...] = jnp.concatenate([k, v], axis=1)


def _score_body(gd, gs, score, m):
    qe = gd[...]
    ke = gs[...]
    s = jnp.dot(qe * ke, _head_sum_mat(),
                preferred_element_type=jnp.float32) * (1.0 / (D ** 0.5))
    score[...] = s
    blk_max = jnp.max(s, axis=0, keepdims=True)

    @pl.when(pl.program_id(0) == 0)
    def _():
        m[...] = blk_max

    @pl.when(pl.program_id(0) != 0)
    def _():
        m[...] = jnp.maximum(m[...], blk_max)


def _weight_body(score, m, vs, avd, wa_ref, wr_ref, exp_ref):
    s = score[...]
    sm = s - m[...]
    ex_a = jnp.exp(sm)
    ex_r = jnp.exp(sm * (1.0 / T))
    exp_ref[...] = jnp.concatenate(
        [ex_a, ex_r, jnp.zeros((s.shape[0], C // 2 - 2 * H), jnp.float32)],
        axis=1)
    bmat = _head_expand_mat()
    wa_ref[...] = vs[...] * jnp.dot(ex_a, bmat,
                                    preferred_element_type=jnp.float32)
    wr_ref[...] = avd[...] * jnp.dot(ex_r, bmat,
                                     preferred_element_type=jnp.float32)


def _final_body(x, o_ref, sseg, g_out, b_out, w1, b1, w2, b2, g_m, b_m,
                out):
    o = o_ref[...]
    s = sseg[...]
    recip = jnp.where(s == 0.0, 0.0, 1.0 / s)
    o = o * jnp.dot(recip, _head_expand_mat(),
                    preferred_element_type=jnp.float32)
    o = _ln_rows(o, g_out[...], b_out[...])
    hcat = jnp.concatenate([x[...], o], axis=1)
    h = jnp.maximum(jnp.dot(hcat, w1[...],
                            preferred_element_type=jnp.float32) + b1[...], 0.0)
    h = jnp.dot(h, w2[...], preferred_element_type=jnp.float32) + b2[...]
    out[...] = _ln_rows(h, g_m[...], b_m[...])



def _sc_gather(ta, tr, dst, src, gd, gs, idx2, rows2,
               semg0, semg1, semw0, semw1):
    wid = lax.axis_index("s") * NC + lax.axis_index("c")
    epw = E // NW
    nb = epw // KG
    base0 = wid * epw
    semg = (semg0, semg1)
    semw = (semw0, semw1)

    def run(key_hbm, table_hbm, out_hbm):
        def issue(i, b):
            pltpu.sync_copy(key_hbm.at[pl.ds(base0 + i * KG, KG)],
                            idx2.at[b])
            pltpu.async_copy(table_hbm.at[idx2.at[b]], rows2.at[b], semg[b])

        def wait_g(b):
            pltpu.make_async_copy(table_hbm.at[pl.ds(0, KG)],
                                  rows2.at[b], semg[b]).wait()

        def wait_w(b):
            pltpu.make_async_copy(rows2.at[b],
                                  out_hbm.at[pl.ds(0, KG)], semw[b]).wait()

        issue(0, 0)

        def body(j, _):
            for b in range(2):
                i = 2 * j + b

                @pl.when(i + 1 < nb)
                def _():
                    @pl.when(i >= 1)
                    def _():
                        wait_w(1 - b)

                    issue(i + 1, 1 - b)

                @pl.when(i < nb)
                def _():
                    wait_g(b)
                    pltpu.async_copy(
                        rows2.at[b], out_hbm.at[pl.ds(base0 + i * KG, KG)],
                        semw[b])
            return 0

        lax.fori_loop(0, (nb + 1) // 2, body, 0)
        wait_w((nb - 1) % 2)
        wait_w((nb - 2) % 2)

    run(dst, ta, gd)
    run(src, tr, gs)


def _sc_scatter(wa, wr, expp, eidx, z128, oa, orr, sex,
                idx2, rows2, acc, sem0, sem1):
    sid = lax.axis_index("s")
    cid = lax.axis_index("c")
    col0 = pl.multiple_of(cid * (C // 2), C // 2)
    ept = E // NS
    npt = 1000
    nb = ept // KS
    base0 = sid * ept
    sems = (sem0, sem1)

    def phase(key_off, load_rows, out_dump):
        @pl.when(sid == 0)
        def _():
            pltpu.sync_copy(z128, acc)

        plsc.subcore_barrier()

        def issue(i, b):
            pltpu.async_copy(eidx.at[pl.ds(key_off(i), KS)],
                             idx2.at[b], sems[b])
            load_rows(i, b)

        def wait(b):
            pltpu.make_async_copy(eidx.at[pl.ds(0, KS)],
                                  idx2.at[b], sems[b]).wait()
            pltpu.make_async_copy(expp.at[pl.ds(0, KS)],
                                  rows2.at[b], sems[b]).wait()

        issue(0, 0)

        def body(j, _):
            for b in range(2):
                i = 2 * j + b

                @pl.when(i + 1 < nb)
                def _():
                    issue(i + 1, 1 - b)

                @pl.when(i < nb)
                def _():
                    wait(b)
                    pltpu.sync_copy(rows2.at[b], acc.at[idx2.at[b]],
                                    add=True)
            return 0

        lax.fori_loop(0, (nb + 1) // 2, body, 0)
        plsc.subcore_barrier()
        out_dump()
        plsc.subcore_barrier()

    def half_rows(w_hbm):
        def load(i, b):
            pltpu.async_copy(
                w_hbm.at[pl.ds(base0 + i * KS, KS), pl.ds(col0, C // 2)],
                rows2.at[b], sems[b])
        return load

    def half_dump(out_hbm):
        def dump():
            @pl.when(sid < N_A // npt)
            def _():
                pltpu.sync_copy(acc.at[pl.ds(sid * npt, npt)],
                                out_hbm.at[pl.ds(sid * npt, npt),
                                           pl.ds(col0, C // 2)])
        return dump

    phase(lambda i: base0 + i * KS, half_rows(wa), half_dump(oa))
    phase(lambda i: E + base0 + i * KS, half_rows(wr), half_dump(orr))

    def ex_rows(i, b):
        pltpu.async_copy(expp.at[pl.ds(base0 + i * KS, KS)],
                         rows2.at[b], sems[b])

    def ex_dump():
        @pl.when(sid < N_A // npt)
        def _():
            pltpu.sync_copy(acc.at[pl.ds(sid * npt, npt)],
                            sex.at[cid, pl.ds(sid * npt, npt)])

    phase(lambda i: cid * E + base0 + i * KS, ex_rows, ex_dump)



def kernel(atom_x, residue_x, edge_index, W_query, W_key, W_value,
           W_atom_value, ln_ain_g, ln_ain_b, ln_rin_g, ln_rin_b, ln_aout_g,
           ln_aout_b, ln_rout_g, ln_rout_b, cm_W1, cm_b1, cm_W2, cm_b2,
           cm_ln_g, cm_ln_b, rm_W1, rm_b1, rm_W2, rm_b2, rm_ln_g, rm_ln_b):
    f32 = jnp.float32
    dst = edge_index[0]
    src = edge_index[1]

    def row(v):
        return v.reshape(1, -1)

    n_blocks = N_A // BLK_N
    full = lambda shape: pl.BlockSpec(shape, lambda i: (0, 0))
    ta, tr = pl.pallas_call(
        _prep_body,
        grid=(n_blocks,),
        in_specs=[
            pl.BlockSpec((BLK_N, C), lambda i: (i, 0)),
            pl.BlockSpec((BLK_N, C), lambda i: (i, 0)),
            full((C, C)), full((C, C)), full((C, C)), full((C, C)),
            full((1, C)), full((1, C)), full((1, C)), full((1, C)),
        ],
        out_specs=[
            pl.BlockSpec((BLK_N, 2 * C), lambda i: (i, 0)),
            pl.BlockSpec((BLK_N, 2 * C), lambda i: (i, 0)),
        ],
        out_shape=[
            jax.ShapeDtypeStruct((N_A, 2 * C), f32),
            jax.ShapeDtypeStruct((N_R, 2 * C), f32),
        ],
    )(atom_x, residue_x, W_query, W_key, W_value, W_atom_value,
      row(ln_ain_g), row(ln_ain_b), row(ln_rin_g), row(ln_rin_b))

    mesh = plsc.VectorSubcoreMesh(core_axis_name="c", subcore_axis_name="s")
    gd, gs = pl.kernel(
        _sc_gather,
        out_type=[
            jax.ShapeDtypeStruct((E, 2 * C), f32),
            jax.ShapeDtypeStruct((E, 2 * C), f32),
        ],
        mesh=mesh,
        scratch_types=[
            pltpu.VMEM((2, KG), jnp.int32),
            pltpu.VMEM((2, KG, 2 * C), f32),
            pltpu.SemaphoreType.DMA,
            pltpu.SemaphoreType.DMA,
            pltpu.SemaphoreType.DMA,
            pltpu.SemaphoreType.DMA,
        ],
    )(ta, tr, dst, src)

    e_blocks = E // BLK_E
    score, m = pl.pallas_call(
        _score_body,
        grid=(e_blocks,),
        in_specs=[
            pl.BlockSpec((BLK_E, C), lambda i: (i, 0)),
            pl.BlockSpec((BLK_E, C), lambda i: (i, 0)),
        ],
        out_specs=[
            pl.BlockSpec((BLK_E, H), lambda i: (i, 0)),
            pl.BlockSpec((1, H), lambda i: (0, 0)),
        ],
        out_shape=[
            jax.ShapeDtypeStruct((E, H), f32),
            jax.ShapeDtypeStruct((1, H), f32),
        ],
    )(gd, gs)

    wa, wr, expp = pl.pallas_call(
        _weight_body,
        grid=(e_blocks,),
        in_specs=[
            pl.BlockSpec((BLK_E, H), lambda i: (i, 0)),
            pl.BlockSpec((1, H), lambda i: (0, 0)),
            pl.BlockSpec((BLK_E, C), lambda i: (i, 1)),
            pl.BlockSpec((BLK_E, C), lambda i: (i, 1)),
        ],
        out_specs=[
            pl.BlockSpec((BLK_E, C), lambda i: (i, 0)),
            pl.BlockSpec((BLK_E, C), lambda i: (i, 0)),
            pl.BlockSpec((BLK_E, C // 2), lambda i: (i, 0)),
        ],
        out_shape=[
            jax.ShapeDtypeStruct((E, C), f32),
            jax.ShapeDtypeStruct((E, C), f32),
            jax.ShapeDtypeStruct((E, C // 2), f32),
        ],
    )(score, m, gs, gd)

    z128 = jnp.zeros((N_A, C // 2), f32)
    oa, orr, sex = pl.kernel(
        _sc_scatter,
        out_type=[
            jax.ShapeDtypeStruct((N_A, C), f32),
            jax.ShapeDtypeStruct((N_R, C), f32),
            jax.ShapeDtypeStruct((NC, N_A, C // 2), f32),
        ],
        mesh=mesh,
        scratch_types=[
            pltpu.VMEM((2, KS), jnp.int32),
            pltpu.VMEM((2, KS, C // 2), f32),
            pltpu.VMEM_SHARED((N_A, C // 2), f32),
            pltpu.SemaphoreType.DMA,
            pltpu.SemaphoreType.DMA,
        ],
    )(wa, wr, expp, edge_index.reshape(2 * E), z128)

    return _finish(atom_x, residue_x, oa, orr, sex[0, :, :H],
                   sex[1, :, H:2 * H],
                   ln_aout_g, ln_aout_b, ln_rout_g, ln_rout_b, cm_W1, cm_b1,
                   cm_W2, cm_b2, cm_ln_g, cm_ln_b, rm_W1, rm_b1, rm_W2,
                   rm_b2, rm_ln_g, rm_ln_b)


def _finish(atom_x, residue_x, oa, orr, sab, srb, ln_aout_g,
            ln_aout_b, ln_rout_g, ln_rout_b, cm_W1, cm_b1, cm_W2, cm_b2,
            cm_ln_g, cm_ln_b, rm_W1, rm_b1, rm_W2, rm_b2, rm_ln_g, rm_ln_b):
    f32 = jnp.float32
    n_blocks = N_A // BLK_N
    full = lambda shape: pl.BlockSpec(shape, lambda i: (0, 0))

    def row(v):
        return v.reshape(1, -1)

    def final(x, o, sseg, g_out, b_out, w1, b1, w2, b2, g_m, b_m):
        return pl.pallas_call(
            _final_body,
            grid=(n_blocks,),
            in_specs=[
                pl.BlockSpec((BLK_N, C), lambda i: (i, 0)),
                pl.BlockSpec((BLK_N, C), lambda i: (i, 0)),
                pl.BlockSpec((BLK_N, H), lambda i: (i, 0)),
                full((1, C)), full((1, C)),
                full((2 * C, 2 * C)), full((1, 2 * C)),
                full((2 * C, C)), full((1, C)),
                full((1, C)), full((1, C)),
            ],
            out_specs=pl.BlockSpec((BLK_N, C), lambda i: (i, 0)),
            out_shape=jax.ShapeDtypeStruct((N_A, C), f32),
        )(x, o, sseg, g_out, b_out, w1, b1, w2, b2, g_m, b_m)

    ha = final(atom_x, oa, sab, row(ln_aout_g),
               row(ln_aout_b), cm_W1, row(cm_b1), cm_W2, row(cm_b2),
               row(cm_ln_g), row(cm_ln_b))
    hr = final(residue_x, orr, srb, row(ln_rout_g),
               row(ln_rout_b), rm_W1, row(rm_b1), rm_W2, row(rm_b2),
               row(rm_ln_g), row(rm_ln_b))
    return jnp.concatenate([ha, hr], axis=0)

# --- scband reference (transcript-rebuilt; emitter-appended) ---
"""Pipeline reference for scband-psichic-84318797955333 (READ-ONLY COPY).

The authoritative reference and input builder live on the scoring server;
editing this copy changes nothing except your own understanding.
"""

import jax, jax.numpy as jnp
import numpy as np

N_A = 10000
N_R = 10000
E = 160000
C = 256
H = 8
D = C // H
T = 0.2

def _ln(x, g, b):
    mu = jnp.mean(x, axis=-1, keepdims=True)
    var = jnp.var(x, axis=-1, keepdims=True)
    return (x - mu) * jax.lax.rsqrt(var + 1e-5) * g + b

def _seg_softmax(logits, seg, n):
    m = jax.ops.segment_max(logits, seg, num_segments=n)
    m = jnp.where(jnp.isneginf(m), 0.0, m)
    ex = jnp.exp(logits - m[seg])
    s = jax.ops.segment_sum(ex, seg, num_segments=n)
    return ex / (s[seg] + 1e-16)

def setup_inputs(seed: int = 0):
    key = jax.random.key(seed)
    ks = jax.random.split(key, 16)
    def w(k, shape, fan_in):
        return (jax.random.normal(k, shape, dtype=jnp.float32) / np.sqrt(fan_in)).astype(jnp.float32)
    inp = {}
    inp["atom_x"] = jax.random.normal(ks[0], (N_A, C), dtype=jnp.float32)
    inp["residue_x"] = jax.random.normal(ks[1], (N_R, C), dtype=jnp.float32)
    dst = jax.random.randint(ks[2], (E,), 0, N_A)
    src = jax.random.randint(ks[3], (E,), 0, N_R)
    inp["edge_index"] = jnp.stack([dst, src])
    inp["W_query"] = w(ks[4], (C, C), C)
    inp["W_key"] = w(ks[5], (C, C), C)
    inp["W_value"] = w(ks[6], (C, C), C)
    inp["W_atom_value"] = w(ks[7], (C, C), C)
    for name in ["ln_ain", "ln_rin", "ln_aout", "ln_rout"]:
        inp[name + "_g"] = jnp.ones((C,), jnp.float32)
        inp[name + "_b"] = jnp.zeros((C,), jnp.float32)
    inp["cm_W1"] = w(ks[8], (2 * C, 2 * C), 2 * C)
    inp["cm_b1"] = jnp.zeros((2 * C,), jnp.float32)
    inp["cm_W2"] = w(ks[9], (2 * C, C), 2 * C)
    inp["cm_b2"] = jnp.zeros((C,), jnp.float32)
    inp["cm_ln_g"] = jnp.ones((C,), jnp.float32)
    inp["cm_ln_b"] = jnp.zeros((C,), jnp.float32)
    inp["rm_W1"] = w(ks[10], (2 * C, 2 * C), 2 * C)
    inp["rm_b1"] = jnp.zeros((2 * C,), jnp.float32)
    inp["rm_W2"] = w(ks[11], (2 * C, C), 2 * C)
    inp["rm_b2"] = jnp.zeros((C,), jnp.float32)
    inp["rm_ln_g"] = jnp.ones((C,), jnp.float32)
    inp["rm_ln_b"] = jnp.zeros((C,), jnp.float32)
    return inp

def reference(atom_x, residue_x, edge_index, W_query, W_key, W_value, W_atom_value, ln_ain_g, ln_ain_b, ln_rin_g, ln_rin_b, ln_aout_g, ln_aout_b, ln_rout_g, ln_rout_b, cm_W1, cm_b1, cm_W2, cm_b2, cm_ln_g, cm_ln_b, rm_W1, rm_b1, rm_W2, rm_b2, rm_ln_g, rm_ln_b):
    dst = edge_index[0]
    src = edge_index[1]
    xa = _ln(atom_x, ln_ain_g, ln_ain_b)
    xr = _ln(residue_x, ln_rin_g, ln_rin_b)
    q = (xa @ W_query).reshape(N_A, H, D)
    k = (xr @ W_key).reshape(N_R, H, D)
    v = (xr @ W_value).reshape(N_R, H, D)
    av = (xa @ W_atom_value).reshape(N_A, H, D)
    score = jnp.sum(q[dst] * k[src], axis=-1) / jnp.sqrt(jnp.float32(D))
    alpha_a = _seg_softmax(score, dst, N_A)
    alpha_r = _seg_softmax(score / T, src, N_R)
    out_a = jax.ops.segment_sum(v[src] * alpha_a[..., None], dst, num_segments=N_A).reshape(N_A, C)
    out_r = jax.ops.segment_sum(av[dst] * alpha_r[..., None], src, num_segments=N_R).reshape(N_R, C)
    out_a = _ln(out_a, ln_aout_g, ln_aout_b)
    out_r = _ln(out_r, ln_rout_g, ln_rout_b)
    ha = jnp.concatenate([atom_x, out_a], axis=-1)
    ha = jax.nn.relu(ha @ cm_W1 + cm_b1) @ cm_W2 + cm_b2
    ha = _ln(ha, cm_ln_g, cm_ln_b)
    hr = jnp.concatenate([residue_x, out_r], axis=-1)
    hr = jax.nn.relu(hr @ rm_W1 + rm_b1) @ rm_W2 + rm_b2
    hr = _ln(hr, rm_ln_g, rm_ln_b)
    return jnp.concatenate([ha, hr], axis=0)

if __name__ == "__main__":
    import jax
    _d = setup_inputs()
    print(jax.jit(kernel)(*tuple(_d.values())))

</pallas_src>

<mosaic_0001>
#map = affine_map<(d0, d1) -> (0, 0)>
#map1 = affine_map<(d0, d1) -> (0)>
#map2 = affine_map<(d0, d1) -> (0, 0, 0)>
module attributes {stable_mosaic.version = 14 : i64} {
  func.func @_sc_scatter(%arg0: i32, %arg1: i32, %arg2: memref<160000x256xf32, #tpu.memory_space<hbm>>, %arg3: memref<160000x256xf32, #tpu.memory_space<hbm>>, %arg4: memref<160000x128xf32, #tpu.memory_space<hbm>>, %arg5: memref<320000xi32, #tpu.memory_space<hbm>>, %arg6: memref<10000x128xf32, #tpu.memory_space<hbm>>, %arg7: memref<10000x256xf32, #tpu.memory_space<hbm>>, %arg8: memref<10000x256xf32, #tpu.memory_space<hbm>>, %arg9: memref<2x10000x128xf32, #tpu.memory_space<hbm>>, %arg10: memref<2x80xi32, #tpu.memory_space<vmem>>, %arg11: memref<2x80x128xf32, #tpu.memory_space<vmem>>, %arg12: memref<10000x128xf32, #tpu.memory_space<vmem_shared>>, %arg13: memref<!tpu.dma_semaphore, #tpu.memory_space<semaphore_mem>>, %arg14: memref<!tpu.dma_semaphore, #tpu.memory_space<semaphore_mem>>) attributes {dimension_semantics = [#tpu.dimension_semantics<core_parallel>, #tpu.dimension_semantics<subcore_parallel>], iteration_bounds = array<i64: 2, 16>, scalar_prefetch = 0 : i64, scratch_operands = 5 : i64, tpu.core_type = #tpu.core_type<sc_vector_subcore>, window_params = [{transform_indices = #map}, {transform_indices = #map}, {transform_indices = #map}, {transform_indices = #map1}, {transform_indices = #map}, {transform_indices = #map}, {transform_indices = #map}, {transform_indices = #map2}]} {
    %mul3A = arith.constant 128 : i32
    %mul3A_0 = arith.muli %arg0, %mul3A : i32
    %multiple_of3A = tpu.assume_multiple %mul3A_0, 128 : i32
    %mul3A_1 = arith.constant 10000 : i32
    %mul3A_2 = arith.muli %arg1, %mul3A_1 : i32
    %eq3A = arith.constant 0 : i32
    %eq3A_3 = arith.cmpi eq, %arg1, %eq3A : i32
    %convert_element_type3A = arith.extui %eq3A_3 : i1 to i32
    %cond3A = arith.constant 0 : i32
    %cond3A_4 = arith.cmpi ne, %convert_element_type3A, %cond3A : i32
    scf.if %cond3A_4 {
      "tpu.region"() ({
        %run_scoped3A = tpu.sem_alloc : memref<!tpu.dma_semaphore, #tpu.memory_space<semaphore_mem>>
        tpu.enqueue_dma source(%arg6 : memref<10000x128xf32, #tpu.memory_space<hbm>>) target(%arg12 : memref<10000x128xf32, #tpu.memory_space<vmem_shared>>) target_semaphore(%run_scoped3A : memref<!tpu.dma_semaphore, #tpu.memory_space<semaphore_mem>>)
        tpu.wait_dma2 semaphore(%run_scoped3A : memref<!tpu.dma_semaphore, #tpu.memory_space<semaphore_mem>>) src(%arg6 : memref<10000x128xf32, #tpu.memory_space<hbm>>) dst(%arg12 : memref<10000x128xf32, #tpu.memory_space<vmem_shared>>)
        tpu.yield
      }) : () -> ()
    } else {
    }
    %barrier3A = arith.constant 0 : index
    tpu.barrier barrier_id(%barrier3A)
    %add3A = arith.constant 0 : i32
    %add3A_5 = arith.addi %mul3A_2, %add3A : i32
    %dma_start3A = arith.constant 0 : i32
    %dma_start3A_6 = arith.constant 0 : i32
    %dma_start3A_7 = tpu.memref_slice %arg10[%dma_start3A, %dma_start3A_6] : memref<2x80xi32, #tpu.memory_space<vmem>> -> memref<1x80xi32, #tpu.memory_space<vmem>>
    %dma_start3A_8 = tpu.memref_squeeze %dma_start3A_7 : memref<1x80xi32, #tpu.memory_space<vmem>> -> memref<80xi32, #tpu.memory_space<vmem>>
    %dma_start3A_9 = tpu.memref_slice %arg5[%add3A_5] : memref<320000xi32, #tpu.memory_space<hbm>> -> memref<80xi32, #tpu.memory_space<hbm>>
    %dma_start3A_10 = arith.constant 0 : i32
    %dma_start3A_11 = tpu.memref_slice %arg10[%dma_start3A, %dma_start3A_10] : memref<2x80xi32, #tpu.memory_space<vmem>> -> memref<1x80xi32, #tpu.memory_space<vmem>>
    %dma_start3A_12 = tpu.memref_squeeze %dma_start3A_11 : memref<1x80xi32, #tpu.memory_space<vmem>> -> memref<80xi32, #tpu.memory_space<vmem>>
    %dma_start3A_13 = tpu.memref_slice %arg5[%add3A_5] : memref<320000xi32, #tpu.memory_space<hbm>> -> memref<80xi32, #tpu.memory_space<hbm>>
    tpu.enqueue_dma source(%dma_start3A_13 : memref<80xi32, #tpu.memory_space<hbm>>) target(%dma_start3A_12 : memref<80xi32, #tpu.memory_space<vmem>>) target_semaphore(%arg13 : memref<!tpu.dma_semaphore, #tpu.memory_space<semaphore_mem>>)
    %add3A_14 = arith.constant 0 : i32
    %add3A_15 = arith.addi %mul3A_2, %add3A_14 : i32
    %dma_start3A_16 = arith.constant 0 : i32
    %dma_start3A_17 = arith.constant 0 : i32
    %dma_start3A_18 = arith.constant 0 : i32
    %dma_start3A_19 = tpu.memref_slice %arg11[%dma_start3A_16, %dma_start3A_17, %dma_start3A_18] : memref<2x80x128xf32, #tpu.memory_space<vmem>> -> memref<1x80x128xf32, #tpu.memory_space<vmem>>
    %dma_start3A_20 = tpu.memref_squeeze %dma_start3A_19 : memref<1x80x128xf32, #tpu.memory_space<vmem>> -> memref<80x128xf32, #tpu.memory_space<vmem>>
    %dma_start3A_21 = tpu.memref_slice %arg2[%add3A_15, %multiple_of3A] : memref<160000x256xf32, #tpu.memory_space<hbm>> -> memref<80x128xf32, #tpu.memory_space<hbm>>
    %dma_start3A_22 = arith.constant 0 : i32
    %dma_start3A_23 = arith.constant 0 : i32
    %dma_start3A_24 = tpu.memref_slice %arg11[%dma_start3A_16, %dma_start3A_22, %dma_start3A_23] : memref<2x80x128xf32, #tpu.memory_space<vmem>> -> memref<1x80x128xf32, #tpu.memory_space<vmem>>
    %dma_start3A_25 = tpu.memref_squeeze %dma_start3A_24 : memref<1x80x128xf32, #tpu.memory_space<vmem>> -> memref<80x128xf32, #tpu.memory_space<vmem>>
    %dma_start3A_26 = tpu.memref_slice %arg2[%add3A_15, %multiple_of3A] : memref<160000x256xf32, #tpu.memory_space<hbm>> -> memref<80x128xf32, #tpu.memory_space<hbm>>
    tpu.enqueue_dma source(%dma_start3A_26 : memref<80x128xf32, #tpu.memory_space<hbm>>) target(%dma_start3A_25 : memref<80x128xf32, #tpu.memory_space<vmem>>) target_semaphore(%arg13 : memref<!tpu.dma_semaphore, #tpu.memory_space<semaphore_mem>>)
    %scan3A = arith.constant 0 : i32
    %scan3A_27 = arith.constant 0 : i32
    %scan3A_28 = arith.constant 63 : i32
    %scan3A_29 = arith.addi %scan3A_27, %scan3A_28 : i32
    %scan3A_30 = arith.constant 1 : i32
    %scan3A_31 = scf.for %scan3A_134 = %scan3A_27 to %scan3A_29 step %scan3A_30 iter_args(%scan3A_135 = %scan3A) -> (i32)  : i32 {
      %mul3A_136 = arith.constant 2 : i32
      %mul3A_137 = arith.muli %mul3A_136, %scan3A_134 : i32
      %add3A_138 = arith.constant 0 : i32
      %add3A_139 = arith.addi %mul3A_137, %add3A_138 : i32
      %add3A_140 = arith.constant 1 : i32
      %add3A_141 = arith.addi %add3A_139, %add3A_140 : i32
      %lt3A_142 = arith.constant 125 : i32
      %lt3A_143 = arith.cmpi slt, %add3A_141, %lt3A_142 : i32
      %convert_element_type3A_144 = arith.extui %lt3A_143 : i1 to i32
      %cond3A_145 = arith.constant 0 : i32
      %cond3A_146 = arith.cmpi ne, %convert_element_type3A_144, %cond3A_145 : i32
      scf.if %cond3A_146 {
        %add3A_169 = arith.constant 1 : i32
        %add3A_170 = arith.addi %add3A_139, %add3A_169 : i32
        %mul3A_171 = arith.constant 80 : i32
        %mul3A_172 = arith.muli %add3A_170, %mul3A_171 : i32
        %add3A_173 = arith.addi %mul3A_2, %mul3A_172 : i32
        %dma_start3A_174 = arith.constant 1 : i32
        %dma_start3A_175 = arith.constant 0 : i32
        %dma_start3A_176 = tpu.memref_slice %arg10[%dma_start3A_174, %dma_start3A_175] : memref<2x80xi32, #tpu.memory_space<vmem>> -> memref<1x80xi32, #tpu.memory_space<vmem>>
        %dma_start3A_177 = tpu.memref_squeeze %dma_start3A_176 : memref<1x80xi32, #tpu.memory_space<vmem>> -> memref<80xi32, #tpu.memory_space<vmem>>
        %dma_start3A_178 = tpu.memref_slice %arg5[%add3A_173] : memref<320000xi32, #tpu.memory_space<hbm>> -> memref<80xi32, #tpu.memory_space<hbm>>
        %dma_start3A_179 = arith.constant 0 : i32
        %dma_start3A_180 = tpu.memref_slice %arg10[%dma_start3A_174, %dma_start3A_179] : memref<2x80xi32, #tpu.memory_space<vmem>> -> memref<1x80xi32, #tpu.memory_space<vmem>>
        %dma_start3A_181 = tpu.memref_squeeze %dma_start3A_180 : memref<1x80xi32, #tpu.memory_space<vmem>> -> memref<80xi32, #tpu.memory_space<vmem>>
        %dma_start3A_182 = tpu.memref_slice %arg5[%add3A_173] : memref<320000xi32, #tpu.memory_space<hbm>> -> memref<80xi32, #tpu.memory_space<hbm>>
        tpu.enqueue_dma source(%dma_start3A_182 : memref<80xi32, #tpu.memory_space<hbm>>) target(%dma_start3A_181 : memref<80xi32, #tpu.memory_space<vmem>>) target_semaphore(%arg14 : memref<!tpu.dma_semaphore, #tpu.memory_space<semaphore_mem>>)
        %mul3A_183 = arith.constant 80 : i32
        %mul3A_184 = arith.muli %add3A_170, %mul3A_183 : i32
        %add3A_185 = arith.addi %mul3A_2, %mul3A_184 : i32
        %dma_start3A_186 = arith.constant 1 : i32
        %dma_start3A_187 = arith.constant 0 : i32
        %dma_start3A_188 = arith.constant 0 : i32
        %dma_start3A_189 = tpu.memref_slice %arg11[%dma_start3A_186, %dma_start3A_187, %dma_start3A_188] : memref<2x80x128xf32, #tpu.memory_space<vmem>> -> memref<1x80x128xf32, #tpu.memory_space<vmem>>
        %dma_start3A_190 = tpu.memref_squeeze %dma_start3A_189 : memref<1x80x128xf32, #tpu.memory_space<vmem>> -> memref<80x128xf32, #tpu.memory_space<vmem>>
        %dma_start3A_191 = tpu.memref_slice %arg2[%add3A_185, %multiple_of3A] : memref<160000x256xf32, #tpu.memory_space<hbm>> -> memref<80x128xf32, #tpu.memory_space<hbm>>
        %dma_start3A_192 = arith.constant 0 : i32
        %dma_start3A_193 = arith.constant 0 : i32
        %dma_start3A_194 = tpu.memref_slice %arg11[%dma_start3A_186, %dma_start3A_192, %dma_start3A_193] : memref<2x80x128xf32, #tpu.memory_space<vmem>> -> memref<1x80x128xf32, #tpu.memory_space<vmem>>
        %dma_start3A_195 = tpu.memref_squeeze %dma_start3A_194 : memref<1x80x128xf32, #tpu.memory_space<vmem>> -> memref<80x128xf32, #tpu.memory_space<vmem>>
        %dma_start3A_196 = tpu.memref_slice %arg2[%add3A_185, %multiple_of3A] : memref<160000x256xf32, #tpu.memory_space<hbm>> -> memref<80x128xf32, #tpu.memory_space<hbm>>
        tpu.enqueue_dma source(%dma_start3A_196 : memref<80x128xf32, #tpu.memory_space<hbm>>) target(%dma_start3A_195 : memref<80x128xf32, #tpu.memory_space<vmem>>) target_semaphore(%arg14 : memref<!tpu.dma_semaphore, #tpu.memory_space<semaphore_mem>>)
      } else {
      }
      %lt3A_147 = arith.constant 125 : i32
      %lt3A_148 = arith.cmpi slt, %add3A_139, %lt3A_147 : i32
      %convert_element_type3A_149 = arith.extui %lt3A_148 : i1 to i32
      %cond3A_150 = arith.constant 0 : i32
      %cond3A_151 = arith.cmpi ne, %convert_element_type3A_149, %cond3A_150 : i32
      scf.if %cond3A_151 {
        %dma_wait3A = arith.constant 0 : i32
        %dma_wait3A_169 = arith.constant 0 : i32
        %dma_wait3A_170 = tpu.memref_slice %arg10[%dma_wait3A, %dma_wait3A_169] : memref<2x80xi32, #tpu.memory_space<vmem>> -> memref<1x80xi32, #tpu.memory_space<vmem>>
        %dma_wait3A_171 = tpu.memref_squeeze %dma_wait3A_170 : memref<1x80xi32, #tpu.memory_space<vmem>> -> memref<80xi32, #tpu.memory_space<vmem>>
        %dma_wait3A_172 = arith.constant 0 : i32
        %dma_wait3A_173 = tpu.memref_slice %arg5[%dma_wait3A_172] : memref<320000xi32, #tpu.memory_space<hbm>> -> memref<80xi32, #tpu.memory_space<hbm>>
        %dma_wait3A_174 = arith.constant 0 : i32
        %dma_wait3A_175 = tpu.memref_slice %arg10[%dma_wait3A, %dma_wait3A_174] : memref<2x80xi32, #tpu.memory_space<vmem>> -> memref<1x80xi32, #tpu.memory_space<vmem>>
        %dma_wait3A_176 = tpu.memref_squeeze %dma_wait3A_175 : memref<1x80xi32, #tpu.memory_space<vmem>> -> memref<80xi32, #tpu.memory_space<vmem>>
        %dma_wait3A_177 = arith.constant 0 : i32
        %dma_wait3A_178 = tpu.memref_slice %arg5[%dma_wait3A_177] : memref<320000xi32, #tpu.memory_space<hbm>> -> memref<80xi32, #tpu.memory_space<hbm>>
        tpu.wait_dma2 semaphore(%arg13 : memref<!tpu.dma_semaphore, #tpu.memory_space<semaphore_mem>>) src(%dma_wait3A_178 : memref<80xi32, #tpu.memory_space<hbm>>) dst(%dma_wait3A_176 : memref<80xi32, #tpu.memory_space<vmem>>)
        %dma_wait3A_179 = arith.constant 0 : i32
        %dma_wait3A_180 = arith.constant 0 : i32
        %dma_wait3A_181 = arith.constant 0 : i32
        %dma_wait3A_182 = tpu.memref_slice %arg11[%dma_wait3A_179, %dma_wait3A_180, %dma_wait3A_181] : memref<2x80x128xf32, #tpu.memory_space<vmem>> -> memref<1x80x128xf32, #tpu.memory_space<vmem>>
        %dma_wait3A_183 = tpu.memref_squeeze %dma_wait3A_182 : memref<1x80x128xf32, #tpu.memory_space<vmem>> -> memref<80x128xf32, #tpu.memory_space<vmem>>
        %dma_wait3A_184 = arith.constant 0 : i32
        %dma_wait3A_185 = arith.constant 0 : i32
        %dma_wait3A_186 = tpu.memref_slice %arg4[%dma_wait3A_184, %dma_wait3A_185] : memref<160000x128xf32, #tpu.memory_space<hbm>> -> memref<80x128xf32, #tpu.memory_space<hbm>>
        %dma_wait3A_187 = arith.constant 0 : i32
        %dma_wait3A_188 = arith.constant 0 : i32
        %dma_wait3A_189 = tpu.memref_slice %arg11[%dma_wait3A_179, %dma_wait3A_187, %dma_wait3A_188] : memref<2x80x128xf32, #tpu.memory_space<vmem>> -> memref<1x80x128xf32, #tpu.memory_space<vmem>>
        %dma_wait3A_190 = tpu.memref_squeeze %dma_wait3A_189 : memref<1x80x128xf32, #tpu.memory_space<vmem>> -> memref<80x128xf32, #tpu.memory_space<vmem>>
        %dma_wait3A_191 = arith.constant 0 : i32
        %dma_wait3A_192 = arith.constant 0 : i32
        %dma_wait3A_193 = tpu.memref_slice %arg4[%dma_wait3A_191, %dma_wait3A_192] : memref<160000x128xf32, #tpu.memory_space<hbm>> -> memref<80x128xf32, #tpu.memory_space<hbm>>
        tpu.wait_dma2 semaphore(%arg13 : memref<!tpu.dma_semaphore, #tpu.memory_space<semaphore_mem>>) src(%dma_wait3A_193 : memref<80x128xf32, #tpu.memory_space<hbm>>) dst(%dma_wait3A_190 : memref<80x128xf32, #tpu.memory_space<vmem>>)
        %run_scoped3A = arith.constant 0 : i32
        %run_scoped3A_194 = arith.constant 0 : i32
        "tpu.region"() ({
          %run_scoped3A_195 = tpu.sem_alloc : memref<!tpu.dma_semaphore, #tpu.memory_space<semaphore_mem>>
          %dma_start3A_196 = arith.constant 0 : i32
          %dma_start3A_197 = arith.constant 0 : i32
          %dma_start3A_198 = tpu.memref_slice %arg11[%run_scoped3A, %dma_start3A_196, %dma_start3A_197] : memref<2x80x128xf32, #tpu.memory_space<vmem>> -> memref<1x80x128xf32, #tpu.memory_space<vmem>>
          %dma_start3A_199 = tpu.memref_squeeze %dma_start3A_198 : memref<1x80x128xf32, #tpu.memory_space<vmem>> -> memref<80x128xf32, #tpu.memory_space<vmem>>
          %dma_start3A_200 = arith.constant 0 : i32
          %dma_start3A_201 = tpu.memref_slice %arg10[%run_scoped3A_194, %dma_start3A_200] : memref<2x80xi32, #tpu.memory_space<vmem>> -> memref<1x80xi32, #tpu.memory_space<vmem>>
          %dma_start3A_202 = tpu.memref_squeeze %dma_start3A_201 : memref<1x80xi32, #tpu.memory_space<vmem>> -> memref<80xi32, #tpu.memory_space<vmem>>
          %dma_start3A_203 = arith.constant 0 : i32
          %dma_start3A_204 = arith.constant 0 : i32
          %dma_start3A_205 = tpu.memref_slice %arg12[%dma_start3A_203, %dma_start3A_204] : memref<10000x128xf32, #tpu.memory_space<vmem_shared>> -> memref<10000x128xf32, #tpu.memory_space<vmem_shared>>
          tpu.enqueue_indirect_dma source(%dma_start3A_199 : memref<80x128xf32, #tpu.memory_space<vmem>>) target(%dma_start3A_205 : memref<10000x128xf32, #tpu.memory_space<vmem_shared>>) offsets(%dma_start3A_202 : memref<80xi32, #tpu.memory_space<vmem>>) semaphore(%run_scoped3A_195 : memref<!tpu.dma_semaphore, #tpu.memory_space<semaphore_mem>>) {add = true}
          %dma_wait3A_206 = arith.constant 0 : i32
          %dma_wait3A_207 = arith.constant 0 : i32
          %dma_wait3A_208 = tpu.memref_slice %arg11[%run_scoped3A, %dma_wait3A_206, %dma_wait3A_207] : memref<2x80x128xf32, #tpu.memory_space<vmem>> -> memref<1x80x128xf32, #tpu.memory_space<vmem>>
          %dma_wait3A_209 = tpu.memref_squeeze %dma_wait3A_208 : memref<1x80x128xf32, #tpu.memory_space<vmem>> -> memref<80x128xf32, #tpu.memory_space<vmem>>
          %dma_wait3A_210 = arith.constant 0 : i32
          %dma_wait3A_211 = tpu.memref_slice %arg10[%run_scoped3A_194, %dma_wait3A_210] : memref<2x80xi32, #tpu.memory_space<vmem>> -> memref<1x80xi32, #tpu.memory_space<vmem>>
          %dma_wait3A_212 = tpu.memref_squeeze %dma_wait3A_211 : memref<1x80xi32, #tpu.memory_space<vmem>> -> memref<80xi32, #tpu.memory_space<vmem>>
          %dma_wait3A_213 = arith.constant 0 : i32
          %dma_wait3A_214 = arith.constant 0 : i32
          %dma_wait3A_215 = tpu.memref_slice %arg12[%dma_wait3A_213, %dma_wait3A_214] : memref<10000x128xf32, #tpu.memory_space<vmem_shared>> -> memref<10000x128xf32, #tpu.memory_space<vmem_shared>>
          tpu.wait_indirect_dma semaphore(%run_scoped3A_195 : memref<!tpu.dma_semaphore, #tpu.memory_space<semaphore_mem>>) src(%dma_wait3A_209 : memref<80x128xf32, #tpu.memory_space<vmem>>) dst(%dma_wait3A_215 : memref<10000x128xf32, #tpu.memory_space<vmem_shared>>)
          tpu.yield
        }) : () -> ()
      } else {
      }
      %mul3A_152 = arith.constant 2 : i32
      %mul3A_153 = arith.muli %mul3A_152, %scan3A_134 : i32
      %add3A_154 = arith.constant 1 : i32
      %add3A_155 = arith.addi %mul3A_153, %add3A_154 : i32
      %add3A_156 = arith.constant 1 : i32
      %add3A_157 = arith.addi %add3A_155, %add3A_156 : i32
      %lt3A_158 = arith.constant 125 : i32
      %lt3A_159 = arith.cmpi slt, %add3A_157, %lt3A_158 : i32
      %convert_element_type3A_160 = arith.extui %lt3A_159 : i1 to i32
      %cond3A_161 = arith.constant 0 : i32
      %cond3A_162 = arith.cmpi ne, %convert_element_type3A_160, %cond3A_161 : i32
      scf.if %cond3A_162 {
        %add3A_169 = arith.constant 1 : i32
        %add3A_170 = arith.addi %add3A_155, %add3A_169 : i32
        %mul3A_171 = arith.constant 80 : i32
        %mul3A_172 = arith.muli %add3A_170, %mul3A_171 : i32
        %add3A_173 = arith.addi %mul3A_2, %mul3A_172 : i32
        %dma_start3A_174 = arith.constant 0 : i32
        %dma_start3A_175 = arith.constant 0 : i32
        %dma_start3A_176 = tpu.memref_slice %arg10[%dma_start3A_174, %dma_start3A_175] : memref<2x80xi32, #tpu.memory_space<vmem>> -> memref<1x80xi32, #tpu.memory_space<vmem>>
        %dma_start3A_177 = tpu.memref_squeeze %dma_start3A_176 : memref<1x80xi32, #tpu.memory_space<vmem>> -> memref<80xi32, #tpu.memory_space<vmem>>
        %dma_start3A_178 = tpu.memref_slice %arg5[%add3A_173] : memref<320000xi32, #tpu.memory_space<hbm>> -> memref<80xi32, #tpu.memory_space<hbm>>
        %dma_start3A_179 = arith.constant 0 : i32
        %dma_start3A_180 = tpu.memref_slice %arg10[%dma_start3A_174, %dma_start3A_179] : memref<2x80xi32, #tpu.memory_space<vmem>> -> memref<1x80xi32, #tpu.memory_space<vmem>>
        %dma_start3A_181 = tpu.memref_squeeze %dma_start3A_180 : memref<1x80xi32, #tpu.memory_space<vmem>> -> memref<80xi32, #tpu.memory_space<vmem>>
        %dma_start3A_182 = tpu.memref_slice %arg5[%add3A_173] : memref<320000xi32, #tpu.memory_space<hbm>> -> memref<80xi32, #tpu.memory_space<hbm>>
        tpu.enqueue_dma source(%dma_start3A_182 : memref<80xi32, #tpu.memory_space<hbm>>) target(%dma_start3A_181 : memref<80xi32, #tpu.memory_space<vmem>>) target_semaphore(%arg13 : memref<!tpu.dma_semaphore, #tpu.memory_space<semaphore_mem>>)
        %mul3A_183 = arith.constant 80 : i32
        %mul3A_184 = arith.muli %add3A_170, %mul3A_183 : i32
        %add3A_185 = arith.addi %mul3A_2, %mul3A_184 : i32
        %dma_start3A_186 = arith.constant 0 : i32
        %dma_start3A_187 = arith.constant 0 : i32
        %dma_start3A_188 = arith.constant 0 : i32
        %dma_start3A_189 = tpu.memref_slice %arg11[%dma_start3A_186, %dma_start3A_187, %dma_start3A_188] : memref<2x80x128xf32, #tpu.memory_space<vmem>> -> memref<1x80x128xf32, #tpu.memory_space<vmem>>
        %dma_start3A_190 = tpu.memref_squeeze %dma_start3A_189 : memref<1x80x128xf32, #tpu.memory_space<vmem>> -> memref<80x128xf32, #tpu.memory_space<vmem>>
        %dma_start3A_191 = tpu.memref_slice %arg2[%add3A_185, %multiple_of3A] : memref<160000x256xf32, #tpu.memory_space<hbm>> -> memref<80x128xf32, #tpu.memory_space<hbm>>
        %dma_start3A_192 = arith.constant 0 : i32
        %dma_start3A_193 = arith.constant 0 : i32
        %dma_start3A_194 = tpu.memref_slice %arg11[%dma_start3A_186, %dma_start3A_192, %dma_start3A_193] : memref<2x80x128xf32, #tpu.memory_space<vmem>> -> memref<1x80x128xf32, #tpu.memory_space<vmem>>
        %dma_start3A_195 = tpu.memref_squeeze %dma_start3A_194 : memref<1x80x128xf32, #tpu.memory_space<vmem>> -> memref<80x128xf32, #tpu.memory_space<vmem>>
        %dma_start3A_196 = tpu.memref_slice %arg2[%add3A_185, %multiple_of3A] : memref<160000x256xf32, #tpu.memory_space<hbm>> -> memref<80x128xf32, #tpu.memory_space<hbm>>
        tpu.enqueue_dma source(%dma_start3A_196 : memref<80x128xf32, #tpu.memory_space<hbm>>) target(%dma_start3A_195 : memref<80x128xf32, #tpu.memory_space<vmem>>) target_semaphore(%arg13 : memref<!tpu.dma_semaphore, #tpu.memory_space<semaphore_mem>>)
      } else {
      }
      %lt3A_163 = arith.constant 125 : i32
      %lt3A_164 = arith.cmpi slt, %add3A_155, %lt3A_163 : i32
      %convert_element_type3A_165 = arith.extui %lt3A_164 : i1 to i32
      %cond3A_166 = arith.constant 0 : i32
      %cond3A_167 = arith.cmpi ne, %convert_element_type3A_165, %cond3A_166 : i32
      scf.if %cond3A_167 {
        %dma_wait3A = arith.constant 1 : i32
        %dma_wait3A_169 = arith.constant 0 : i32
        %dma_wait3A_170 = tpu.memref_slice %arg10[%dma_wait3A, %dma_wait3A_169] : memref<2x80xi32, #tpu.memory_space<vmem>> -> memref<1x80xi32, #tpu.memory_space<vmem>>
        %dma_wait3A_171 = tpu.memref_squeeze %dma_wait3A_170 : memref<1x80xi32, #tpu.memory_space<vmem>> -> memref<80xi32, #tpu.memory_space<vmem>>
        %dma_wait3A_172 = arith.constant 0 : i32
        %dma_wait3A_173 = tpu.memref_slice %arg5[%dma_wait3A_172] : memref<320000xi32, #tpu.memory_space<hbm>> -> memref<80xi32, #tpu.memory_space<hbm>>
        %dma_wait3A_174 = arith.constant 0 : i32
        %dma_wait3A_175 = tpu.memref_slice %arg10[%dma_wait3A, %dma_wait3A_174] : memref<2x80xi32, #tpu.memory_space<vmem>> -> memref<1x80xi32, #tpu.memory_space<vmem>>
        %dma_wait3A_176 = tpu.memref_squeeze %dma_wait3A_175 : memref<1x80xi32, #tpu.memory_space<vmem>> -> memref<80xi32, #tpu.memory_space<vmem>>
        %dma_wait3A_177 = arith.constant 0 : i32
        %dma_wait3A_178 = tpu.memref_slice %arg5[%dma_wait3A_177] : memref<320000xi32, #tpu.memory_space<hbm>> -> memref<80xi32, #tpu.memory_space<hbm>>
        tpu.wait_dma2 semaphore(%arg14 : memref<!tpu.dma_semaphore, #tpu.memory_space<semaphore_mem>>) src(%dma_wait3A_178 : memref<80xi32, #tpu.memory_space<hbm>>) dst(%dma_wait3A_176 : memref<80xi32, #tpu.memory_space<vmem>>)
        %dma_wait3A_179 = arith.constant 1 : i32
        %dma_wait3A_180 = arith.constant 0 : i32
        %dma_wait3A_181 = arith.constant 0 : i32
        %dma_wait3A_182 = tpu.memref_slice %arg11[%dma_wait3A_179, %dma_wait3A_180, %dma_wait3A_181] : memref<2x80x128xf32, #tpu.memory_space<vmem>> -> memref<1x80x128xf32, #tpu.memory_space<vmem>>
        %dma_wait3A_183 = tpu.memref_squeeze %dma_wait3A_182 : memref<1x80x128xf32, #tpu.memory_space<vmem>> -> memref<80x128xf32, #tpu.memory_space<vmem>>
        %dma_wait3A_184 = arith.constant 0 : i32
        %dma_wait3A_185 = arith.constant 0 : i32
        %dma_wait3A_186 = tpu.memref_slice %arg4[%dma_wait3A_184, %dma_wait3A_185] : memref<160000x128xf32, #tpu.memory_space<hbm>> -> memref<80x128xf32, #tpu.memory_space<hbm>>
        %dma_wait3A_187 = arith.constant 0 : i32
        %dma_wait3A_188 = arith.constant 0 : i32
        %dma_wait3A_189 = tpu.memref_slice %arg11[%dma_wait3A_179, %dma_wait3A_187, %dma_wait3A_188] : memref<2x80x128xf32, #tpu.memory_space<vmem>> -> memref<1x80x128xf32, #tpu.memory_space<vmem>>
        %dma_wait3A_190 = tpu.memref_squeeze %dma_wait3A_189 : memref<1x80x128xf32, #tpu.memory_space<vmem>> -> memref<80x128xf32, #tpu.memory_space<vmem>>
        %dma_wait3A_191 = arith.constant 0 : i32
        %dma_wait3A_192 = arith.constant 0 : i32
        %dma_wait3A_193 = tpu.memref_slice %arg4[%dma_wait3A_191, %dma_wait3A_192] : memref<160000x128xf32, #tpu.memory_space<hbm>> -> memref<80x128xf32, #tpu.memory_space<hbm>>
        tpu.wait_dma2 semaphore(%arg14 : memref<!tpu.dma_semaphore, #tpu.memory_space<semaphore_mem>>) src(%dma_wait3A_193 : memref<80x128xf32, #tpu.memory_space<hbm>>) dst(%dma_wait3A_190 : memref<80x128xf32, #tpu.memory_space<vmem>>)
        %run_scoped3A = arith.constant 1 : i32
        %run_scoped3A_194 = arith.constant 1 : i32
        "tpu.region"() ({
          %run_scoped3A_195 = tpu.sem_alloc : memref<!tpu.dma_semaphore, #tpu.memory_space<semaphore_mem>>
          %dma_start3A_196 = arith.constant 0 : i32
          %dma_start3A_197 = arith.constant 0 : i32
          %dma_start3A_198 = tpu.memref_slice %arg11[%run_scoped3A, %dma_start3A_196, %dma_start3A_197] : memref<2x80x128xf32, #tpu.memory_space<vmem>> -> memref<1x80x128xf32, #tpu.memory_space<vmem>>
          %dma_start3A_199 = tpu.memref_squeeze %dma_start3A_198 : memref<1x80x128xf32, #tpu.memory_space<vmem>> -> memref<80x128xf32, #tpu.memory_space<vmem>>
          %dma_start3A_200 = arith.constant 0 : i32
          %dma_start3A_201 = tpu.memref_slice %arg10[%run_scoped3A_194, %dma_start3A_200] : memref<2x80xi32, #tpu.memory_space<vmem>> -> memref<1x80xi32, #tpu.memory_space<vmem>>
          %dma_start3A_202 = tpu.memref_squeeze %dma_start3A_201 : memref<1x80xi32, #tpu.memory_space<vmem>> -> memref<80xi32, #tpu.memory_space<vmem>>
          %dma_start3A_203 = arith.constant 0 : i32
          %dma_start3A_204 = arith.constant 0 : i32
          %dma_start3A_205 = tpu.memref_slice %arg12[%dma_start3A_203, %dma_start3A_204] : memref<10000x128xf32, #tpu.memory_space<vmem_shared>> -> memref<10000x128xf32, #tpu.memory_space<vmem_shared>>
          tpu.enqueue_indirect_dma source(%dma_start3A_199 : memref<80x128xf32, #tpu.memory_space<vmem>>) target(%dma_start3A_205 : memref<10000x128xf32, #tpu.memory_space<vmem_shared>>) offsets(%dma_start3A_202 : memref<80xi32, #tpu.memory_space<vmem>>) semaphore(%run_scoped3A_195 : memref<!tpu.dma_semaphore, #tpu.memory_space<semaphore_mem>>) {add = true}
          %dma_wait3A_206 = arith.constant 0 : i32
          %dma_wait3A_207 = arith.constant 0 : i32
          %dma_wait3A_208 = tpu.memref_slice %arg11[%run_scoped3A, %dma_wait3A_206, %dma_wait3A_207] : memref<2x80x128xf32, #tpu.memory_space<vmem>> -> memref<1x80x128xf32, #tpu.memory_space<vmem>>
          %dma_wait3A_209 = tpu.memref_squeeze %dma_wait3A_208 : memref<1x80x128xf32, #tpu.memory_space<vmem>> -> memref<80x128xf32, #tpu.memory_space<vmem>>
          %dma_wait3A_210 = arith.constant 0 : i32
          %dma_wait3A_211 = tpu.memref_slice %arg10[%run_scoped3A_194, %dma_wait3A_210] : memref<2x80xi32, #tpu.memory_space<vmem>> -> memref<1x80xi32, #tpu.memory_space<vmem>>
          %dma_wait3A_212 = tpu.memref_squeeze %dma_wait3A_211 : memref<1x80xi32, #tpu.memory_space<vmem>> -> memref<80xi32, #tpu.memory_space<vmem>>
          %dma_wait3A_213 = arith.constant 0 : i32
          %dma_wait3A_214 = arith.constant 0 : i32
          %dma_wait3A_215 = tpu.memref_slice %arg12[%dma_wait3A_213, %dma_wait3A_214] : memref<10000x128xf32, #tpu.memory_space<vmem_shared>> -> memref<10000x128xf32, #tpu.memory_space<vmem_shared>>
          tpu.wait_indirect_dma semaphore(%run_scoped3A_195 : memref<!tpu.dma_semaphore, #tpu.memory_space<semaphore_mem>>) src(%dma_wait3A_209 : memref<80x128xf32, #tpu.memory_space<vmem>>) dst(%dma_wait3A_215 : memref<10000x128xf32, #tpu.memory_space<vmem_shared>>)
          tpu.yield
        }) : () -> ()
      } else {
      }
      %scan3A_168 = arith.constant 0 : i32
      scf.yield %scan3A_168 : i32
    }
    %scan3A_32 = arith.constant 63 : i32
    %barrier3A_33 = arith.constant 0 : index
    tpu.barrier barrier_id(%barrier3A_33)
    %lt3A = arith.constant 10 : i32
    %lt3A_34 = arith.cmpi slt, %arg1, %lt3A : i32
    %convert_element_type3A_35 = arith.extui %lt3A_34 : i1 to i32
    %cond3A_36 = arith.constant 0 : i32
    %cond3A_37 = arith.cmpi ne, %convert_element_type3A_35, %cond3A_36 : i32
    scf.if %cond3A_37 {
      %mul3A_134 = arith.constant 1000 : i32
      %mul3A_135 = arith.muli %arg1, %mul3A_134 : i32
      %mul3A_136 = arith.constant 1000 : i32
      %mul3A_137 = arith.muli %arg1, %mul3A_136 : i32
      "tpu.region"() ({
        %run_scoped3A = tpu.sem_alloc : memref<!tpu.dma_semaphore, #tpu.memory_space<semaphore_mem>>
        %dma_start3A_138 = tpu.memref_slice %arg7[%mul3A_137, %multiple_of3A] : memref<10000x256xf32, #tpu.memory_space<hbm>> -> memref<1000x128xf32, #tpu.memory_space<hbm>>
        %dma_start3A_139 = arith.constant 0 : i32
        %dma_start3A_140 = tpu.memref_slice %arg12[%mul3A_135, %dma_start3A_139] : memref<10000x128xf32, #tpu.memory_space<vmem_shared>> -> memref<1000x128xf32, #tpu.memory_space<vmem_shared>>
        tpu.enqueue_dma source(%dma_start3A_140 : memref<1000x128xf32, #tpu.memory_space<vmem_shared>>) target(%dma_start3A_138 : memref<1000x128xf32, #tpu.memory_space<hbm>>) target_semaphore(%run_scoped3A : memref<!tpu.dma_semaphore, #tpu.memory_space<semaphore_mem>>)
        %dma_wait3A = tpu.memref_slice %arg7[%mul3A_137, %multiple_of3A] : memref<10000x256xf32, #tpu.memory_space<hbm>> -> memref<1000x128xf32, #tpu.memory_space<hbm>>
        %dma_wait3A_141 = arith.constant 0 : i32
        %dma_wait3A_142 = tpu.memref_slice %arg12[%mul3A_135, %dma_wait3A_141] : memref<10000x128xf32, #tpu.memory_space<vmem_shared>> -> memref<1000x128xf32, #tpu.memory_space<vmem_shared>>
        tpu.wait_dma2 semaphore(%run_scoped3A : memref<!tpu.dma_semaphore, #tpu.memory_space<semaphore_mem>>) src(%dma_wait3A_142 : memref<1000x128xf32, #tpu.memory_space<vmem_shared>>) dst(%dma_wait3A : memref<1000x128xf32, #tpu.memory_space<hbm>>)
        tpu.yield
      }) : () -> ()
    } else {
    }
    %barrier3A_38 = arith.constant 0 : index
    tpu.barrier barrier_id(%barrier3A_38)
    %eq3A_39 = arith.constant 0 : i32
    %eq3A_40 = arith.cmpi eq, %arg1, %eq3A_39 : i32
    %convert_element_type3A_41 = arith.extui %eq3A_40 : i1 to i32
    %cond3A_42 = arith.constant 0 : i32
    %cond3A_43 = arith.cmpi ne, %convert_element_type3A_41, %cond3A_42 : i32
    scf.if %cond3A_43 {
      "tpu.region"() ({
        %run_scoped3A = tpu.sem_alloc : memref<!tpu.dma_semaphore, #tpu.memory_space<semaphore_mem>>
        tpu.enqueue_dma source(%arg6 : memref<10000x128xf32, #tpu.memory_space<hbm>>) target(%arg12 : memref<10000x128xf32, #tpu.memory_space<vmem_shared>>) target_semaphore(%run_scoped3A : memref<!tpu.dma_semaphore, #tpu.memory_space<semaphore_mem>>)
        tpu.wait_dma2 semaphore(%run_scoped3A : memref<!tpu.dma_semaphore, #tpu.memory_space<semaphore_mem>>) src(%arg6 : memref<10000x128xf32, #tpu.memory_space<hbm>>) dst(%arg12 : memref<10000x128xf32, #tpu.memory_space<vmem_shared>>)
        tpu.yield
      }) : () -> ()
    } else {
    }
    %barrier3A_44 = arith.constant 0 : index
    tpu.barrier barrier_id(%barrier3A_44)
    %add3A_45 = arith.constant 160000 : i32
    %add3A_46 = arith.addi %add3A_45, %mul3A_2 : i32
    %add3A_47 = arith.constant 0 : i32
    %add3A_48 = arith.addi %add3A_46, %add3A_47 : i32
    %dma_start3A_49 = arith.constant 0 : i32
    %dma_start3A_50 = arith.constant 0 : i32
    %dma_start3A_51 = tpu.memref_slice %arg10[%dma_start3A_49, %dma_start3A_50] : memref<2x80xi32, #tpu.memory_space<vmem>> -> memref<1x80xi32, #tpu.memory_space<vmem>>
    %dma_start3A_52 = tpu.memref_squeeze %dma_start3A_51 : memref<1x80xi32, #tpu.memory_space<vmem>> -> memref<80xi32, #tpu.memory_space<vmem>>
    %dma_start3A_53 = tpu.memref_slice %arg5[%add3A_48] : memref<320000xi32, #tpu.memory_space<hbm>> -> memref<80xi32, #tpu.memory_space<hbm>>
    %dma_start3A_54 = arith.constant 0 : i32
    %dma_start3A_55 = tpu.memref_slice %arg10[%dma_start3A_49, %dma_start3A_54] : memref<2x80xi32, #tpu.memory_space<vmem>> -> memref<1x80xi32, #tpu.memory_space<vmem>>
    %dma_start3A_56 = tpu.memref_squeeze %dma_start3A_55 : memref<1x80xi32, #tpu.memory_space<vmem>> -> memref<80xi32, #tpu.memory_space<vmem>>
    %dma_start3A_57 = tpu.memref_slice %arg5[%add3A_48] : memref<320000xi32, #tpu.memory_space<hbm>> -> memref<80xi32, #tpu.memory_space<hbm>>
    tpu.enqueue_dma source(%dma_start3A_57 : memref<80xi32, #tpu.memory_space<hbm>>) target(%dma_start3A_56 : memref<80xi32, #tpu.memory_space<vmem>>) target_semaphore(%arg13 : memref<!tpu.dma_semaphore, #tpu.memory_space<semaphore_mem>>)
    %add3A_58 = arith.constant 0 : i32
    %add3A_59 = arith.addi %mul3A_2, %add3A_58 : i32
    %dma_start3A_60 = arith.constant 0 : i32
    %dma_start3A_61 = arith.constant 0 : i32
    %dma_start3A_62 = arith.constant 0 : i32
    %dma_start3A_63 = tpu.memref_slice %arg11[%dma_start3A_60, %dma_start3A_61, %dma_start3A_62] : memref<2x80x128xf32, #tpu.memory_space<vmem>> -> memref<1x80x128xf32, #tpu.memory_space<vmem>>
    %dma_start3A_64 = tpu.memref_squeeze %dma_start3A_63 : memref<1x80x128xf32, #tpu.memory_space<vmem>> -> memref<80x128xf32, #tpu.memory_space<vmem>>
    %dma_start3A_65 = tpu.memref_slice %arg3[%add3A_59, %multiple_of3A] : memref<160000x256xf32, #tpu.memory_space<hbm>> -> memref<80x128xf32, #tpu.memory_space<hbm>>
    %dma_start3A_66 = arith.constant 0 : i32
    %dma_start3A_67 = arith.constant 0 : i32
    %dma_start3A_68 = tpu.memref_slice %arg11[%dma_start3A_60, %dma_start3A_66, %dma_start3A_67] : memref<2x80x128xf32, #tpu.memory_space<vmem>> -> memref<1x80x128xf32, #tpu.memory_space<vmem>>
    %dma_start3A_69 = tpu.memref_squeeze %dma_start3A_68 : memref<1x80x128xf32, #tpu.memory_space<vmem>> -> memref<80x128xf32, #tpu.memory_space<vmem>>
    %dma_start3A_70 = tpu.memref_slice %arg3[%add3A_59, %multiple_of3A] : memref<160000x256xf32, #tpu.memory_space<hbm>> -> memref<80x128xf32, #tpu.memory_space<hbm>>
    tpu.enqueue_dma source(%dma_start3A_70 : memref<80x128xf32, #tpu.memory_space<hbm>>) target(%dma_start3A_69 : memref<80x128xf32, #tpu.memory_space<vmem>>) target_semaphore(%arg13 : memref<!tpu.dma_semaphore, #tpu.memory_space<semaphore_mem>>)
    %scan3A_71 = arith.constant 0 : i32
    %scan3A_72 = arith.constant 0 : i32
    %scan3A_73 = arith.constant 63 : i32
    %scan3A_74 = arith.addi %scan3A_72, %scan3A_73 : i32
    %scan3A_75 = arith.constant 1 : i32
    %scan3A_76 = scf.for %scan3A_134 = %scan3A_72 to %scan3A_74 step %scan3A_75 iter_args(%scan3A_135 = %scan3A_71) -> (i32)  : i32 {
      %mul3A_136 = arith.constant 2 : i32
      %mul3A_137 = arith.muli %mul3A_136, %scan3A_134 : i32
      %add3A_138 = arith.constant 0 : i32
      %add3A_139 = arith.addi %mul3A_137, %add3A_138 : i32
      %add3A_140 = arith.constant 1 : i32
      %add3A_141 = arith.addi %add3A_139, %add3A_140 : i32
      %lt3A_142 = arith.constant 125 : i32
      %lt3A_143 = arith.cmpi slt, %add3A_141, %lt3A_142 : i32
      %convert_element_type3A_144 = arith.extui %lt3A_143 : i1 to i32
      %cond3A_145 = arith.constant 0 : i32
      %cond3A_146 = arith.cmpi ne, %convert_element_type3A_144, %cond3A_145 : i32
      scf.if %cond3A_146 {
        %add3A_169 = arith.constant 1 : i32
        %add3A_170 = arith.addi %add3A_139, %add3A_169 : i32
        %add3A_171 = arith.constant 160000 : i32
        %add3A_172 = arith.addi %add3A_171, %mul3A_2 : i32
        %mul3A_173 = arith.constant 80 : i32
        %mul3A_174 = arith.muli %add3A_170, %mul3A_173 : i32
        %add3A_175 = arith.addi %add3A_172, %mul3A_174 : i32
        %dma_start3A_176 = arith.constant 1 : i32
        %dma_start3A_177 = arith.constant 0 : i32
        %dma_start3A_178 = tpu.memref_slice %arg10[%dma_start3A_176, %dma_start3A_177] : memref<2x80xi32, #tpu.memory_space<vmem>> -> memref<1x80xi32, #tpu.memory_space<vmem>>
        %dma_start3A_179 = tpu.memref_squeeze %dma_start3A_178 : memref<1x80xi32, #tpu.memory_space<vmem>> -> memref<80xi32, #tpu.memory_space<vmem>>
        %dma_start3A_180 = tpu.memref_slice %arg5[%add3A_175] : memref<320000xi32, #tpu.memory_space<hbm>> -> memref<80xi32, #tpu.memory_space<hbm>>
        %dma_start3A_181 = arith.constant 0 : i32
        %dma_start3A_182 = tpu.memref_slice %arg10[%dma_start3A_176, %dma_start3A_181] : memref<2x80xi32, #tpu.memory_space<vmem>> -> memref<1x80xi32, #tpu.memory_space<vmem>>
        %dma_start3A_183 = tpu.memref_squeeze %dma_start3A_182 : memref<1x80xi32, #tpu.memory_space<vmem>> -> memref<80xi32, #tpu.memory_space<vmem>>
        %dma_start3A_184 = tpu.memref_slice %arg5[%add3A_175] : memref<320000xi32, #tpu.memory_space<hbm>> -> memref<80xi32, #tpu.memory_space<hbm>>
        tpu.enqueue_dma source(%dma_start3A_184 : memref<80xi32, #tpu.memory_space<hbm>>) target(%dma_start3A_183 : memref<80xi32, #tpu.memory_space<vmem>>) target_semaphore(%arg14 : memref<!tpu.dma_semaphore, #tpu.memory_space<semaphore_mem>>)
        %mul3A_185 = arith.constant 80 : i32
        %mul3A_186 = arith.muli %add3A_170, %mul3A_185 : i32
        %add3A_187 = arith.addi %mul3A_2, %mul3A_186 : i32
        %dma_start3A_188 = arith.constant 1 : i32
        %dma_start3A_189 = arith.constant 0 : i32
        %dma_start3A_190 = arith.constant 0 : i32
        %dma_start3A_191 = tpu.memref_slice %arg11[%dma_start3A_188, %dma_start3A_189, %dma_start3A_190] : memref<2x80x128xf32, #tpu.memory_space<vmem>> -> memref<1x80x128xf32, #tpu.memory_space<vmem>>
        %dma_start3A_192 = tpu.memref_squeeze %dma_start3A_191 : memref<1x80x128xf32, #tpu.memory_space<vmem>> -> memref<80x128xf32, #tpu.memory_space<vmem>>
        %dma_start3A_193 = tpu.memref_slice %arg3[%add3A_187, %multiple_of3A] : memref<160000x256xf32, #tpu.memory_space<hbm>> -> memref<80x128xf32, #tpu.memory_space<hbm>>
        %dma_start3A_194 = arith.constant 0 : i32
        %dma_start3A_195 = arith.constant 0 : i32
        %dma_start3A_196 = tpu.memref_slice %arg11[%dma_start3A_188, %dma_start3A_194, %dma_start3A_195] : memref<2x80x128xf32, #tpu.memory_space<vmem>> -> memref<1x80x128xf32, #tpu.memory_space<vmem>>
        %dma_start3A_197 = tpu.memref_squeeze %dma_start3A_196 : memref<1x80x128xf32, #tpu.memory_space<vmem>> -> memref<80x128xf32, #tpu.memory_space<vmem>>
        %dma_start3A_198 = tpu.memref_slice %arg3[%add3A_187, %multiple_of3A] : memref<160000x256xf32, #tpu.memory_space<hbm>> -> memref<80x128xf32, #tpu.memory_space<hbm>>
        tpu.enqueue_dma source(%dma_start3A_198 : memref<80x128xf32, #tpu.memory_space<hbm>>) target(%dma_start3A_197 : memref<80x128xf32, #tpu.memory_space<vmem>>) target_semaphore(%arg14 : memref<!tpu.dma_semaphore, #tpu.memory_space<semaphore_mem>>)
      } else {
      }
      %lt3A_147 = arith.constant 125 : i32
      %lt3A_148 = arith.cmpi slt, %add3A_139, %lt3A_147 : i32
      %convert_element_type3A_149 = arith.extui %lt3A_148 : i1 to i32
      %cond3A_150 = arith.constant 0 : i32
      %cond3A_151 = arith.cmpi ne, %convert_element_type3A_149, %cond3A_150 : i32
      scf.if %cond3A_151 {
        %dma_wait3A = arith.constant 0 : i32
        %dma_wait3A_169 = arith.constant 0 : i32
        %dma_wait3A_170 = tpu.memref_slice %arg10[%dma_wait3A, %dma_wait3A_169] : memref<2x80xi32, #tpu.memory_space<vmem>> -> memref<1x80xi32, #tpu.memory_space<vmem>>
        %dma_wait3A_171 = tpu.memref_squeeze %dma_wait3A_170 : memref<1x80xi32, #tpu.memory_space<vmem>> -> memref<80xi32, #tpu.memory_space<vmem>>
        %dma_wait3A_172 = arith.constant 0 : i32
        %dma_wait3A_173 = tpu.memref_slice %arg5[%dma_wait3A_172] : memref<320000xi32, #tpu.memory_space<hbm>> -> memref<80xi32, #tpu.memory_space<hbm>>
        %dma_wait3A_174 = arith.constant 0 : i32
        %dma_wait3A_175 = tpu.memref_slice %arg10[%dma_wait3A, %dma_wait3A_174] : memref<2x80xi32, #tpu.memory_space<vmem>> -> memref<1x80xi32, #tpu.memory_space<vmem>>
        %dma_wait3A_176 = tpu.memref_squeeze %dma_wait3A_175 : memref<1x80xi32, #tpu.memory_space<vmem>> -> memref<80xi32, #tpu.memory_space<vmem>>
        %dma_wait3A_177 = arith.constant 0 : i32
        %dma_wait3A_178 = tpu.memref_slice %arg5[%dma_wait3A_177] : memref<320000xi32, #tpu.memory_space<hbm>> -> memref<80xi32, #tpu.memory_space<hbm>>
        tpu.wait_dma2 semaphore(%arg13 : memref<!tpu.dma_semaphore, #tpu.memory_space<semaphore_mem>>) src(%dma_wait3A_178 : memref<80xi32, #tpu.memory_space<hbm>>) dst(%dma_wait3A_176 : memref<80xi32, #tpu.memory_space<vmem>>)
        %dma_wait3A_179 = arith.constant 0 : i32
        %dma_wait3A_180 = arith.constant 0 : i32
        %dma_wait3A_181 = arith.constant 0 : i32
        %dma_wait3A_182 = tpu.memref_slice %arg11[%dma_wait3A_179, %dma_wait3A_180, %dma_wait3A_181] : memref<2x80x128xf32, #tpu.memory_space<vmem>> -> memref<1x80x128xf32, #tpu.memory_space<vmem>>
        %dma_wait3A_183 = tpu.memref_squeeze %dma_wait3A_182 : memref<1x80x128xf32, #tpu.memory_space<vmem>> -> memref<80x128xf32, #tpu.memory_space<vmem>>
        %dma_wait3A_184 = arith.constant 0 : i32
        %dma_wait3A_185 = arith.constant 0 : i32
        %dma_wait3A_186 = tpu.memref_slice %arg4[%dma_wait3A_184, %dma_wait3A_185] : memref<160000x128xf32, #tpu.memory_space<hbm>> -> memref<80x128xf32, #tpu.memory_space<hbm>>
        %dma_wait3A_187 = arith.constant 0 : i32
        %dma_wait3A_188 = arith.constant 0 : i32
        %dma_wait3A_189 = tpu.memref_slice %arg11[%dma_wait3A_179, %dma_wait3A_187, %dma_wait3A_188] : memref<2x80x128xf32, #tpu.memory_space<vmem>> -> memref<1x80x128xf32, #tpu.memory_space<vmem>>
        %dma_wait3A_190 = tpu.memref_squeeze %dma_wait3A_189 : memref<1x80x128xf32, #tpu.memory_space<vmem>> -> memref<80x128xf32, #tpu.memory_space<vmem>>
        %dma_wait3A_191 = arith.constant 0 : i32
        %dma_wait3A_192 = arith.constant 0 : i32
        %dma_wait3A_193 = tpu.memref_slice %arg4[%dma_wait3A_191, %dma_wait3A_192] : memref<160000x128xf32, #tpu.memory_space<hbm>> -> memref<80x128xf32, #tpu.memory_space<hbm>>
        tpu.wait_dma2 semaphore(%arg13 : memref<!tpu.dma_semaphore, #tpu.memory_space<semaphore_mem>>) src(%dma_wait3A_193 : memref<80x128xf32, #tpu.memory_space<hbm>>) dst(%dma_wait3A_190 : memref<80x128xf32, #tpu.memory_space<vmem>>)
        %run_scoped3A = arith.constant 0 : i32
        %run_scoped3A_194 = arith.constant 0 : i32
        "tpu.region"() ({
          %run_scoped3A_195 = tpu.sem_alloc : memref<!tpu.dma_semaphore, #tpu.memory_space<semaphore_mem>>
          %dma_start3A_196 = arith.constant 0 : i32
          %dma_start3A_197 = arith.constant 0 : i32
          %dma_start3A_198 = tpu.memref_slice %arg11[%run_scoped3A, %dma_start3A_196, %dma_start3A_197] : memref<2x80x128xf32, #tpu.memory_space<vmem>> -> memref<1x80x128xf32, #tpu.memory_space<vmem>>
          %dma_start3A_199 = tpu.memref_squeeze %dma_start3A_198 : memref<1x80x128xf32, #tpu.memory_space<vmem>> -> memref<80x128xf32, #tpu.memory_space<vmem>>
          %dma_start3A_200 = arith.constant 0 : i32
          %dma_start3A_201 = tpu.memref_slice %arg10[%run_scoped3A_194, %dma_start3A_200] : memref<2x80xi32, #tpu.memory_space<vmem>> -> memref<1x80xi32, #tpu.memory_space<vmem>>
          %dma_start3A_202 = tpu.memref_squeeze %dma_start3A_201 : memref<1x80xi32, #tpu.memory_space<vmem>> -> memref<80xi32, #tpu.memory_space<vmem>>
          %dma_start3A_203 = arith.constant 0 : i32
          %dma_start3A_204 = arith.constant 0 : i32
          %dma_start3A_205 = tpu.memref_slice %arg12[%dma_start3A_203, %dma_start3A_204] : memref<10000x128xf32, #tpu.memory_space<vmem_shared>> -> memref<10000x128xf32, #tpu.memory_space<vmem_shared>>
          tpu.enqueue_indirect_dma source(%dma_start3A_199 : memref<80x128xf32, #tpu.memory_space<vmem>>) target(%dma_start3A_205 : memref<10000x128xf32, #tpu.memory_space<vmem_shared>>) offsets(%dma_start3A_202 : memref<80xi32, #tpu.memory_space<vmem>>) semaphore(%run_scoped3A_195 : memref<!tpu.dma_semaphore, #tpu.memory_space<semaphore_mem>>) {add = true}
          %dma_wait3A_206 = arith.constant 0 : i32
          %dma_wait3A_207 = arith.constant 0 : i32
          %dma_wait3A_208 = tpu.memref_slice %arg11[%run_scoped3A, %dma_wait3A_206, %dma_wait3A_207] : memref<2x80x128xf32, #tpu.memory_space<vmem>> -> memref<1x80x128xf32, #tpu.memory_space<vmem>>
          %dma_wait3A_209 = tpu.memref_squeeze %dma_wait3A_208 : memref<1x80x128xf32, #tpu.memory_space<vmem>> -> memref<80x128xf32, #tpu.memory_space<vmem>>
          %dma_wait3A_210 = arith.constant 0 : i32
          %dma_wait3A_211 = tpu.memref_slice %arg10[%run_scoped3A_194, %dma_wait3A_210] : memref<2x80xi32, #tpu.memory_space<vmem>> -> memref<1x80xi32, #tpu.memory_space<vmem>>
          %dma_wait3A_212 = tpu.memref_squeeze %dma_wait3A_211 : memref<1x80xi32, #tpu.memory_space<vmem>> -> memref<80xi32, #tpu.memory_space<vmem>>
          %dma_wait3A_213 = arith.constant 0 : i32
          %dma_wait3A_214 = arith.constant 0 : i32
          %dma_wait3A_215 = tpu.memref_slice %arg12[%dma_wait3A_213, %dma_wait3A_214] : memref<10000x128xf32, #tpu.memory_space<vmem_shared>> -> memref<10000x128xf32, #tpu.memory_space<vmem_shared>>
          tpu.wait_indirect_dma semaphore(%run_scoped3A_195 : memref<!tpu.dma_semaphore, #tpu.memory_space<semaphore_mem>>) src(%dma_wait3A_209 : memref<80x128xf32, #tpu.memory_space<vmem>>) dst(%dma_wait3A_215 : memref<10000x128xf32, #tpu.memory_space<vmem_shared>>)
          tpu.yield
        }) : () -> ()
      } else {
      }
      %mul3A_152 = arith.constant 2 : i32
      %mul3A_153 = arith.muli %mul3A_152, %scan3A_134 : i32
      %add3A_154 = arith.constant 1 : i32
      %add3A_155 = arith.addi %mul3A_153, %add3A_154 : i32
      %add3A_156 = arith.constant 1 : i32
      %add3A_157 = arith.addi %add3A_155, %add3A_156 : i32
      %lt3A_158 = arith.constant 125 : i32
      %lt3A_159 = arith.cmpi slt, %add3A_157, %lt3A_158 : i32
      %convert_element_type3A_160 = arith.extui %lt3A_159 : i1 to i32
      %cond3A_161 = arith.constant 0 : i32
      %cond3A_162 = arith.cmpi ne, %convert_element_type3A_160, %cond3A_161 : i32
      scf.if %cond3A_162 {
        %add3A_169 = arith.constant 1 : i32
        %add3A_170 = arith.addi %add3A_155, %add3A_169 : i32
        %add3A_171 = arith.constant 160000 : i32
        %add3A_172 = arith.addi %add3A_171, %mul3A_2 : i32
        %mul3A_173 = arith.constant 80 : i32
        %mul3A_174 = arith.muli %add3A_170, %mul3A_173 : i32
        %add3A_175 = arith.addi %add3A_172, %mul3A_174 : i32
        %dma_start3A_176 = arith.constant 0 : i32
        %dma_start3A_177 = arith.constant 0 : i32
        %dma_start3A_178 = tpu.memref_slice %arg10[%dma_start3A_176, %dma_start3A_177] : memref<2x80xi32, #tpu.memory_space<vmem>> -> memref<1x80xi32, #tpu.memory_space<vmem>>
        %dma_start3A_179 = tpu.memref_squeeze %dma_start3A_178 : memref<1x80xi32, #tpu.memory_space<vmem>> -> memref<80xi32, #tpu.memory_space<vmem>>
        %dma_start3A_180 = tpu.memref_slice %arg5[%add3A_175] : memref<320000xi32, #tpu.memory_space<hbm>> -> memref<80xi32, #tpu.memory_space<hbm>>
        %dma_start3A_181 = arith.constant 0 : i32
        %dma_start3A_182 = tpu.memref_slice %arg10[%dma_start3A_176, %dma_start3A_181] : memref<2x80xi32, #tpu.memory_space<vmem>> -> memref<1x80xi32, #tpu.memory_space<vmem>>
        %dma_start3A_183 = tpu.memref_squeeze %dma_start3A_182 : memref<1x80xi32, #tpu.memory_space<vmem>> -> memref<80xi32, #tpu.memory_space<vmem>>
        %dma_start3A_184 = tpu.memref_slice %arg5[%add3A_175] : memref<320000xi32, #tpu.memory_space<hbm>> -> memref<80xi32, #tpu.memory_space<hbm>>
        tpu.enqueue_dma source(%dma_start3A_184 : memref<80xi32, #tpu.memory_space<hbm>>) target(%dma_start3A_183 : memref<80xi32, #tpu.memory_space<vmem>>) target_semaphore(%arg13 : memref<!tpu.dma_semaphore, #tpu.memory_space<semaphore_mem>>)
        %mul3A_185 = arith.constant 80 : i32
        %mul3A_186 = arith.muli %add3A_170, %mul3A_185 : i32
        %add3A_187 = arith.addi %mul3A_2, %mul3A_186 : i32
        %dma_start3A_188 = arith.constant 0 : i32
        %dma_start3A_189 = arith.constant 0 : i32
        %dma_start3A_190 = arith.constant 0 : i32
        %dma_start3A_191 = tpu.memref_slice %arg11[%dma_start3A_188, %dma_start3A_189, %dma_start3A_190] : memref<2x80x128xf32, #tpu.memory_space<vmem>> -> memref<1x80x128xf32, #tpu.memory_space<vmem>>
        %dma_start3A_192 = tpu.memref_squeeze %dma_start3A_191 : memref<1x80x128xf32, #tpu.memory_space<vmem>> -> memref<80x128xf32, #tpu.memory_space<vmem>>
        %dma_start3A_193 = tpu.memref_slice %arg3[%add3A_187, %multiple_of3A] : memref<160000x256xf32, #tpu.memory_space<hbm>> -> memref<80x128xf32, #tpu.memory_space<hbm>>
        %dma_start3A_194 = arith.constant 0 : i32
        %dma_start3A_195 = arith.constant 0 : i32
        %dma_start3A_196 = tpu.memref_slice %arg11[%dma_start3A_188, %dma_start3A_194, %dma_start3A_195] : memref<2x80x128xf32, #tpu.memory_space<vmem>> -> memref<1x80x128xf32, #tpu.memory_space<vmem>>
        %dma_start3A_197 = tpu.memref_squeeze %dma_start3A_196 : memref<1x80x128xf32, #tpu.memory_space<vmem>> -> memref<80x128xf32, #tpu.memory_space<vmem>>
        %dma_start3A_198 = tpu.memref_slice %arg3[%add3A_187, %multiple_of3A] : memref<160000x256xf32, #tpu.memory_space<hbm>> -> memref<80x128xf32, #tpu.memory_space<hbm>>
        tpu.enqueue_dma source(%dma_start3A_198 : memref<80x128xf32, #tpu.memory_space<hbm>>) target(%dma_start3A_197 : memref<80x128xf32, #tpu.memory_space<vmem>>) target_semaphore(%arg13 : memref<!tpu.dma_semaphore, #tpu.memory_space<semaphore_mem>>)
      } else {
      }
      %lt3A_163 = arith.constant 125 : i32
      %lt3A_164 = arith.cmpi slt, %add3A_155, %lt3A_163 : i32
      %convert_element_type3A_165 = arith.extui %lt3A_164 : i1 to i32
      %cond3A_166 = arith.constant 0 : i32
      %cond3A_167 = arith.cmpi ne, %convert_element_type3A_165, %cond3A_166 : i32
      scf.if %cond3A_167 {
        %dma_wait3A = arith.constant 1 : i32
        %dma_wait3A_169 = arith.constant 0 : i32
        %dma_wait3A_170 = tpu.memref_slice %arg10[%dma_wait3A, %dma_wait3A_169] : memref<2x80xi32, #tpu.memory_space<vmem>> -> memref<1x80xi32, #tpu.memory_space<vmem>>
        %dma_wait3A_171 = tpu.memref_squeeze %dma_wait3A_170 : memref<1x80xi32, #tpu.memory_space<vmem>> -> memref<80xi32, #tpu.memory_space<vmem>>
        %dma_wait3A_172 = arith.constant 0 : i32
        %dma_wait3A_173 = tpu.memref_slice %arg5[%dma_wait3A_172] : memref<320000xi32, #tpu.memory_space<hbm>> -> memref<80xi32, #tpu.memory_space<hbm>>
        %dma_wait3A_174 = arith.constant 0 : i32
        %dma_wait3A_175 = tpu.memref_slice %arg10[%dma_wait3A, %dma_wait3A_174] : memref<2x80xi32, #tpu.memory_space<vmem>> -> memref<1x80xi32, #tpu.memory_space<vmem>>
        %dma_wait3A_176 = tpu.memref_squeeze %dma_wait3A_175 : memref<1x80xi32, #tpu.memory_space<vmem>> -> memref<80xi32, #tpu.memory_space<vmem>>
        %dma_wait3A_177 = arith.constant 0 : i32
        %dma_wait3A_178 = tpu.memref_slice %arg5[%dma_wait3A_177] : memref<320000xi32, #tpu.memory_space<hbm>> -> memref<80xi32, #tpu.memory_space<hbm>>
        tpu.wait_dma2 semaphore(%arg14 : memref<!tpu.dma_semaphore, #tpu.memory_space<semaphore_mem>>) src(%dma_wait3A_178 : memref<80xi32, #tpu.memory_space<hbm>>) dst(%dma_wait3A_176 : memref<80xi32, #tpu.memory_space<vmem>>)
        %dma_wait3A_179 = arith.constant 1 : i32
        %dma_wait3A_180 = arith.constant 0 : i32
        %dma_wait3A_181 = arith.constant 0 : i32
        %dma_wait3A_182 = tpu.memref_slice %arg11[%dma_wait3A_179, %dma_wait3A_180, %dma_wait3A_181] : memref<2x80x128xf32, #tpu.memory_space<vmem>> -> memref<1x80x128xf32, #tpu.memory_space<vmem>>
        %dma_wait3A_183 = tpu.memref_squeeze %dma_wait3A_182 : memref<1x80x128xf32, #tpu.memory_space<vmem>> -> memref<80x128xf32, #tpu.memory_space<vmem>>
        %dma_wait3A_184 = arith.constant 0 : i32
        %dma_wait3A_185 = arith.constant 0 : i32
        %dma_wait3A_186 = tpu.memref_slice %arg4[%dma_wait3A_184, %dma_wait3A_185] : memref<160000x128xf32, #tpu.memory_space<hbm>> -> memref<80x128xf32, #tpu.memory_space<hbm>>
        %dma_wait3A_187 = arith.constant 0 : i32
        %dma_wait3A_188 = arith.constant 0 : i32
        %dma_wait3A_189 = tpu.memref_slice %arg11[%dma_wait3A_179, %dma_wait3A_187, %dma_wait3A_188] : memref<2x80x128xf32, #tpu.memory_space<vmem>> -> memref<1x80x128xf32, #tpu.memory_space<vmem>>
        %dma_wait3A_190 = tpu.memref_squeeze %dma_wait3A_189 : memref<1x80x128xf32, #tpu.memory_space<vmem>> -> memref<80x128xf32, #tpu.memory_space<vmem>>
        %dma_wait3A_191 = arith.constant 0 : i32
        %dma_wait3A_192 = arith.constant 0 : i32
        %dma_wait3A_193 = tpu.memref_slice %arg4[%dma_wait3A_191, %dma_wait3A_192] : memref<160000x128xf32, #tpu.memory_space<hbm>> -> memref<80x128xf32, #tpu.memory_space<hbm>>
        tpu.wait_dma2 semaphore(%arg14 : memref<!tpu.dma_semaphore, #tpu.memory_space<semaphore_mem>>) src(%dma_wait3A_193 : memref<80x128xf32, #tpu.memory_space<hbm>>) dst(%dma_wait3A_190 : memref<80x128xf32, #tpu.memory_space<vmem>>)
        %run_scoped3A = arith.constant 1 : i32
        %run_scoped3A_194 = arith.constant 1 : i32
        "tpu.region"() ({
          %run_scoped3A_195 = tpu.sem_alloc : memref<!tpu.dma_semaphore, #tpu.memory_space<semaphore_mem>>
          %dma_start3A_196 = arith.constant 0 : i32
          %dma_start3A_197 = arith.constant 0 : i32
          %dma_start3A_198 = tpu.memref_slice %arg11[%run_scoped3A, %dma_start3A_196, %dma_start3A_197] : memref<2x80x128xf32, #tpu.memory_space<vmem>> -> memref<1x80x128xf32, #tpu.memory_space<vmem>>
          %dma_start3A_199 = tpu.memref_squeeze %dma_start3A_198 : memref<1x80x128xf32, #tpu.memory_space<vmem>> -> memref<80x128xf32, #tpu.memory_space<vmem>>
          %dma_start3A_200 = arith.constant 0 : i32
          %dma_start3A_201 = tpu.memref_slice %arg10[%run_scoped3A_194, %dma_start3A_200] : memref<2x80xi32, #tpu.memory_space<vmem>> -> memref<1x80xi32, #tpu.memory_space<vmem>>
          %dma_start3A_202 = tpu.memref_squeeze %dma_start3A_201 : memref<1x80xi32, #tpu.memory_space<vmem>> -> memref<80xi32, #tpu.memory_space<vmem>>
          %dma_start3A_203 = arith.constant 0 : i32
          %dma_start3A_204 = arith.constant 0 : i32
          %dma_start3A_205 = tpu.memref_slice %arg12[%dma_start3A_203, %dma_start3A_204] : memref<10000x128xf32, #tpu.memory_space<vmem_shared>> -> memref<10000x128xf32, #tpu.memory_space<vmem_shared>>
          tpu.enqueue_indirect_dma source(%dma_start3A_199 : memref<80x128xf32, #tpu.memory_space<vmem>>) target(%dma_start3A_205 : memref<10000x128xf32, #tpu.memory_space<vmem_shared>>) offsets(%dma_start3A_202 : memref<80xi32, #tpu.memory_space<vmem>>) semaphore(%run_scoped3A_195 : memref<!tpu.dma_semaphore, #tpu.memory_space<semaphore_mem>>) {add = true}
          %dma_wait3A_206 = arith.constant 0 : i32
          %dma_wait3A_207 = arith.constant 0 : i32
          %dma_wait3A_208 = tpu.memref_slice %arg11[%run_scoped3A, %dma_wait3A_206, %dma_wait3A_207] : memref<2x80x128xf32, #tpu.memory_space<vmem>> -> memref<1x80x128xf32, #tpu.memory_space<vmem>>
          %dma_wait3A_209 = tpu.memref_squeeze %dma_wait3A_208 : memref<1x80x128xf32, #tpu.memory_space<vmem>> -> memref<80x128xf32, #tpu.memory_space<vmem>>
          %dma_wait3A_210 = arith.constant 0 : i32
          %dma_wait3A_211 = tpu.memref_slice %arg10[%run_scoped3A_194, %dma_wait3A_210] : memref<2x80xi32, #tpu.memory_space<vmem>> -> memref<1x80xi32, #tpu.memory_space<vmem>>
          %dma_wait3A_212 = tpu.memref_squeeze %dma_wait3A_211 : memref<1x80xi32, #tpu.memory_space<vmem>> -> memref<80xi32, #tpu.memory_space<vmem>>
          %dma_wait3A_213 = arith.constant 0 : i32
          %dma_wait3A_214 = arith.constant 0 : i32
          %dma_wait3A_215 = tpu.memref_slice %arg12[%dma_wait3A_213, %dma_wait3A_214] : memref<10000x128xf32, #tpu.memory_space<vmem_shared>> -> memref<10000x128xf32, #tpu.memory_space<vmem_shared>>
          tpu.wait_indirect_dma semaphore(%run_scoped3A_195 : memref<!tpu.dma_semaphore, #tpu.memory_space<semaphore_mem>>) src(%dma_wait3A_209 : memref<80x128xf32, #tpu.memory_space<vmem>>) dst(%dma_wait3A_215 : memref<10000x128xf32, #tpu.memory_space<vmem_shared>>)
          tpu.yield
        }) : () -> ()
      } else {
      }
      %scan3A_168 = arith.constant 0 : i32
      scf.yield %scan3A_168 : i32
    }
    %scan3A_77 = arith.constant 63 : i32
    %barrier3A_78 = arith.constant 0 : index
    tpu.barrier barrier_id(%barrier3A_78)
    %lt3A_79 = arith.constant 10 : i32
    %lt3A_80 = arith.cmpi slt, %arg1, %lt3A_79 : i32
    %convert_element_type3A_81 = arith.extui %lt3A_80 : i1 to i32
    %cond3A_82 = arith.constant 0 : i32
    %cond3A_83 = arith.cmpi ne, %convert_element_type3A_81, %cond3A_82 : i32
    scf.if %cond3A_83 {
      %mul3A_134 = arith.constant 1000 : i32
      %mul3A_135 = arith.muli %arg1, %mul3A_134 : i32
      %mul3A_136 = arith.constant 1000 : i32
      %mul3A_137 = arith.muli %arg1, %mul3A_136 : i32
      "tpu.region"() ({
        %run_scoped3A = tpu.sem_alloc : memref<!tpu.dma_semaphore, #tpu.memory_space<semaphore_mem>>
        %dma_start3A_138 = tpu.memref_slice %arg8[%mul3A_137, %multiple_of3A] : memref<10000x256xf32, #tpu.memory_space<hbm>> -> memref<1000x128xf32, #tpu.memory_space<hbm>>
        %dma_start3A_139 = arith.constant 0 : i32
        %dma_start3A_140 = tpu.memref_slice %arg12[%mul3A_135, %dma_start3A_139] : memref<10000x128xf32, #tpu.memory_space<vmem_shared>> -> memref<1000x128xf32, #tpu.memory_space<vmem_shared>>
        tpu.enqueue_dma source(%dma_start3A_140 : memref<1000x128xf32, #tpu.memory_space<vmem_shared>>) target(%dma_start3A_138 : memref<1000x128xf32, #tpu.memory_space<hbm>>) target_semaphore(%run_scoped3A : memref<!tpu.dma_semaphore, #tpu.memory_space<semaphore_mem>>)
        %dma_wait3A = tpu.memref_slice %arg8[%mul3A_137, %multiple_of3A] : memref<10000x256xf32, #tpu.memory_space<hbm>> -> memref<1000x128xf32, #tpu.memory_space<hbm>>
        %dma_wait3A_141 = arith.constant 0 : i32
        %dma_wait3A_142 = tpu.memref_slice %arg12[%mul3A_135, %dma_wait3A_141] : memref<10000x128xf32, #tpu.memory_space<vmem_shared>> -> memref<1000x128xf32, #tpu.memory_space<vmem_shared>>
        tpu.wait_dma2 semaphore(%run_scoped3A : memref<!tpu.dma_semaphore, #tpu.memory_space<semaphore_mem>>) src(%dma_wait3A_142 : memref<1000x128xf32, #tpu.memory_space<vmem_shared>>) dst(%dma_wait3A : memref<1000x128xf32, #tpu.memory_space<hbm>>)
        tpu.yield
      }) : () -> ()
    } else {
    }
    %barrier3A_84 = arith.constant 0 : index
    tpu.barrier barrier_id(%barrier3A_84)
    %eq3A_85 = arith.constant 0 : i32
    %eq3A_86 = arith.cmpi eq, %arg1, %eq3A_85 : i32
    %convert_element_type3A_87 = arith.extui %eq3A_86 : i1 to i32
    %cond3A_88 = arith.constant 0 : i32
    %cond3A_89 = arith.cmpi ne, %convert_element_type3A_87, %cond3A_88 : i32
    scf.if %cond3A_89 {
      "tpu.region"() ({
        %run_scoped3A = tpu.sem_alloc : memref<!tpu.dma_semaphore, #tpu.memory_space<semaphore_mem>>
        tpu.enqueue_dma source(%arg6 : memref<10000x128xf32, #tpu.memory_space<hbm>>) target(%arg12 : memref<10000x128xf32, #tpu.memory_space<vmem_shared>>) target_semaphore(%run_scoped3A : memref<!tpu.dma_semaphore, #tpu.memory_space<semaphore_mem>>)
        tpu.wait_dma2 semaphore(%run_scoped3A : memref<!tpu.dma_semaphore, #tpu.memory_space<semaphore_mem>>) src(%arg6 : memref<10000x128xf32, #tpu.memory_space<hbm>>) dst(%arg12 : memref<10000x128xf32, #tpu.memory_space<vmem_shared>>)
        tpu.yield
      }) : () -> ()
    } else {
    }
    %barrier3A_90 = arith.constant 0 : index
    tpu.barrier barrier_id(%barrier3A_90)
    %mul3A_91 = arith.constant 160000 : i32
    %mul3A_92 = arith.muli %arg0, %mul3A_91 : i32
    %add3A_93 = arith.addi %mul3A_92, %mul3A_2 : i32
    %add3A_94 = arith.constant 0 : i32
    %add3A_95 = arith.addi %add3A_93, %add3A_94 : i32
    %dma_start3A_96 = arith.constant 0 : i32
    %dma_start3A_97 = arith.constant 0 : i32
    %dma_start3A_98 = tpu.memref_slice %arg10[%dma_start3A_96, %dma_start3A_97] : memref<2x80xi32, #tpu.memory_space<vmem>> -> memref<1x80xi32, #tpu.memory_space<vmem>>
    %dma_start3A_99 = tpu.memref_squeeze %dma_start3A_98 : memref<1x80xi32, #tpu.memory_space<vmem>> -> memref<80xi32, #tpu.memory_space<vmem>>
    %dma_start3A_100 = tpu.memref_slice %arg5[%add3A_95] : memref<320000xi32, #tpu.memory_space<hbm>> -> memref<80xi32, #tpu.memory_space<hbm>>
    %dma_start3A_101 = arith.constant 0 : i32
    %dma_start3A_102 = tpu.memref_slice %arg10[%dma_start3A_96, %dma_start3A_101] : memref<2x80xi32, #tpu.memory_space<vmem>> -> memref<1x80xi32, #tpu.memory_space<vmem>>
    %dma_start3A_103 = tpu.memref_squeeze %dma_start3A_102 : memref<1x80xi32, #tpu.memory_space<vmem>> -> memref<80xi32, #tpu.memory_space<vmem>>
    %dma_start3A_104 = tpu.memref_slice %arg5[%add3A_95] : memref<320000xi32, #tpu.memory_space<hbm>> -> memref<80xi32, #tpu.memory_space<hbm>>
    tpu.enqueue_dma source(%dma_start3A_104 : memref<80xi32, #tpu.memory_space<hbm>>) target(%dma_start3A_103 : memref<80xi32, #tpu.memory_space<vmem>>) target_semaphore(%arg13 : memref<!tpu.dma_semaphore, #tpu.memory_space<semaphore_mem>>)
    %add3A_105 = arith.constant 0 : i32
    %add3A_106 = arith.addi %mul3A_2, %add3A_105 : i32
    %dma_start3A_107 = arith.constant 0 : i32
    %dma_start3A_108 = arith.constant 0 : i32
    %dma_start3A_109 = arith.constant 0 : i32
    %dma_start3A_110 = tpu.memref_slice %arg11[%dma_start3A_107, %dma_start3A_108, %dma_start3A_109] : memref<2x80x128xf32, #tpu.memory_space<vmem>> -> memref<1x80x128xf32, #tpu.memory_space<vmem>>
    %dma_start3A_111 = tpu.memref_squeeze %dma_start3A_110 : memref<1x80x128xf32, #tpu.memory_space<vmem>> -> memref<80x128xf32, #tpu.memory_space<vmem>>
    %dma_start3A_112 = arith.constant 0 : i32
    %dma_start3A_113 = tpu.memref_slice %arg4[%add3A_106, %dma_start3A_112] : memref<160000x128xf32, #tpu.memory_space<hbm>> -> memref<80x128xf32, #tpu.memory_space<hbm>>
    %dma_start3A_114 = arith.constant 0 : i32
    %dma_start3A_115 = arith.constant 0 : i32
    %dma_start3A_116 = tpu.memref_slice %arg11[%dma_start3A_107, %dma_start3A_114, %dma_start3A_115] : memref<2x80x128xf32, #tpu.memory_space<vmem>> -> memref<1x80x128xf32, #tpu.memory_space<vmem>>
    %dma_start3A_117 = tpu.memref_squeeze %dma_start3A_116 : memref<1x80x128xf32, #tpu.memory_space<vmem>> -> memref<80x128xf32, #tpu.memory_space<vmem>>
    %dma_start3A_118 = arith.constant 0 : i32
    %dma_start3A_119 = tpu.memref_slice %arg4[%add3A_106, %dma_start3A_118] : memref<160000x128xf32, #tpu.memory_space<hbm>> -> memref<80x128xf32, #tpu.memory_space<hbm>>
    tpu.enqueue_dma source(%dma_start3A_119 : memref<80x128xf32, #tpu.memory_space<hbm>>) target(%dma_start3A_117 : memref<80x128xf32, #tpu.memory_space<vmem>>) target_semaphore(%arg13 : memref<!tpu.dma_semaphore, #tpu.memory_space<semaphore_mem>>)
    %scan3A_120 = arith.constant 0 : i32
    %scan3A_121 = arith.constant 0 : i32
    %scan3A_122 = arith.constant 63 : i32
    %scan3A_123 = arith.addi %scan3A_121, %scan3A_122 : i32
    %scan3A_124 = arith.constant 1 : i32
    %scan3A_125 = scf.for %scan3A_134 = %scan3A_121 to %scan3A_123 step %scan3A_124 iter_args(%scan3A_135 = %scan3A_120) -> (i32)  : i32 {
      %mul3A_136 = arith.constant 2 : i32
      %mul3A_137 = arith.muli %mul3A_136, %scan3A_134 : i32
      %add3A_138 = arith.constant 0 : i32
      %add3A_139 = arith.addi %mul3A_137, %add3A_138 : i32
      %add3A_140 = arith.constant 1 : i32
      %add3A_141 = arith.addi %add3A_139, %add3A_140 : i32
      %lt3A_142 = arith.constant 125 : i32
      %lt3A_143 = arith.cmpi slt, %add3A_141, %lt3A_142 : i32
      %convert_element_type3A_144 = arith.extui %lt3A_143 : i1 to i32
      %cond3A_145 = arith.constant 0 : i32
      %cond3A_146 = arith.cmpi ne, %convert_element_type3A_144, %cond3A_145 : i32
      scf.if %cond3A_146 {
        %add3A_169 = arith.constant 1 : i32
        %add3A_170 = arith.addi %add3A_139, %add3A_169 : i32
        %mul3A_171 = arith.constant 160000 : i32
        %mul3A_172 = arith.muli %arg0, %mul3A_171 : i32
        %add3A_173 = arith.addi %mul3A_172, %mul3A_2 : i32
        %mul3A_174 = arith.constant 80 : i32
        %mul3A_175 = arith.muli %add3A_170, %mul3A_174 : i32
        %add3A_176 = arith.addi %add3A_173, %mul3A_175 : i32
        %dma_start3A_177 = arith.constant 1 : i32
        %dma_start3A_178 = arith.constant 0 : i32
        %dma_start3A_179 = tpu.memref_slice %arg10[%dma_start3A_177, %dma_start3A_178] : memref<2x80xi32, #tpu.memory_space<vmem>> -> memref<1x80xi32, #tpu.memory_space<vmem>>
        %dma_start3A_180 = tpu.memref_squeeze %dma_start3A_179 : memref<1x80xi32, #tpu.memory_space<vmem>> -> memref<80xi32, #tpu.memory_space<vmem>>
        %dma_start3A_181 = tpu.memref_slice %arg5[%add3A_176] : memref<320000xi32, #tpu.memory_space<hbm>> -> memref<80xi32, #tpu.memory_space<hbm>>
        %dma_start3A_182 = arith.constant 0 : i32
        %dma_start3A_183 = tpu.memref_slice %arg10[%dma_start3A_177, %dma_start3A_182] : memref<2x80xi32, #tpu.memory_space<vmem>> -> memref<1x80xi32, #tpu.memory_space<vmem>>
        %dma_start3A_184 = tpu.memref_squeeze %dma_start3A_183 : memref<1x80xi32, #tpu.memory_space<vmem>> -> memref<80xi32, #tpu.memory_space<vmem>>
        %dma_start3A_185 = tpu.memref_slice %arg5[%add3A_176] : memref<320000xi32, #tpu.memory_space<hbm>> -> memref<80xi32, #tpu.memory_space<hbm>>
        tpu.enqueue_dma source(%dma_start3A_185 : memref<80xi32, #tpu.memory_space<hbm>>) target(%dma_start3A_184 : memref<80xi32, #tpu.memory_space<vmem>>) target_semaphore(%arg14 : memref<!tpu.dma_semaphore, #tpu.memory_space<semaphore_mem>>)
        %mul3A_186 = arith.constant 80 : i32
        %mul3A_187 = arith.muli %add3A_170, %mul3A_186 : i32
        %add3A_188 = arith.addi %mul3A_2, %mul3A_187 : i32
        %dma_start3A_189 = arith.constant 1 : i32
        %dma_start3A_190 = arith.constant 0 : i32
        %dma_start3A_191 = arith.constant 0 : i32
        %dma_start3A_192 = tpu.memref_slice %arg11[%dma_start3A_189, %dma_start3A_190, %dma_start3A_191] : memref<2x80x128xf32, #tpu.memory_space<vmem>> -> memref<1x80x128xf32, #tpu.memory_space<vmem>>
        %dma_start3A_193 = tpu.memref_squeeze %dma_start3A_192 : memref<1x80x128xf32, #tpu.memory_space<vmem>> -> memref<80x128xf32, #tpu.memory_space<vmem>>
        %dma_start3A_194 = arith.constant 0 : i32
        %dma_start3A_195 = tpu.memref_slice %arg4[%add3A_188, %dma_start3A_194] : memref<160000x128xf32, #tpu.memory_space<hbm>> -> memref<80x128xf32, #tpu.memory_space<hbm>>
        %dma_start3A_196 = arith.constant 0 : i32
        %dma_start3A_197 = arith.constant 0 : i32
        %dma_start3A_198 = tpu.memref_slice %arg11[%dma_start3A_189, %dma_start3A_196, %dma_start3A_197] : memref<2x80x128xf32, #tpu.memory_space<vmem>> -> memref<1x80x128xf32, #tpu.memory_space<vmem>>
        %dma_start3A_199 = tpu.memref_squeeze %dma_start3A_198 : memref<1x80x128xf32, #tpu.memory_space<vmem>> -> memref<80x128xf32, #tpu.memory_space<vmem>>
        %dma_start3A_200 = arith.constant 0 : i32
        %dma_start3A_201 = tpu.memref_slice %arg4[%add3A_188, %dma_start3A_200] : memref<160000x128xf32, #tpu.memory_space<hbm>> -> memref<80x128xf32, #tpu.memory_space<hbm>>
        tpu.enqueue_dma source(%dma_start3A_201 : memref<80x128xf32, #tpu.memory_space<hbm>>) target(%dma_start3A_199 : memref<80x128xf32, #tpu.memory_space<vmem>>) target_semaphore(%arg14 : memref<!tpu.dma_semaphore, #tpu.memory_space<semaphore_mem>>)
      } else {
      }
      %lt3A_147 = arith.constant 125 : i32
      %lt3A_148 = arith.cmpi slt, %add3A_139, %lt3A_147 : i32
      %convert_element_type3A_149 = arith.extui %lt3A_148 : i1 to i32
      %cond3A_150 = arith.constant 0 : i32
      %cond3A_151 = arith.cmpi ne, %convert_element_type3A_149, %cond3A_150 : i32
      scf.if %cond3A_151 {
        %dma_wait3A = arith.constant 0 : i32
        %dma_wait3A_169 = arith.constant 0 : i32
        %dma_wait3A_170 = tpu.memref_slice %arg10[%dma_wait3A, %dma_wait3A_169] : memref<2x80xi32, #tpu.memory_space<vmem>> -> memref<1x80xi32, #tpu.memory_space<vmem>>
        %dma_wait3A_171 = tpu.memref_squeeze %dma_wait3A_170 : memref<1x80xi32, #tpu.memory_space<vmem>> -> memref<80xi32, #tpu.memory_space<vmem>>
        %dma_wait3A_172 = arith.constant 0 : i32
        %dma_wait3A_173 = tpu.memref_slice %arg5[%dma_wait3A_172] : memref<320000xi32, #tpu.memory_space<hbm>> -> memref<80xi32, #tpu.memory_space<hbm>>
        %dma_wait3A_174 = arith.constant 0 : i32
        %dma_wait3A_175 = tpu.memref_slice %arg10[%dma_wait3A, %dma_wait3A_174] : memref<2x80xi32, #tpu.memory_space<vmem>> -> memref<1x80xi32, #tpu.memory_space<vmem>>
        %dma_wait3A_176 = tpu.memref_squeeze %dma_wait3A_175 : memref<1x80xi32, #tpu.memory_space<vmem>> -> memref<80xi32, #tpu.memory_space<vmem>>
        %dma_wait3A_177 = arith.constant 0 : i32
        %dma_wait3A_178 = tpu.memref_slice %arg5[%dma_wait3A_177] : memref<320000xi32, #tpu.memory_space<hbm>> -> memref<80xi32, #tpu.memory_space<hbm>>
        tpu.wait_dma2 semaphore(%arg13 : memref<!tpu.dma_semaphore, #tpu.memory_space<semaphore_mem>>) src(%dma_wait3A_178 : memref<80xi32, #tpu.memory_space<hbm>>) dst(%dma_wait3A_176 : memref<80xi32, #tpu.memory_space<vmem>>)
        %dma_wait3A_179 = arith.constant 0 : i32
        %dma_wait3A_180 = arith.constant 0 : i32
        %dma_wait3A_181 = arith.constant 0 : i32
        %dma_wait3A_182 = tpu.memref_slice %arg11[%dma_wait3A_179, %dma_wait3A_180, %dma_wait3A_181] : memref<2x80x128xf32, #tpu.memory_space<vmem>> -> memref<1x80x128xf32, #tpu.memory_space<vmem>>
        %dma_wait3A_183 = tpu.memref_squeeze %dma_wait3A_182 : memref<1x80x128xf32, #tpu.memory_space<vmem>> -> memref<80x128xf32, #tpu.memory_space<vmem>>
        %dma_wait3A_184 = arith.constant 0 : i32
        %dma_wait3A_185 = arith.constant 0 : i32
        %dma_wait3A_186 = tpu.memref_slice %arg4[%dma_wait3A_184, %dma_wait3A_185] : memref<160000x128xf32, #tpu.memory_space<hbm>> -> memref<80x128xf32, #tpu.memory_space<hbm>>
        %dma_wait3A_187 = arith.constant 0 : i32
        %dma_wait3A_188 = arith.constant 0 : i32
        %dma_wait3A_189 = tpu.memref_slice %arg11[%dma_wait3A_179, %dma_wait3A_187, %dma_wait3A_188] : memref<2x80x128xf32, #tpu.memory_space<vmem>> -> memref<1x80x128xf32, #tpu.memory_space<vmem>>
        %dma_wait3A_190 = tpu.memref_squeeze %dma_wait3A_189 : memref<1x80x128xf32, #tpu.memory_space<vmem>> -> memref<80x128xf32, #tpu.memory_space<vmem>>
        %dma_wait3A_191 = arith.constant 0 : i32
        %dma_wait3A_192 = arith.constant 0 : i32
        %dma_wait3A_193 = tpu.memref_slice %arg4[%dma_wait3A_191, %dma_wait3A_192] : memref<160000x128xf32, #tpu.memory_space<hbm>> -> memref<80x128xf32, #tpu.memory_space<hbm>>
        tpu.wait_dma2 semaphore(%arg13 : memref<!tpu.dma_semaphore, #tpu.memory_space<semaphore_mem>>) src(%dma_wait3A_193 : memref<80x128xf32, #tpu.memory_space<hbm>>) dst(%dma_wait3A_190 : memref<80x128xf32, #tpu.memory_space<vmem>>)
        %run_scoped3A = arith.constant 0 : i32
        %run_scoped3A_194 = arith.constant 0 : i32
        "tpu.region"() ({
          %run_scoped3A_195 = tpu.sem_alloc : memref<!tpu.dma_semaphore, #tpu.memory_space<semaphore_mem>>
          %dma_start3A_196 = arith.constant 0 : i32
          %dma_start3A_197 = arith.constant 0 : i32
          %dma_start3A_198 = tpu.memref_slice %arg11[%run_scoped3A, %dma_start3A_196, %dma_start3A_197] : memref<2x80x128xf32, #tpu.memory_space<vmem>> -> memref<1x80x128xf32, #tpu.memory_space<vmem>>
          %dma_start3A_199 = tpu.memref_squeeze %dma_start3A_198 : memref<1x80x128xf32, #tpu.memory_space<vmem>> -> memref<80x128xf32, #tpu.memory_space<vmem>>
          %dma_start3A_200 = arith.constant 0 : i32
          %dma_start3A_201 = tpu.memref_slice %arg10[%run_scoped3A_194, %dma_start3A_200] : memref<2x80xi32, #tpu.memory_space<vmem>> -> memref<1x80xi32, #tpu.memory_space<vmem>>
          %dma_start3A_202 = tpu.memref_squeeze %dma_start3A_201 : memref<1x80xi32, #tpu.memory_space<vmem>> -> memref<80xi32, #tpu.memory_space<vmem>>
          %dma_start3A_203 = arith.constant 0 : i32
          %dma_start3A_204 = arith.constant 0 : i32
          %dma_start3A_205 = tpu.memref_slice %arg12[%dma_start3A_203, %dma_start3A_204] : memref<10000x128xf32, #tpu.memory_space<vmem_shared>> -> memref<10000x128xf32, #tpu.memory_space<vmem_shared>>
          tpu.enqueue_indirect_dma source(%dma_start3A_199 : memref<80x128xf32, #tpu.memory_space<vmem>>) target(%dma_start3A_205 : memref<10000x128xf32, #tpu.memory_space<vmem_shared>>) offsets(%dma_start3A_202 : memref<80xi32, #tpu.memory_space<vmem>>) semaphore(%run_scoped3A_195 : memref<!tpu.dma_semaphore, #tpu.memory_space<semaphore_mem>>) {add = true}
          %dma_wait3A_206 = arith.constant 0 : i32
          %dma_wait3A_207 = arith.constant 0 : i32
          %dma_wait3A_208 = tpu.memref_slice %arg11[%run_scoped3A, %dma_wait3A_206, %dma_wait3A_207] : memref<2x80x128xf32, #tpu.memory_space<vmem>> -> memref<1x80x128xf32, #tpu.memory_space<vmem>>
          %dma_wait3A_209 = tpu.memref_squeeze %dma_wait3A_208 : memref<1x80x128xf32, #tpu.memory_space<vmem>> -> memref<80x128xf32, #tpu.memory_space<vmem>>
          %dma_wait3A_210 = arith.constant 0 : i32
          %dma_wait3A_211 = tpu.memref_slice %arg10[%run_scoped3A_194, %dma_wait3A_210] : memref<2x80xi32, #tpu.memory_space<vmem>> -> memref<1x80xi32, #tpu.memory_space<vmem>>
          %dma_wait3A_212 = tpu.memref_squeeze %dma_wait3A_211 : memref<1x80xi32, #tpu.memory_space<vmem>> -> memref<80xi32, #tpu.memory_space<vmem>>
          %dma_wait3A_213 = arith.constant 0 : i32
          %dma_wait3A_214 = arith.constant 0 : i32
          %dma_wait3A_215 = tpu.memref_slice %arg12[%dma_wait3A_213, %dma_wait3A_214] : memref<10000x128xf32, #tpu.memory_space<vmem_shared>> -> memref<10000x128xf32, #tpu.memory_space<vmem_shared>>
          tpu.wait_indirect_dma semaphore(%run_scoped3A_195 : memref<!tpu.dma_semaphore, #tpu.memory_space<semaphore_mem>>) src(%dma_wait3A_209 : memref<80x128xf32, #tpu.memory_space<vmem>>) dst(%dma_wait3A_215 : memref<10000x128xf32, #tpu.memory_space<vmem_shared>>)
          tpu.yield
        }) : () -> ()
      } else {
      }
      %mul3A_152 = arith.constant 2 : i32
      %mul3A_153 = arith.muli %mul3A_152, %scan3A_134 : i32
      %add3A_154 = arith.constant 1 : i32
      %add3A_155 = arith.addi %mul3A_153, %add3A_154 : i32
      %add3A_156 = arith.constant 1 : i32
      %add3A_157 = arith.addi %add3A_155, %add3A_156 : i32
      %lt3A_158 = arith.constant 125 : i32
      %lt3A_159 = arith.cmpi slt, %add3A_157, %lt3A_158 : i32
      %convert_element_type3A_160 = arith.extui %lt3A_159 : i1 to i32
      %cond3A_161 = arith.constant 0 : i32
      %cond3A_162 = arith.cmpi ne, %convert_element_type3A_160, %cond3A_161 : i32
      scf.if %cond3A_162 {
        %add3A_169 = arith.constant 1 : i32
        %add3A_170 = arith.addi %add3A_155, %add3A_169 : i32
        %mul3A_171 = arith.constant 160000 : i32
        %mul3A_172 = arith.muli %arg0, %mul3A_171 : i32
        %add3A_173 = arith.addi %mul3A_172, %mul3A_2 : i32
        %mul3A_174 = arith.constant 80 : i32
        %mul3A_175 = arith.muli %add3A_170, %mul3A_174 : i32
        %add3A_176 = arith.addi %add3A_173, %mul3A_175 : i32
        %dma_start3A_177 = arith.constant 0 : i32
        %dma_start3A_178 = arith.constant 0 : i32
        %dma_start3A_179 = tpu.memref_slice %arg10[%dma_start3A_177, %dma_start3A_178] : memref<2x80xi32, #tpu.memory_space<vmem>> -> memref<1x80xi32, #tpu.memory_space<vmem>>
        %dma_start3A_180 = tpu.memref_squeeze %dma_start3A_179 : memref<1x80xi32, #tpu.memory_space<vmem>> -> memref<80xi32, #tpu.memory_space<vmem>>
        %dma_start3A_181 = tpu.memref_slice %arg5[%add3A_176] : memref<320000xi32, #tpu.memory_space<hbm>> -> memref<80xi32, #tpu.memory_space<hbm>>
        %dma_start3A_182 = arith.constant 0 : i32
        %dma_start3A_183 = tpu.memref_slice %arg10[%dma_start3A_177, %dma_start3A_182] : memref<2x80xi32, #tpu.memory_space<vmem>> -> memref<1x80xi32, #tpu.memory_space<vmem>>
        %dma_start3A_184 = tpu.memref_squeeze %dma_start3A_183 : memref<1x80xi32, #tpu.memory_space<vmem>> -> memref<80xi32, #tpu.memory_space<vmem>>
        %dma_start3A_185 = tpu.memref_slice %arg5[%add3A_176] : memref<320000xi32, #tpu.memory_space<hbm>> -> memref<80xi32, #tpu.memory_space<hbm>>
        tpu.enqueue_dma source(%dma_start3A_185 : memref<80xi32, #tpu.memory_space<hbm>>) target(%dma_start3A_184 : memref<80xi32, #tpu.memory_space<vmem>>) target_semaphore(%arg13 : memref<!tpu.dma_semaphore, #tpu.memory_space<semaphore_mem>>)
        %mul3A_186 = arith.constant 80 : i32
        %mul3A_187 = arith.muli %add3A_170, %mul3A_186 : i32
        %add3A_188 = arith.addi %mul3A_2, %mul3A_187 : i32
        %dma_start3A_189 = arith.constant 0 : i32
        %dma_start3A_190 = arith.constant 0 : i32
        %dma_start3A_191 = arith.constant 0 : i32
        %dma_start3A_192 = tpu.memref_slice %arg11[%dma_start3A_189, %dma_start3A_190, %dma_start3A_191] : memref<2x80x128xf32, #tpu.memory_space<vmem>> -> memref<1x80x128xf32, #tpu.memory_space<vmem>>
        %dma_start3A_193 = tpu.memref_squeeze %dma_start3A_192 : memref<1x80x128xf32, #tpu.memory_space<vmem>> -> memref<80x128xf32, #tpu.memory_space<vmem>>
        %dma_start3A_194 = arith.constant 0 : i32
        %dma_start3A_195 = tpu.memref_slice %arg4[%add3A_188, %dma_start3A_194] : memref<160000x128xf32, #tpu.memory_space<hbm>> -> memref<80x128xf32, #tpu.memory_space<hbm>>
        %dma_start3A_196 = arith.constant 0 : i32
        %dma_start3A_197 = arith.constant 0 : i32
        %dma_start3A_198 = tpu.memref_slice %arg11[%dma_start3A_189, %dma_start3A_196, %dma_start3A_197] : memref<2x80x128xf32, #tpu.memory_space<vmem>> -> memref<1x80x128xf32, #tpu.memory_space<vmem>>
        %dma_start3A_199 = tpu.memref_squeeze %dma_start3A_198 : memref<1x80x128xf32, #tpu.memory_space<vmem>> -> memref<80x128xf32, #tpu.memory_space<vmem>>
        %dma_start3A_200 = arith.constant 0 : i32
        %dma_start3A_201 = tpu.memref_slice %arg4[%add3A_188, %dma_start3A_200] : memref<160000x128xf32, #tpu.memory_space<hbm>> -> memref<80x128xf32, #tpu.memory_space<hbm>>
        tpu.enqueue_dma source(%dma_start3A_201 : memref<80x128xf32, #tpu.memory_space<hbm>>) target(%dma_start3A_199 : memref<80x128xf32, #tpu.memory_space<vmem>>) target_semaphore(%arg13 : memref<!tpu.dma_semaphore, #tpu.memory_space<semaphore_mem>>)
      } else {
      }
      %lt3A_163 = arith.constant 125 : i32
      %lt3A_164 = arith.cmpi slt, %add3A_155, %lt3A_163 : i32
      %convert_element_type3A_165 = arith.extui %lt3A_164 : i1 to i32
      %cond3A_166 = arith.constant 0 : i32
      %cond3A_167 = arith.cmpi ne, %convert_element_type3A_165, %cond3A_166 : i32
      scf.if %cond3A_167 {
        %dma_wait3A = arith.constant 1 : i32
        %dma_wait3A_169 = arith.constant 0 : i32
        %dma_wait3A_170 = tpu.memref_slice %arg10[%dma_wait3A, %dma_wait3A_169] : memref<2x80xi32, #tpu.memory_space<vmem>> -> memref<1x80xi32, #tpu.memory_space<vmem>>
        %dma_wait3A_171 = tpu.memref_squeeze %dma_wait3A_170 : memref<1x80xi32, #tpu.memory_space<vmem>> -> memref<80xi32, #tpu.memory_space<vmem>>
        %dma_wait3A_172 = arith.constant 0 : i32
        %dma_wait3A_173 = tpu.memref_slice %arg5[%dma_wait3A_172] : memref<320000xi32, #tpu.memory_space<hbm>> -> memref<80xi32, #tpu.memory_space<hbm>>
        %dma_wait3A_174 = arith.constant 0 : i32
        %dma_wait3A_175 = tpu.memref_slice %arg10[%dma_wait3A, %dma_wait3A_174] : memref<2x80xi32, #tpu.memory_space<vmem>> -> memref<1x80xi32, #tpu.memory_space<vmem>>
        %dma_wait3A_176 = tpu.memref_squeeze %dma_wait3A_175 : memref<1x80xi32, #tpu.memory_space<vmem>> -> memref<80xi32, #tpu.memory_space<vmem>>
        %dma_wait3A_177 = arith.constant 0 : i32
        %dma_wait3A_178 = tpu.memref_slice %arg5[%dma_wait3A_177] : memref<320000xi32, #tpu.memory_space<hbm>> -> memref<80xi32, #tpu.memory_space<hbm>>
        tpu.wait_dma2 semaphore(%arg14 : memref<!tpu.dma_semaphore, #tpu.memory_space<semaphore_mem>>) src(%dma_wait3A_178 : memref<80xi32, #tpu.memory_space<hbm>>) dst(%dma_wait3A_176 : memref<80xi32, #tpu.memory_space<vmem>>)
        %dma_wait3A_179 = arith.constant 1 : i32
        %dma_wait3A_180 = arith.constant 0 : i32
        %dma_wait3A_181 = arith.constant 0 : i32
        %dma_wait3A_182 = tpu.memref_slice %arg11[%dma_wait3A_179, %dma_wait3A_180, %dma_wait3A_181] : memref<2x80x128xf32, #tpu.memory_space<vmem>> -> memref<1x80x128xf32, #tpu.memory_space<vmem>>
        %dma_wait3A_183 = tpu.memref_squeeze %dma_wait3A_182 : memref<1x80x128xf32, #tpu.memory_space<vmem>> -> memref<80x128xf32, #tpu.memory_space<vmem>>
        %dma_wait3A_184 = arith.constant 0 : i32
        %dma_wait3A_185 = arith.constant 0 : i32
        %dma_wait3A_186 = tpu.memref_slice %arg4[%dma_wait3A_184, %dma_wait3A_185] : memref<160000x128xf32, #tpu.memory_space<hbm>> -> memref<80x128xf32, #tpu.memory_space<hbm>>
        %dma_wait3A_187 = arith.constant 0 : i32
        %dma_wait3A_188 = arith.constant 0 : i32
        %dma_wait3A_189 = tpu.memref_slice %arg11[%dma_wait3A_179, %dma_wait3A_187, %dma_wait3A_188] : memref<2x80x128xf32, #tpu.memory_space<vmem>> -> memref<1x80x128xf32, #tpu.memory_space<vmem>>
        %dma_wait3A_190 = tpu.memref_squeeze %dma_wait3A_189 : memref<1x80x128xf32, #tpu.memory_space<vmem>> -> memref<80x128xf32, #tpu.memory_space<vmem>>
        %dma_wait3A_191 = arith.constant 0 : i32
        %dma_wait3A_192 = arith.constant 0 : i32
        %dma_wait3A_193 = tpu.memref_slice %arg4[%dma_wait3A_191, %dma_wait3A_192] : memref<160000x128xf32, #tpu.memory_space<hbm>> -> memref<80x128xf32, #tpu.memory_space<hbm>>
        tpu.wait_dma2 semaphore(%arg14 : memref<!tpu.dma_semaphore, #tpu.memory_space<semaphore_mem>>) src(%dma_wait3A_193 : memref<80x128xf32, #tpu.memory_space<hbm>>) dst(%dma_wait3A_190 : memref<80x128xf32, #tpu.memory_space<vmem>>)
        %run_scoped3A = arith.constant 1 : i32
        %run_scoped3A_194 = arith.constant 1 : i32
        "tpu.region"() ({
          %run_scoped3A_195 = tpu.sem_alloc : memref<!tpu.dma_semaphore, #tpu.memory_space<semaphore_mem>>
          %dma_start3A_196 = arith.constant 0 : i32
          %dma_start3A_197 = arith.constant 0 : i32
          %dma_start3A_198 = tpu.memref_slice %arg11[%run_scoped3A, %dma_start3A_196, %dma_start3A_197] : memref<2x80x128xf32, #tpu.memory_space<vmem>> -> memref<1x80x128xf32, #tpu.memory_space<vmem>>
          %dma_start3A_199 = tpu.memref_squeeze %dma_start3A_198 : memref<1x80x128xf32, #tpu.memory_space<vmem>> -> memref<80x128xf32, #tpu.memory_space<vmem>>
          %dma_start3A_200 = arith.constant 0 : i32
          %dma_start3A_201 = tpu.memref_slice %arg10[%run_scoped3A_194, %dma_start3A_200] : memref<2x80xi32, #tpu.memory_space<vmem>> -> memref<1x80xi32, #tpu.memory_space<vmem>>
          %dma_start3A_202 = tpu.memref_squeeze %dma_start3A_201 : memref<1x80xi32, #tpu.memory_space<vmem>> -> memref<80xi32, #tpu.memory_space<vmem>>
          %dma_start3A_203 = arith.constant 0 : i32
          %dma_start3A_204 = arith.constant 0 : i32
          %dma_start3A_205 = tpu.memref_slice %arg12[%dma_start3A_203, %dma_start3A_204] : memref<10000x128xf32, #tpu.memory_space<vmem_shared>> -> memref<10000x128xf32, #tpu.memory_space<vmem_shared>>
          tpu.enqueue_indirect_dma source(%dma_start3A_199 : memref<80x128xf32, #tpu.memory_space<vmem>>) target(%dma_start3A_205 : memref<10000x128xf32, #tpu.memory_space<vmem_shared>>) offsets(%dma_start3A_202 : memref<80xi32, #tpu.memory_space<vmem>>) semaphore(%run_scoped3A_195 : memref<!tpu.dma_semaphore, #tpu.memory_space<semaphore_mem>>) {add = true}
          %dma_wait3A_206 = arith.constant 0 : i32
          %dma_wait3A_207 = arith.constant 0 : i32
          %dma_wait3A_208 = tpu.memref_slice %arg11[%run_scoped3A, %dma_wait3A_206, %dma_wait3A_207] : memref<2x80x128xf32, #tpu.memory_space<vmem>> -> memref<1x80x128xf32, #tpu.memory_space<vmem>>
          %dma_wait3A_209 = tpu.memref_squeeze %dma_wait3A_208 : memref<1x80x128xf32, #tpu.memory_space<vmem>> -> memref<80x128xf32, #tpu.memory_space<vmem>>
          %dma_wait3A_210 = arith.constant 0 : i32
          %dma_wait3A_211 = tpu.memref_slice %arg10[%run_scoped3A_194, %dma_wait3A_210] : memref<2x80xi32, #tpu.memory_space<vmem>> -> memref<1x80xi32, #tpu.memory_space<vmem>>
          %dma_wait3A_212 = tpu.memref_squeeze %dma_wait3A_211 : memref<1x80xi32, #tpu.memory_space<vmem>> -> memref<80xi32, #tpu.memory_space<vmem>>
          %dma_wait3A_213 = arith.constant 0 : i32
          %dma_wait3A_214 = arith.constant 0 : i32
          %dma_wait3A_215 = tpu.memref_slice %arg12[%dma_wait3A_213, %dma_wait3A_214] : memref<10000x128xf32, #tpu.memory_space<vmem_shared>> -> memref<10000x128xf32, #tpu.memory_space<vmem_shared>>
          tpu.wait_indirect_dma semaphore(%run_scoped3A_195 : memref<!tpu.dma_semaphore, #tpu.memory_space<semaphore_mem>>) src(%dma_wait3A_209 : memref<80x128xf32, #tpu.memory_space<vmem>>) dst(%dma_wait3A_215 : memref<10000x128xf32, #tpu.memory_space<vmem_shared>>)
          tpu.yield
        }) : () -> ()
      } else {
      }
      %scan3A_168 = arith.constant 0 : i32
      scf.yield %scan3A_168 : i32
    }
    %scan3A_126 = arith.constant 63 : i32
    %barrier3A_127 = arith.constant 0 : index
    tpu.barrier barrier_id(%barrier3A_127)
    %lt3A_128 = arith.constant 10 : i32
    %lt3A_129 = arith.cmpi slt, %arg1, %lt3A_128 : i32
    %convert_element_type3A_130 = arith.extui %lt3A_129 : i1 to i32
    %cond3A_131 = arith.constant 0 : i32
    %cond3A_132 = arith.cmpi ne, %convert_element_type3A_130, %cond3A_131 : i32
    scf.if %cond3A_132 {
      %mul3A_134 = arith.constant 1000 : i32
      %mul3A_135 = arith.muli %arg1, %mul3A_134 : i32
      %mul3A_136 = arith.constant 1000 : i32
      %mul3A_137 = arith.muli %arg1, %mul3A_136 : i32
      "tpu.region"() ({
        %run_scoped3A = tpu.sem_alloc : memref<!tpu.dma_semaphore, #tpu.memory_space<semaphore_mem>>
        %dma_start3A_138 = arith.constant 0 : i32
        %dma_start3A_139 = tpu.memref_slice %arg9[%arg0, %mul3A_137, %dma_start3A_138] : memref<2x10000x128xf32, #tpu.memory_space<hbm>> -> memref<1x1000x128xf32, #tpu.memory_space<hbm>>
        %dma_start3A_140 = tpu.memref_squeeze %dma_start3A_139 : memref<1x1000x128xf32, #tpu.memory_space<hbm>> -> memref<1000x128xf32, #tpu.memory_space<hbm>>
        %dma_start3A_141 = arith.constant 0 : i32
        %dma_start3A_142 = tpu.memref_slice %arg12[%mul3A_135, %dma_start3A_141] : memref<10000x128xf32, #tpu.memory_space<vmem_shared>> -> memref<1000x128xf32, #tpu.memory_space<vmem_shared>>
        tpu.enqueue_dma source(%dma_start3A_142 : memref<1000x128xf32, #tpu.memory_space<vmem_shared>>) target(%dma_start3A_140 : memref<1000x128xf32, #tpu.memory_space<hbm>>) target_semaphore(%run_scoped3A : memref<!tpu.dma_semaphore, #tpu.memory_space<semaphore_mem>>)
        %dma_wait3A = arith.constant 0 : i32
        %dma_wait3A_143 = tpu.memref_slice %arg9[%arg0, %mul3A_137, %dma_wait3A] : memref<2x10000x128xf32, #tpu.memory_space<hbm>> -> memref<1x1000x128xf32, #tpu.memory_space<hbm>>
        %dma_wait3A_144 = tpu.memref_squeeze %dma_wait3A_143 : memref<1x1000x128xf32, #tpu.memory_space<hbm>> -> memref<1000x128xf32, #tpu.memory_space<hbm>>
        %dma_wait3A_145 = arith.constant 0 : i32
        %dma_wait3A_146 = tpu.memref_slice %arg12[%mul3A_135, %dma_wait3A_145] : memref<10000x128xf32, #tpu.memory_space<vmem_shared>> -> memref<1000x128xf32, #tpu.memory_space<vmem_shared>>
        tpu.wait_dma2 semaphore(%run_scoped3A : memref<!tpu.dma_semaphore, #tpu.memory_space<semaphore_mem>>) src(%dma_wait3A_146 : memref<1000x128xf32, #tpu.memory_space<vmem_shared>>) dst(%dma_wait3A_144 : memref<1000x128xf32, #tpu.memory_space<hbm>>)
        tpu.yield
      }) : () -> ()
    } else {
    }
    %barrier3A_133 = arith.constant 0 : index
    tpu.barrier barrier_id(%barrier3A_133)
    return
  }
}

#map = affine_map<(d0, d1) -> (0, 0)>
#map1 = affine_map<(d0, d1) -> (0)>
module attributes {stable_mosaic.version = 14 : i64} {
  func.func @_sc_gather(%arg0: i32, %arg1: i32, %arg2: memref<10000x512xf32, #tpu.memory_space<hbm>>, %arg3: memref<10000x512xf32, #tpu.memory_space<hbm>>, %arg4: memref<160000xi32, #tpu.memory_space<hbm>>, %arg5: memref<160000xi32, #tpu.memory_space<hbm>>, %arg6: memref<160000x512xf32, #tpu.memory_space<hbm>>, %arg7: memref<160000x512xf32, #tpu.memory_space<hbm>>, %arg8: memref<2x40xi32, #tpu.memory_space<vmem>>, %arg9: memref<2x40x512xf32, #tpu.memory_space<vmem>>, %arg10: memref<!tpu.dma_semaphore, #tpu.memory_space<semaphore_mem>>, %arg11: memref<!tpu.dma_semaphore, #tpu.memory_space<semaphore_mem>>, %arg12: memref<!tpu.dma_semaphore, #tpu.memory_space<semaphore_mem>>, %arg13: memref<!tpu.dma_semaphore, #tpu.memory_space<semaphore_mem>>) attributes {dimension_semantics = [#tpu.dimension_semantics<core_parallel>, #tpu.dimension_semantics<subcore_parallel>], iteration_bounds = array<i64: 2, 16>, scalar_prefetch = 0 : i64, scratch_operands = 6 : i64, tpu.core_type = #tpu.core_type<sc_vector_subcore>, window_params = [{transform_indices = #map}, {transform_indices = #map}, {transform_indices = #map1}, {transform_indices = #map1}, {transform_indices = #map}, {transform_indices = #map}]} {
    %mul3A = arith.constant 2 : i32
    %mul3A_0 = arith.muli %arg1, %mul3A : i32
    %add3A = arith.addi %mul3A_0, %arg0 : i32
    %mul3A_1 = arith.constant 5000 : i32
    %mul3A_2 = arith.muli %add3A, %mul3A_1 : i32
    %add3A_3 = arith.constant 0 : i32
    %add3A_4 = arith.addi %mul3A_2, %add3A_3 : i32
    %run_scoped3A = arith.constant 0 : i32
    "tpu.region"() ({
      %run_scoped3A_103 = tpu.sem_alloc : memref<!tpu.dma_semaphore, #tpu.memory_space<semaphore_mem>>
      %dma_start3A_104 = arith.constant 0 : i32
      %dma_start3A_105 = tpu.memref_slice %arg8[%run_scoped3A, %dma_start3A_104] : memref<2x40xi32, #tpu.memory_space<vmem>> -> memref<1x40xi32, #tpu.memory_space<vmem>>
      %dma_start3A_106 = tpu.memref_squeeze %dma_start3A_105 : memref<1x40xi32, #tpu.memory_space<vmem>> -> memref<40xi32, #tpu.memory_space<vmem>>
      %dma_start3A_107 = tpu.memref_slice %arg4[%add3A_4] : memref<160000xi32, #tpu.memory_space<hbm>> -> memref<40xi32, #tpu.memory_space<hbm>>
      %dma_start3A_108 = arith.constant 0 : i32
      %dma_start3A_109 = tpu.memref_slice %arg8[%run_scoped3A, %dma_start3A_108] : memref<2x40xi32, #tpu.memory_space<vmem>> -> memref<1x40xi32, #tpu.memory_space<vmem>>
      %dma_start3A_110 = tpu.memref_squeeze %dma_start3A_109 : memref<1x40xi32, #tpu.memory_space<vmem>> -> memref<40xi32, #tpu.memory_space<vmem>>
      %dma_start3A_111 = tpu.memref_slice %arg4[%add3A_4] : memref<160000xi32, #tpu.memory_space<hbm>> -> memref<40xi32, #tpu.memory_space<hbm>>
      tpu.enqueue_dma source(%dma_start3A_111 : memref<40xi32, #tpu.memory_space<hbm>>) target(%dma_start3A_110 : memref<40xi32, #tpu.memory_space<vmem>>) target_semaphore(%run_scoped3A_103 : memref<!tpu.dma_semaphore, #tpu.memory_space<semaphore_mem>>)
      %dma_wait3A_112 = arith.constant 0 : i32
      %dma_wait3A_113 = tpu.memref_slice %arg8[%run_scoped3A, %dma_wait3A_112] : memref<2x40xi32, #tpu.memory_space<vmem>> -> memref<1x40xi32, #tpu.memory_space<vmem>>
      %dma_wait3A_114 = tpu.memref_squeeze %dma_wait3A_113 : memref<1x40xi32, #tpu.memory_space<vmem>> -> memref<40xi32, #tpu.memory_space<vmem>>
      %dma_wait3A_115 = tpu.memref_slice %arg4[%add3A_4] : memref<160000xi32, #tpu.memory_space<hbm>> -> memref<40xi32, #tpu.memory_space<hbm>>
      %dma_wait3A_116 = arith.constant 0 : i32
      %dma_wait3A_117 = tpu.memref_slice %arg8[%run_scoped3A, %dma_wait3A_116] : memref<2x40xi32, #tpu.memory_space<vmem>> -> memref<1x40xi32, #tpu.memory_space<vmem>>
      %dma_wait3A_118 = tpu.memref_squeeze %dma_wait3A_117 : memref<1x40xi32, #tpu.memory_space<vmem>> -> memref<40xi32, #tpu.memory_space<vmem>>
      %dma_wait3A_119 = tpu.memref_slice %arg4[%add3A_4] : memref<160000xi32, #tpu.memory_space<hbm>> -> memref<40xi32, #tpu.memory_space<hbm>>
      tpu.wait_dma2 semaphore(%run_scoped3A_103 : memref<!tpu.dma_semaphore, #tpu.memory_space<semaphore_mem>>) src(%dma_wait3A_119 : memref<40xi32, #tpu.memory_space<hbm>>) dst(%dma_wait3A_118 : memref<40xi32, #tpu.memory_space<vmem>>)
      tpu.yield
    }) : () -> ()
    %dma_start3A = arith.constant 0 : i32
    %dma_start3A_5 = arith.constant 0 : i32
    %dma_start3A_6 = arith.constant 0 : i32
    %dma_start3A_7 = arith.constant 0 : i32
    %dma_start3A_8 = tpu.memref_slice %arg9[%dma_start3A_5, %dma_start3A_6, %dma_start3A_7] : memref<2x40x512xf32, #tpu.memory_space<vmem>> -> memref<1x40x512xf32, #tpu.memory_space<vmem>>
    %dma_start3A_9 = tpu.memref_squeeze %dma_start3A_8 : memref<1x40x512xf32, #tpu.memory_space<vmem>> -> memref<40x512xf32, #tpu.memory_space<vmem>>
    %dma_start3A_10 = arith.constant 0 : i32
    %dma_start3A_11 = tpu.memref_slice %arg8[%dma_start3A, %dma_start3A_10] : memref<2x40xi32, #tpu.memory_space<vmem>> -> memref<1x40xi32, #tpu.memory_space<vmem>>
    %dma_start3A_12 = tpu.memref_squeeze %dma_start3A_11 : memref<1x40xi32, #tpu.memory_space<vmem>> -> memref<40xi32, #tpu.memory_space<vmem>>
    %dma_start3A_13 = arith.constant 0 : i32
    %dma_start3A_14 = arith.constant 0 : i32
    %dma_start3A_15 = tpu.memref_slice %arg2[%dma_start3A_13, %dma_start3A_14] : memref<10000x512xf32, #tpu.memory_space<hbm>> -> memref<10000x512xf32, #tpu.memory_space<hbm>>
    tpu.enqueue_indirect_dma source(%dma_start3A_15 : memref<10000x512xf32, #tpu.memory_space<hbm>>) target(%dma_start3A_9 : memref<40x512xf32, #tpu.memory_space<vmem>>) offsets(%dma_start3A_12 : memref<40xi32, #tpu.memory_space<vmem>>) semaphore(%arg10 : memref<!tpu.dma_semaphore, #tpu.memory_space<semaphore_mem>>)
    %scan3A = arith.constant 0 : i32
    %scan3A_16 = arith.constant 0 : i32
    %scan3A_17 = arith.constant 63 : i32
    %scan3A_18 = arith.addi %scan3A_16, %scan3A_17 : i32
    %scan3A_19 = arith.constant 1 : i32
    %scan3A_20 = scf.for %scan3A_103 = %scan3A_16 to %scan3A_18 step %scan3A_19 iter_args(%scan3A_104 = %scan3A) -> (i32)  : i32 {
      %mul3A_105 = arith.constant 2 : i32
      %mul3A_106 = arith.muli %mul3A_105, %scan3A_103 : i32
      %add3A_107 = arith.constant 0 : i32
      %add3A_108 = arith.addi %mul3A_106, %add3A_107 : i32
      %add3A_109 = arith.constant 1 : i32
      %add3A_110 = arith.addi %add3A_108, %add3A_109 : i32
      %lt3A = arith.constant 125 : i32
      %lt3A_111 = arith.cmpi slt, %add3A_110, %lt3A : i32
      %convert_element_type3A = arith.extui %lt3A_111 : i1 to i32
      %cond3A = arith.constant 0 : i32
      %cond3A_112 = arith.cmpi ne, %convert_element_type3A, %cond3A : i32
      scf.if %cond3A_112 {
        %ge3A = arith.constant 1 : i32
        %ge3A_135 = arith.cmpi sge, %add3A_108, %ge3A : i32
        %convert_element_type3A_136 = arith.extui %ge3A_135 : i1 to i32
        %cond3A_137 = arith.constant 0 : i32
        %cond3A_138 = arith.cmpi ne, %convert_element_type3A_136, %cond3A_137 : i32
        scf.if %cond3A_138 {
          %dma_wait3A_157 = arith.constant 1 : i32
          %dma_wait3A_158 = arith.constant 0 : i32
          %dma_wait3A_159 = arith.constant 0 : i32
          %dma_wait3A_160 = tpu.memref_slice %arg9[%dma_wait3A_157, %dma_wait3A_158, %dma_wait3A_159] : memref<2x40x512xf32, #tpu.memory_space<vmem>> -> memref<1x40x512xf32, #tpu.memory_space<vmem>>
          %dma_wait3A_161 = tpu.memref_squeeze %dma_wait3A_160 : memref<1x40x512xf32, #tpu.memory_space<vmem>> -> memref<40x512xf32, #tpu.memory_space<vmem>>
          %dma_wait3A_162 = arith.constant 0 : i32
          %dma_wait3A_163 = arith.constant 0 : i32
          %dma_wait3A_164 = tpu.memref_slice %arg6[%dma_wait3A_162, %dma_wait3A_163] : memref<160000x512xf32, #tpu.memory_space<hbm>> -> memref<40x512xf32, #tpu.memory_space<hbm>>
          %dma_wait3A_165 = arith.constant 0 : i32
          %dma_wait3A_166 = arith.constant 0 : i32
          %dma_wait3A_167 = tpu.memref_slice %arg6[%dma_wait3A_165, %dma_wait3A_166] : memref<160000x512xf32, #tpu.memory_space<hbm>> -> memref<40x512xf32, #tpu.memory_space<hbm>>
          %dma_wait3A_168 = arith.constant 0 : i32
          %dma_wait3A_169 = arith.constant 0 : i32
          %dma_wait3A_170 = tpu.memref_slice %arg9[%dma_wait3A_157, %dma_wait3A_168, %dma_wait3A_169] : memref<2x40x512xf32, #tpu.memory_space<vmem>> -> memref<1x40x512xf32, #tpu.memory_space<vmem>>
          %dma_wait3A_171 = tpu.memref_squeeze %dma_wait3A_170 : memref<1x40x512xf32, #tpu.memory_space<vmem>> -> memref<40x512xf32, #tpu.memory_space<vmem>>
          tpu.wait_dma2 semaphore(%arg13 : memref<!tpu.dma_semaphore, #tpu.memory_space<semaphore_mem>>) src(%dma_wait3A_171 : memref<40x512xf32, #tpu.memory_space<vmem>>) dst(%dma_wait3A_167 : memref<40x512xf32, #tpu.memory_space<hbm>>)
        } else {
        }
        %add3A_139 = arith.constant 1 : i32
        %add3A_140 = arith.addi %add3A_108, %add3A_139 : i32
        %mul3A_141 = arith.constant 40 : i32
        %mul3A_142 = arith.muli %add3A_140, %mul3A_141 : i32
        %add3A_143 = arith.addi %mul3A_2, %mul3A_142 : i32
        %run_scoped3A_144 = arith.constant 1 : i32
        "tpu.region"() ({
          %run_scoped3A_157 = tpu.sem_alloc : memref<!tpu.dma_semaphore, #tpu.memory_space<semaphore_mem>>
          %dma_start3A_158 = arith.constant 0 : i32
          %dma_start3A_159 = tpu.memref_slice %arg8[%run_scoped3A_144, %dma_start3A_158] : memref<2x40xi32, #tpu.memory_space<vmem>> -> memref<1x40xi32, #tpu.memory_space<vmem>>
          %dma_start3A_160 = tpu.memref_squeeze %dma_start3A_159 : memref<1x40xi32, #tpu.memory_space<vmem>> -> memref<40xi32, #tpu.memory_space<vmem>>
          %dma_start3A_161 = tpu.memref_slice %arg4[%add3A_143] : memref<160000xi32, #tpu.memory_space<hbm>> -> memref<40xi32, #tpu.memory_space<hbm>>
          %dma_start3A_162 = arith.constant 0 : i32
          %dma_start3A_163 = tpu.memref_slice %arg8[%run_scoped3A_144, %dma_start3A_162] : memref<2x40xi32, #tpu.memory_space<vmem>> -> memref<1x40xi32, #tpu.memory_space<vmem>>
          %dma_start3A_164 = tpu.memref_squeeze %dma_start3A_163 : memref<1x40xi32, #tpu.memory_space<vmem>> -> memref<40xi32, #tpu.memory_space<vmem>>
          %dma_start3A_165 = tpu.memref_slice %arg4[%add3A_143] : memref<160000xi32, #tpu.memory_space<hbm>> -> memref<40xi32, #tpu.memory_space<hbm>>
          tpu.enqueue_dma source(%dma_start3A_165 : memref<40xi32, #tpu.memory_space<hbm>>) target(%dma_start3A_164 : memref<40xi32, #tpu.memory_space<vmem>>) target_semaphore(%run_scoped3A_157 : memref<!tpu.dma_semaphore, #tpu.memory_space<semaphore_mem>>)
          %dma_wait3A_166 = arith.constant 0 : i32
          %dma_wait3A_167 = tpu.memref_slice %arg8[%run_scoped3A_144, %dma_wait3A_166] : memref<2x40xi32, #tpu.memory_space<vmem>> -> memref<1x40xi32, #tpu.memory_space<vmem>>
          %dma_wait3A_168 = tpu.memref_squeeze %dma_wait3A_167 : memref<1x40xi32, #tpu.memory_space<vmem>> -> memref<40xi32, #tpu.memory_space<vmem>>
          %dma_wait3A_169 = tpu.memref_slice %arg4[%add3A_143] : memref<160000xi32, #tpu.memory_space<hbm>> -> memref<40xi32, #tpu.memory_space<hbm>>
          %dma_wait3A_170 = arith.constant 0 : i32
          %dma_wait3A_171 = tpu.memref_slice %arg8[%run_scoped3A_144, %dma_wait3A_170] : memref<2x40xi32, #tpu.memory_space<vmem>> -> memref<1x40xi32, #tpu.memory_space<vmem>>
          %dma_wait3A_172 = tpu.memref_squeeze %dma_wait3A_171 : memref<1x40xi32, #tpu.memory_space<vmem>> -> memref<40xi32, #tpu.memory_space<vmem>>
          %dma_wait3A_173 = tpu.memref_slice %arg4[%add3A_143] : memref<160000xi32, #tpu.memory_space<hbm>> -> memref<40xi32, #tpu.memory_space<hbm>>
          tpu.wait_dma2 semaphore(%run_scoped3A_157 : memref<!tpu.dma_semaphore, #tpu.memory_space<semaphore_mem>>) src(%dma_wait3A_173 : memref<40xi32, #tpu.memory_space<hbm>>) dst(%dma_wait3A_172 : memref<40xi32, #tpu.memory_space<vmem>>)
          tpu.yield
        }) : () -> ()
        %dma_start3A_145 = arith.constant 1 : i32
        %dma_start3A_146 = arith.constant 1 : i32
        %dma_start3A_147 = arith.constant 0 : i32
        %dma_start3A_148 = arith.constant 0 : i32
        %dma_start3A_149 = tpu.memref_slice %arg9[%dma_start3A_146, %dma_start3A_147, %dma_start3A_148] : memref<2x40x512xf32, #tpu.memory_space<vmem>> -> memref<1x40x512xf32, #tpu.memory_space<vmem>>
        %dma_start3A_150 = tpu.memref_squeeze %dma_start3A_149 : memref<1x40x512xf32, #tpu.memory_space<vmem>> -> memref<40x512xf32, #tpu.memory_space<vmem>>
        %dma_start3A_151 = arith.constant 0 : i32
        %dma_start3A_152 = tpu.memref_slice %arg8[%dma_start3A_145, %dma_start3A_151] : memref<2x40xi32, #tpu.memory_space<vmem>> -> memref<1x40xi32, #tpu.memory_space<vmem>>
        %dma_start3A_153 = tpu.memref_squeeze %dma_start3A_152 : memref<1x40xi32, #tpu.memory_space<vmem>> -> memref<40xi32, #tpu.memory_space<vmem>>
        %dma_start3A_154 = arith.constant 0 : i32
        %dma_start3A_155 = arith.constant 0 : i32
        %dma_start3A_156 = tpu.memref_slice %arg2[%dma_start3A_154, %dma_start3A_155] : memref<10000x512xf32, #tpu.memory_space<hbm>> -> memref<10000x512xf32, #tpu.memory_space<hbm>>
        tpu.enqueue_indirect_dma source(%dma_start3A_156 : memref<10000x512xf32, #tpu.memory_space<hbm>>) target(%dma_start3A_150 : memref<40x512xf32, #tpu.memory_space<vmem>>) offsets(%dma_start3A_153 : memref<40xi32, #tpu.memory_space<vmem>>) semaphore(%arg11 : memref<!tpu.dma_semaphore, #tpu.memory_space<semaphore_mem>>)
      } else {
      }
      %lt3A_113 = arith.constant 125 : i32
      %lt3A_114 = arith.cmpi slt, %add3A_108, %lt3A_113 : i32
      %convert_element_type3A_115 = arith.extui %lt3A_114 : i1 to i32
      %cond3A_116 = arith.constant 0 : i32
      %cond3A_117 = arith.cmpi ne, %convert_element_type3A_115, %cond3A_116 : i32
      scf.if %cond3A_117 {
        %dma_wait3A_135 = arith.constant 0 : i32
        %dma_wait3A_136 = arith.constant 0 : i32
        %dma_wait3A_137 = arith.constant 0 : i32
        %dma_wait3A_138 = tpu.memref_slice %arg9[%dma_wait3A_135, %dma_wait3A_136, %dma_wait3A_137] : memref<2x40x512xf32, #tpu.memory_space<vmem>> -> memref<1x40x512xf32, #tpu.memory_space<vmem>>
        %dma_wait3A_139 = tpu.memref_squeeze %dma_wait3A_138 : memref<1x40x512xf32, #tpu.memory_space<vmem>> -> memref<40x512xf32, #tpu.memory_space<vmem>>
        %dma_wait3A_140 = arith.constant 0 : i32
        %dma_wait3A_141 = arith.constant 0 : i32
        %dma_wait3A_142 = tpu.memref_slice %arg2[%dma_wait3A_140, %dma_wait3A_141] : memref<10000x512xf32, #tpu.memory_space<hbm>> -> memref<40x512xf32, #tpu.memory_space<hbm>>
        %dma_wait3A_143 = arith.constant 0 : i32
        %dma_wait3A_144 = arith.constant 0 : i32
        %dma_wait3A_145 = tpu.memref_slice %arg9[%dma_wait3A_135, %dma_wait3A_143, %dma_wait3A_144] : memref<2x40x512xf32, #tpu.memory_space<vmem>> -> memref<1x40x512xf32, #tpu.memory_space<vmem>>
        %dma_wait3A_146 = tpu.memref_squeeze %dma_wait3A_145 : memref<1x40x512xf32, #tpu.memory_space<vmem>> -> memref<40x512xf32, #tpu.memory_space<vmem>>
        %dma_wait3A_147 = arith.constant 0 : i32
        %dma_wait3A_148 = arith.constant 0 : i32
        %dma_wait3A_149 = tpu.memref_slice %arg2[%dma_wait3A_147, %dma_wait3A_148] : memref<10000x512xf32, #tpu.memory_space<hbm>> -> memref<40x512xf32, #tpu.memory_space<hbm>>
        tpu.wait_dma2 semaphore(%arg10 : memref<!tpu.dma_semaphore, #tpu.memory_space<semaphore_mem>>) src(%dma_wait3A_149 : memref<40x512xf32, #tpu.memory_space<hbm>>) dst(%dma_wait3A_146 : memref<40x512xf32, #tpu.memory_space<vmem>>)
        %mul3A_150 = arith.constant 40 : i32
        %mul3A_151 = arith.muli %add3A_108, %mul3A_150 : i32
        %add3A_152 = arith.addi %mul3A_2, %mul3A_151 : i32
        %dma_start3A_153 = arith.constant 0 : i32
        %dma_start3A_154 = arith.constant 0 : i32
        %dma_start3A_155 = arith.constant 0 : i32
        %dma_start3A_156 = tpu.memref_slice %arg9[%dma_start3A_153, %dma_start3A_154, %dma_start3A_155] : memref<2x40x512xf32, #tpu.memory_space<vmem>> -> memref<1x40x512xf32, #tpu.memory_space<vmem>>
        %dma_start3A_157 = tpu.memref_squeeze %dma_start3A_156 : memref<1x40x512xf32, #tpu.memory_space<vmem>> -> memref<40x512xf32, #tpu.memory_space<vmem>>
        %dma_start3A_158 = arith.constant 0 : i32
        %dma_start3A_159 = tpu.memref_slice %arg6[%add3A_152, %dma_start3A_158] : memref<160000x512xf32, #tpu.memory_space<hbm>> -> memref<40x512xf32, #tpu.memory_space<hbm>>
        %dma_start3A_160 = arith.constant 0 : i32
        %dma_start3A_161 = tpu.memref_slice %arg6[%add3A_152, %dma_start3A_160] : memref<160000x512xf32, #tpu.memory_space<hbm>> -> memref<40x512xf32, #tpu.memory_space<hbm>>
        %dma_start3A_162 = arith.constant 0 : i32
        %dma_start3A_163 = arith.constant 0 : i32
        %dma_start3A_164 = tpu.memref_slice %arg9[%dma_start3A_153, %dma_start3A_162, %dma_start3A_163] : memref<2x40x512xf32, #tpu.memory_space<vmem>> -> memref<1x40x512xf32, #tpu.memory_space<vmem>>
        %dma_start3A_165 = tpu.memref_squeeze %dma_start3A_164 : memref<1x40x512xf32, #tpu.memory_space<vmem>> -> memref<40x512xf32, #tpu.memory_space<vmem>>
        tpu.enqueue_dma source(%dma_start3A_165 : memref<40x512xf32, #tpu.memory_space<vmem>>) target(%dma_start3A_161 : memref<40x512xf32, #tpu.memory_space<hbm>>) target_semaphore(%arg12 : memref<!tpu.dma_semaphore, #tpu.memory_space<semaphore_mem>>)
      } else {
      }
      %mul3A_118 = arith.constant 2 : i32
      %mul3A_119 = arith.muli %mul3A_118, %scan3A_103 : i32
      %add3A_120 = arith.constant 1 : i32
      %add3A_121 = arith.addi %mul3A_119, %add3A_120 : i32
      %add3A_122 = arith.constant 1 : i32
      %add3A_123 = arith.addi %add3A_121, %add3A_122 : i32
      %lt3A_124 = arith.constant 125 : i32
      %lt3A_125 = arith.cmpi slt, %add3A_123, %lt3A_124 : i32
      %convert_element_type3A_126 = arith.extui %lt3A_125 : i1 to i32
      %cond3A_127 = arith.constant 0 : i32
      %cond3A_128 = arith.cmpi ne, %convert_element_type3A_126, %cond3A_127 : i32
      scf.if %cond3A_128 {
        %ge3A = arith.constant 1 : i32
        %ge3A_135 = arith.cmpi sge, %add3A_121, %ge3A : i32
        %convert_element_type3A_136 = arith.extui %ge3A_135 : i1 to i32
        %cond3A_137 = arith.constant 0 : i32
        %cond3A_138 = arith.cmpi ne, %convert_element_type3A_136, %cond3A_137 : i32
        scf.if %cond3A_138 {
          %dma_wait3A_157 = arith.constant 0 : i32
          %dma_wait3A_158 = arith.constant 0 : i32
          %dma_wait3A_159 = arith.constant 0 : i32
          %dma_wait3A_160 = tpu.memref_slice %arg9[%dma_wait3A_157, %dma_wait3A_158, %dma_wait3A_159] : memref<2x40x512xf32, #tpu.memory_space<vmem>> -> memref<1x40x512xf32, #tpu.memory_space<vmem>>
          %dma_wait3A_161 = tpu.memref_squeeze %dma_wait3A_160 : memref<1x40x512xf32, #tpu.memory_space<vmem>> -> memref<40x512xf32, #tpu.memory_space<vmem>>
          %dma_wait3A_162 = arith.constant 0 : i32
          %dma_wait3A_163 = arith.constant 0 : i32
          %dma_wait3A_164 = tpu.memref_slice %arg6[%dma_wait3A_162, %dma_wait3A_163] : memref<160000x512xf32, #tpu.memory_space<hbm>> -> memref<40x512xf32, #tpu.memory_space<hbm>>
          %dma_wait3A_165 = arith.constant 0 : i32
          %dma_wait3A_166 = arith.constant 0 : i32
          %dma_wait3A_167 = tpu.memref_slice %arg6[%dma_wait3A_165, %dma_wait3A_166] : memref<160000x512xf32, #tpu.memory_space<hbm>> -> memref<40x512xf32, #tpu.memory_space<hbm>>
          %dma_wait3A_168 = arith.constant 0 : i32
          %dma_wait3A_169 = arith.constant 0 : i32
          %dma_wait3A_170 = tpu.memref_slice %arg9[%dma_wait3A_157, %dma_wait3A_168, %dma_wait3A_169] : memref<2x40x512xf32, #tpu.memory_space<vmem>> -> memref<1x40x512xf32, #tpu.memory_space<vmem>>
          %dma_wait3A_171 = tpu.memref_squeeze %dma_wait3A_170 : memref<1x40x512xf32, #tpu.memory_space<vmem>> -> memref<40x512xf32, #tpu.memory_space<vmem>>
          tpu.wait_dma2 semaphore(%arg12 : memref<!tpu.dma_semaphore, #tpu.memory_space<semaphore_mem>>) src(%dma_wait3A_171 : memref<40x512xf32, #tpu.memory_space<vmem>>) dst(%dma_wait3A_167 : memref<40x512xf32, #tpu.memory_space<hbm>>)
        } else {
        }
        %add3A_139 = arith.constant 1 : i32
        %add3A_140 = arith.addi %add3A_121, %add3A_139 : i32
        %mul3A_141 = arith.constant 40 : i32
        %mul3A_142 = arith.muli %add3A_140, %mul3A_141 : i32
        %add3A_143 = arith.addi %mul3A_2, %mul3A_142 : i32
        %run_scoped3A_144 = arith.constant 0 : i32
        "tpu.region"() ({
          %run_scoped3A_157 = tpu.sem_alloc : memref<!tpu.dma_semaphore, #tpu.memory_space<semaphore_mem>>
          %dma_start3A_158 = arith.constant 0 : i32
          %dma_start3A_159 = tpu.memref_slice %arg8[%run_scoped3A_144, %dma_start3A_158] : memref<2x40xi32, #tpu.memory_space<vmem>> -> memref<1x40xi32, #tpu.memory_space<vmem>>
          %dma_start3A_160 = tpu.memref_squeeze %dma_start3A_159 : memref<1x40xi32, #tpu.memory_space<vmem>> -> memref<40xi32, #tpu.memory_space<vmem>>
          %dma_start3A_161 = tpu.memref_slice %arg4[%add3A_143] : memref<160000xi32, #tpu.memory_space<hbm>> -> memref<40xi32, #tpu.memory_space<hbm>>
          %dma_start3A_162 = arith.constant 0 : i32
          %dma_start3A_163 = tpu.memref_slice %arg8[%run_scoped3A_144, %dma_start3A_162] : memref<2x40xi32, #tpu.memory_space<vmem>> -> memref<1x40xi32, #tpu.memory_space<vmem>>
          %dma_start3A_164 = tpu.memref_squeeze %dma_start3A_163 : memref<1x40xi32, #tpu.memory_space<vmem>> -> memref<40xi32, #tpu.memory_space<vmem>>
          %dma_start3A_165 = tpu.memref_slice %arg4[%add3A_143] : memref<160000xi32, #tpu.memory_space<hbm>> -> memref<40xi32, #tpu.memory_space<hbm>>
          tpu.enqueue_dma source(%dma_start3A_165 : memref<40xi32, #tpu.memory_space<hbm>>) target(%dma_start3A_164 : memref<40xi32, #tpu.memory_space<vmem>>) target_semaphore(%run_scoped3A_157 : memref<!tpu.dma_semaphore, #tpu.memory_space<semaphore_mem>>)
          %dma_wait3A_166 = arith.constant 0 : i32
          %dma_wait3A_167 = tpu.memref_slice %arg8[%run_scoped3A_144, %dma_wait3A_166] : memref<2x40xi32, #tpu.memory_space<vmem>> -> memref<1x40xi32, #tpu.memory_space<vmem>>
          %dma_wait3A_168 = tpu.memref_squeeze %dma_wait3A_167 : memref<1x40xi32, #tpu.memory_space<vmem>> -> memref<40xi32, #tpu.memory_space<vmem>>
          %dma_wait3A_169 = tpu.memref_slice %arg4[%add3A_143] : memref<160000xi32, #tpu.memory_space<hbm>> -> memref<40xi32, #tpu.memory_space<hbm>>
          %dma_wait3A_170 = arith.constant 0 : i32
          %dma_wait3A_171 = tpu.memref_slice %arg8[%run_scoped3A_144, %dma_wait3A_170] : memref<2x40xi32, #tpu.memory_space<vmem>> -> memref<1x40xi32, #tpu.memory_space<vmem>>
          %dma_wait3A_172 = tpu.memref_squeeze %dma_wait3A_171 : memref<1x40xi32, #tpu.memory_space<vmem>> -> memref<40xi32, #tpu.memory_space<vmem>>
          %dma_wait3A_173 = tpu.memref_slice %arg4[%add3A_143] : memref<160000xi32, #tpu.memory_space<hbm>> -> memref<40xi32, #tpu.memory_space<hbm>>
          tpu.wait_dma2 semaphore(%run_scoped3A_157 : memref<!tpu.dma_semaphore, #tpu.memory_space<semaphore_mem>>) src(%dma_wait3A_173 : memref<40xi32, #tpu.memory_space<hbm>>) dst(%dma_wait3A_172 : memref<40xi32, #tpu.memory_space<vmem>>)
          tpu.yield
        }) : () -> ()
        %dma_start3A_145 = arith.constant 0 : i32
        %dma_start3A_146 = arith.constant 0 : i32
        %dma_start3A_147 = arith.constant 0 : i32
        %dma_start3A_148 = arith.constant 0 : i32
        %dma_start3A_149 = tpu.memref_slice %arg9[%dma_start3A_146, %dma_start3A_147, %dma_start3A_148] : memref<2x40x512xf32, #tpu.memory_space<vmem>> -> memref<1x40x512xf32, #tpu.memory_space<vmem>>
        %dma_start3A_150 = tpu.memref_squeeze %dma_start3A_149 : memref<1x40x512xf32, #tpu.memory_space<vmem>> -> memref<40x512xf32, #tpu.memory_space<vmem>>
        %dma_start3A_151 = arith.constant 0 : i32
        %dma_start3A_152 = tpu.memref_slice %arg8[%dma_start3A_145, %dma_start3A_151] : memref<2x40xi32, #tpu.memory_space<vmem>> -> memref<1x40xi32, #tpu.memory_space<vmem>>
        %dma_start3A_153 = tpu.memref_squeeze %dma_start3A_152 : memref<1x40xi32, #tpu.memory_space<vmem>> -> memref<40xi32, #tpu.memory_space<vmem>>
        %dma_start3A_154 = arith.constant 0 : i32
        %dma_start3A_155 = arith.constant 0 : i32
        %dma_start3A_156 = tpu.memref_slice %arg2[%dma_start3A_154, %dma_start3A_155] : memref<10000x512xf32, #tpu.memory_space<hbm>> -> memref<10000x512xf32, #tpu.memory_space<hbm>>
        tpu.enqueue_indirect_dma source(%dma_start3A_156 : memref<10000x512xf32, #tpu.memory_space<hbm>>) target(%dma_start3A_150 : memref<40x512xf32, #tpu.memory_space<vmem>>) offsets(%dma_start3A_153 : memref<40xi32, #tpu.memory_space<vmem>>) semaphore(%arg10 : memref<!tpu.dma_semaphore, #tpu.memory_space<semaphore_mem>>)
      } else {
      }
      %lt3A_129 = arith.constant 125 : i32
      %lt3A_130 = arith.cmpi slt, %add3A_121, %lt3A_129 : i32
      %convert_element_type3A_131 = arith.extui %lt3A_130 : i1 to i32
      %cond3A_132 = arith.constant 0 : i32
      %cond3A_133 = arith.cmpi ne, %convert_element_type3A_131, %cond3A_132 : i32
      scf.if %cond3A_133 {
        %dma_wait3A_135 = arith.constant 1 : i32
        %dma_wait3A_136 = arith.constant 0 : i32
        %dma_wait3A_137 = arith.constant 0 : i32
        %dma_wait3A_138 = tpu.memref_slice %arg9[%dma_wait3A_135, %dma_wait3A_136, %dma_wait3A_137] : memref<2x40x512xf32, #tpu.memory_space<vmem>> -> memref<1x40x512xf32, #tpu.memory_space<vmem>>
        %dma_wait3A_139 = tpu.memref_squeeze %dma_wait3A_138 : memref<1x40x512xf32, #tpu.memory_space<vmem>> -> memref<40x512xf32, #tpu.memory_space<vmem>>
        %dma_wait3A_140 = arith.constant 0 : i32
        %dma_wait3A_141 = arith.constant 0 : i32
        %dma_wait3A_142 = tpu.memref_slice %arg2[%dma_wait3A_140, %dma_wait3A_141] : memref<10000x512xf32, #tpu.memory_space<hbm>> -> memref<40x512xf32, #tpu.memory_space<hbm>>
        %dma_wait3A_143 = arith.constant 0 : i32
        %dma_wait3A_144 = arith.constant 0 : i32
        %dma_wait3A_145 = tpu.memref_slice %arg9[%dma_wait3A_135, %dma_wait3A_143, %dma_wait3A_144] : memref<2x40x512xf32, #tpu.memory_space<vmem>> -> memref<1x40x512xf32, #tpu.memory_space<vmem>>
        %dma_wait3A_146 = tpu.memref_squeeze %dma_wait3A_145 : memref<1x40x512xf32, #tpu.memory_space<vmem>> -> memref<40x512xf32, #tpu.memory_space<vmem>>
        %dma_wait3A_147 = arith.constant 0 : i32
        %dma_wait3A_148 = arith.constant 0 : i32
        %dma_wait3A_149 = tpu.memref_slice %arg2[%dma_wait3A_147, %dma_wait3A_148] : memref<10000x512xf32, #tpu.memory_space<hbm>> -> memref<40x512xf32, #tpu.memory_space<hbm>>
        tpu.wait_dma2 semaphore(%arg11 : memref<!tpu.dma_semaphore, #tpu.memory_space<semaphore_mem>>) src(%dma_wait3A_149 : memref<40x512xf32, #tpu.memory_space<hbm>>) dst(%dma_wait3A_146 : memref<40x512xf32, #tpu.memory_space<vmem>>)
        %mul3A_150 = arith.constant 40 : i32
        %mul3A_151 = arith.muli %add3A_121, %mul3A_150 : i32
        %add3A_152 = arith.addi %mul3A_2, %mul3A_151 : i32
        %dma_start3A_153 = arith.constant 1 : i32
        %dma_start3A_154 = arith.constant 0 : i32
        %dma_start3A_155 = arith.constant 0 : i32
        %dma_start3A_156 = tpu.memref_slice %arg9[%dma_start3A_153, %dma_start3A_154, %dma_start3A_155] : memref<2x40x512xf32, #tpu.memory_space<vmem>> -> memref<1x40x512xf32, #tpu.memory_space<vmem>>
        %dma_start3A_157 = tpu.memref_squeeze %dma_start3A_156 : memref<1x40x512xf32, #tpu.memory_space<vmem>> -> memref<40x512xf32, #tpu.memory_space<vmem>>
        %dma_start3A_158 = arith.constant 0 : i32
        %dma_start3A_159 = tpu.memref_slice %arg6[%add3A_152, %dma_start3A_158] : memref<160000x512xf32, #tpu.memory_space<hbm>> -> memref<40x512xf32, #tpu.memory_space<hbm>>
        %dma_start3A_160 = arith.constant 0 : i32
        %dma_start3A_161 = tpu.memref_slice %arg6[%add3A_152, %dma_start3A_160] : memref<160000x512xf32, #tpu.memory_space<hbm>> -> memref<40x512xf32, #tpu.memory_space<hbm>>
        %dma_start3A_162 = arith.constant 0 : i32
        %dma_start3A_163 = arith.constant 0 : i32
        %dma_start3A_164 = tpu.memref_slice %arg9[%dma_start3A_153, %dma_start3A_162, %dma_start3A_163] : memref<2x40x512xf32, #tpu.memory_space<vmem>> -> memref<1x40x512xf32, #tpu.memory_space<vmem>>
        %dma_start3A_165 = tpu.memref_squeeze %dma_start3A_164 : memref<1x40x512xf32, #tpu.memory_space<vmem>> -> memref<40x512xf32, #tpu.memory_space<vmem>>
        tpu.enqueue_dma source(%dma_start3A_165 : memref<40x512xf32, #tpu.memory_space<vmem>>) target(%dma_start3A_161 : memref<40x512xf32, #tpu.memory_space<hbm>>) target_semaphore(%arg13 : memref<!tpu.dma_semaphore, #tpu.memory_space<semaphore_mem>>)
      } else {
      }
      %scan3A_134 = arith.constant 0 : i32
      scf.yield %scan3A_134 : i32
    }
    %scan3A_21 = arith.constant 63 : i32
    %dma_wait3A = arith.constant 0 : i32
    %dma_wait3A_22 = arith.constant 0 : i32
    %dma_wait3A_23 = arith.constant 0 : i32
    %dma_wait3A_24 = tpu.memref_slice %arg9[%dma_wait3A, %dma_wait3A_22, %dma_wait3A_23] : memref<2x40x512xf32, #tpu.memory_space<vmem>> -> memref<1x40x512xf32, #tpu.memory_space<vmem>>
    %dma_wait3A_25 = tpu.memref_squeeze %dma_wait3A_24 : memref<1x40x512xf32, #tpu.memory_space<vmem>> -> memref<40x512xf32, #tpu.memory_space<vmem>>
    %dma_wait3A_26 = arith.constant 0 : i32
    %dma_wait3A_27 = arith.constant 0 : i32
    %dma_wait3A_28 = tpu.memref_slice %arg6[%dma_wait3A_26, %dma_wait3A_27] : memref<160000x512xf32, #tpu.memory_space<hbm>> -> memref<40x512xf32, #tpu.memory_space<hbm>>
    %dma_wait3A_29 = arith.constant 0 : i32
    %dma_wait3A_30 = arith.constant 0 : i32
    %dma_wait3A_31 = tpu.memref_slice %arg6[%dma_wait3A_29, %dma_wait3A_30] : memref<160000x512xf32, #tpu.memory_space<hbm>> -> memref<40x512xf32, #tpu.memory_space<hbm>>
    %dma_wait3A_32 = arith.constant 0 : i32
    %dma_wait3A_33 = arith.constant 0 : i32
    %dma_wait3A_34 = tpu.memref_slice %arg9[%dma_wait3A, %dma_wait3A_32, %dma_wait3A_33] : memref<2x40x512xf32, #tpu.memory_space<vmem>> -> memref<1x40x512xf32, #tpu.memory_space<vmem>>
    %dma_wait3A_35 = tpu.memref_squeeze %dma_wait3A_34 : memref<1x40x512xf32, #tpu.memory_space<vmem>> -> memref<40x512xf32, #tpu.memory_space<vmem>>
    tpu.wait_dma2 semaphore(%arg12 : memref<!tpu.dma_semaphore, #tpu.memory_space<semaphore_mem>>) src(%dma_wait3A_35 : memref<40x512xf32, #tpu.memory_space<vmem>>) dst(%dma_wait3A_31 : memref<40x512xf32, #tpu.memory_space<hbm>>)
    %dma_wait3A_36 = arith.constant 1 : i32
    %dma_wait3A_37 = arith.constant 0 : i32
    %dma_wait3A_38 = arith.constant 0 : i32
    %dma_wait3A_39 = tpu.memref_slice %arg9[%dma_wait3A_36, %dma_wait3A_37, %dma_wait3A_38] : memref<2x40x512xf32, #tpu.memory_space<vmem>> -> memref<1x40x512xf32, #tpu.memory_space<vmem>>
    %dma_wait3A_40 = tpu.memref_squeeze %dma_wait3A_39 : memref<1x40x512xf32, #tpu.memory_space<vmem>> -> memref<40x512xf32, #tpu.memory_space<vmem>>
    %dma_wait3A_41 = arith.constant 0 : i32
    %dma_wait3A_42 = arith.constant 0 : i32
    %dma_wait3A_43 = tpu.memref_slice %arg6[%dma_wait3A_41, %dma_wait3A_42] : memref<160000x512xf32, #tpu.memory_space<hbm>> -> memref<40x512xf32, #tpu.memory_space<hbm>>
    %dma_wait3A_44 = arith.constant 0 : i32
    %dma_wait3A_45 = arith.constant 0 : i32
    %dma_wait3A_46 = tpu.memref_slice %arg6[%dma_wait3A_44, %dma_wait3A_45] : memref<160000x512xf32, #tpu.memory_space<hbm>> -> memref<40x512xf32, #tpu.memory_space<hbm>>
    %dma_wait3A_47 = arith.constant 0 : i32
    %dma_wait3A_48 = arith.constant 0 : i32
    %dma_wait3A_49 = tpu.memref_slice %arg9[%dma_wait3A_36, %dma_wait3A_47, %dma_wait3A_48] : memref<2x40x512xf32, #tpu.memory_space<vmem>> -> memref<1x40x512xf32, #tpu.memory_space<vmem>>
    %dma_wait3A_50 = tpu.memref_squeeze %dma_wait3A_49 : memref<1x40x512xf32, #tpu.memory_space<vmem>> -> memref<40x512xf32, #tpu.memory_space<vmem>>
    tpu.wait_dma2 semaphore(%arg13 : memref<!tpu.dma_semaphore, #tpu.memory_space<semaphore_mem>>) src(%dma_wait3A_50 : memref<40x512xf32, #tpu.memory_space<vmem>>) dst(%dma_wait3A_46 : memref<40x512xf32, #tpu.memory_space<hbm>>)
    %add3A_51 = arith.constant 0 : i32
    %add3A_52 = arith.addi %mul3A_2, %add3A_51 : i32
    %run_scoped3A_53 = arith.constant 0 : i32
    "tpu.region"() ({
      %run_scoped3A_103 = tpu.sem_alloc : memref<!tpu.dma_semaphore, #tpu.memory_space<semaphore_mem>>
      %dma_start3A_104 = arith.constant 0 : i32
      %dma_start3A_105 = tpu.memref_slice %arg8[%run_scoped3A_53, %dma_start3A_104] : memref<2x40xi32, #tpu.memory_space<vmem>> -> memref<1x40xi32, #tpu.memory_space<vmem>>
      %dma_start3A_106 = tpu.memref_squeeze %dma_start3A_105 : memref<1x40xi32, #tpu.memory_space<vmem>> -> memref<40xi32, #tpu.memory_space<vmem>>
      %dma_start3A_107 = tpu.memref_slice %arg5[%add3A_52] : memref<160000xi32, #tpu.memory_space<hbm>> -> memref<40xi32, #tpu.memory_space<hbm>>
      %dma_start3A_108 = arith.constant 0 : i32
      %dma_start3A_109 = tpu.memref_slice %arg8[%run_scoped3A_53, %dma_start3A_108] : memref<2x40xi32, #tpu.memory_space<vmem>> -> memref<1x40xi32, #tpu.memory_space<vmem>>
      %dma_start3A_110 = tpu.memref_squeeze %dma_start3A_109 : memref<1x40xi32, #tpu.memory_space<vmem>> -> memref<40xi32, #tpu.memory_space<vmem>>
      %dma_start3A_111 = tpu.memref_slice %arg5[%add3A_52] : memref<160000xi32, #tpu.memory_space<hbm>> -> memref<40xi32, #tpu.memory_space<hbm>>
      tpu.enqueue_dma source(%dma_start3A_111 : memref<40xi32, #tpu.memory_space<hbm>>) target(%dma_start3A_110 : memref<40xi32, #tpu.memory_space<vmem>>) target_semaphore(%run_scoped3A_103 : memref<!tpu.dma_semaphore, #tpu.memory_space<semaphore_mem>>)
      %dma_wait3A_112 = arith.constant 0 : i32
      %dma_wait3A_113 = tpu.memref_slice %arg8[%run_scoped3A_53, %dma_wait3A_112] : memref<2x40xi32, #tpu.memory_space<vmem>> -> memref<1x40xi32, #tpu.memory_space<vmem>>
      %dma_wait3A_114 = tpu.memref_squeeze %dma_wait3A_113 : memref<1x40xi32, #tpu.memory_space<vmem>> -> memref<40xi32, #tpu.memory_space<vmem>>
      %dma_wait3A_115 = tpu.memref_slice %arg5[%add3A_52] : memref<160000xi32, #tpu.memory_space<hbm>> -> memref<40xi32, #tpu.memory_space<hbm>>
      %dma_wait3A_116 = arith.constant 0 : i32
      %dma_wait3A_117 = tpu.memref_slice %arg8[%run_scoped3A_53, %dma_wait3A_116] : memref<2x40xi32, #tpu.memory_space<vmem>> -> memref<1x40xi32, #tpu.memory_space<vmem>>
      %dma_wait3A_118 = tpu.memref_squeeze %dma_wait3A_117 : memref<1x40xi32, #tpu.memory_space<vmem>> -> memref<40xi32, #tpu.memory_space<vmem>>
      %dma_wait3A_119 = tpu.memref_slice %arg5[%add3A_52] : memref<160000xi32, #tpu.memory_space<hbm>> -> memref<40xi32, #tpu.memory_space<hbm>>
      tpu.wait_dma2 semaphore(%run_scoped3A_103 : memref<!tpu.dma_semaphore, #tpu.memory_space<semaphore_mem>>) src(%dma_wait3A_119 : memref<40xi32, #tpu.memory_space<hbm>>) dst(%dma_wait3A_118 : memref<40xi32, #tpu.memory_space<vmem>>)
      tpu.yield
    }) : () -> ()
    %dma_start3A_54 = arith.constant 0 : i32
    %dma_start3A_55 = arith.constant 0 : i32
    %dma_start3A_56 = arith.constant 0 : i32
    %dma_start3A_57 = arith.constant 0 : i32
    %dma_start3A_58 = tpu.memref_slice %arg9[%dma_start3A_55, %dma_start3A_56, %dma_start3A_57] : memref<2x40x512xf32, #tpu.memory_space<vmem>> -> memref<1x40x512xf32, #tpu.memory_space<vmem>>
    %dma_start3A_59 = tpu.memref_squeeze %dma_start3A_58 : memref<1x40x512xf32, #tpu.memory_space<vmem>> -> memref<40x512xf32, #tpu.memory_space<vmem>>
    %dma_start3A_60 = arith.constant 0 : i32
    %dma_start3A_61 = tpu.memref_slice %arg8[%dma_start3A_54, %dma_start3A_60] : memref<2x40xi32, #tpu.memory_space<vmem>> -> memref<1x40xi32, #tpu.memory_space<vmem>>
    %dma_start3A_62 = tpu.memref_squeeze %dma_start3A_61 : memref<1x40xi32, #tpu.memory_space<vmem>> -> memref<40xi32, #tpu.memory_space<vmem>>
    %dma_start3A_63 = arith.constant 0 : i32
    %dma_start3A_64 = arith.constant 0 : i32
    %dma_start3A_65 = tpu.memref_slice %arg3[%dma_start3A_63, %dma_start3A_64] : memref<10000x512xf32, #tpu.memory_space<hbm>> -> memref<10000x512xf32, #tpu.memory_space<hbm>>
    tpu.enqueue_indirect_dma source(%dma_start3A_65 : memref<10000x512xf32, #tpu.memory_space<hbm>>) target(%dma_start3A_59 : memref<40x512xf32, #tpu.memory_space<vmem>>) offsets(%dma_start3A_62 : memref<40xi32, #tpu.memory_space<vmem>>) semaphore(%arg10 : memref<!tpu.dma_semaphore, #tpu.memory_space<semaphore_mem>>)
    %scan3A_66 = arith.constant 0 : i32
    %scan3A_67 = arith.constant 0 : i32
    %scan3A_68 = arith.constant 63 : i32
    %scan3A_69 = arith.addi %scan3A_67, %scan3A_68 : i32
    %scan3A_70 = arith.constant 1 : i32
    %scan3A_71 = scf.for %scan3A_103 = %scan3A_67 to %scan3A_69 step %scan3A_70 iter_args(%scan3A_104 = %scan3A_66) -> (i32)  : i32 {
      %mul3A_105 = arith.constant 2 : i32
      %mul3A_106 = arith.muli %mul3A_105, %scan3A_103 : i32
      %add3A_107 = arith.constant 0 : i32
      %add3A_108 = arith.addi %mul3A_106, %add3A_107 : i32
      %add3A_109 = arith.constant 1 : i32
      %add3A_110 = arith.addi %add3A_108, %add3A_109 : i32
      %lt3A = arith.constant 125 : i32
      %lt3A_111 = arith.cmpi slt, %add3A_110, %lt3A : i32
      %convert_element_type3A = arith.extui %lt3A_111 : i1 to i32
      %cond3A = arith.constant 0 : i32
      %cond3A_112 = arith.cmpi ne, %convert_element_type3A, %cond3A : i32
      scf.if %cond3A_112 {
        %ge3A = arith.constant 1 : i32
        %ge3A_135 = arith.cmpi sge, %add3A_108, %ge3A : i32
        %convert_element_type3A_136 = arith.extui %ge3A_135 : i1 to i32
        %cond3A_137 = arith.constant 0 : i32
        %cond3A_138 = arith.cmpi ne, %convert_element_type3A_136, %cond3A_137 : i32
        scf.if %cond3A_138 {
          %dma_wait3A_157 = arith.constant 1 : i32
          %dma_wait3A_158 = arith.constant 0 : i32
          %dma_wait3A_159 = arith.constant 0 : i32
          %dma_wait3A_160 = tpu.memref_slice %arg9[%dma_wait3A_157, %dma_wait3A_158, %dma_wait3A_159] : memref<2x40x512xf32, #tpu.memory_space<vmem>> -> memref<1x40x512xf32, #tpu.memory_space<vmem>>
          %dma_wait3A_161 = tpu.memref_squeeze %dma_wait3A_160 : memref<1x40x512xf32, #tpu.memory_space<vmem>> -> memref<40x512xf32, #tpu.memory_space<vmem>>
          %dma_wait3A_162 = arith.constant 0 : i32
          %dma_wait3A_163 = arith.constant 0 : i32
          %dma_wait3A_164 = tpu.memref_slice %arg7[%dma_wait3A_162, %dma_wait3A_163] : memref<160000x512xf32, #tpu.memory_space<hbm>> -> memref<40x512xf32, #tpu.memory_space<hbm>>
          %dma_wait3A_165 = arith.constant 0 : i32
          %dma_wait3A_166 = arith.constant 0 : i32
          %dma_wait3A_167 = tpu.memref_slice %arg7[%dma_wait3A_165, %dma_wait3A_166] : memref<160000x512xf32, #tpu.memory_space<hbm>> -> memref<40x512xf32, #tpu.memory_space<hbm>>
          %dma_wait3A_168 = arith.constant 0 : i32
          %dma_wait3A_169 = arith.constant 0 : i32
          %dma_wait3A_170 = tpu.memref_slice %arg9[%dma_wait3A_157, %dma_wait3A_168, %dma_wait3A_169] : memref<2x40x512xf32, #tpu.memory_space<vmem>> -> memref<1x40x512xf32, #tpu.memory_space<vmem>>
          %dma_wait3A_171 = tpu.memref_squeeze %dma_wait3A_170 : memref<1x40x512xf32, #tpu.memory_space<vmem>> -> memref<40x512xf32, #tpu.memory_space<vmem>>
          tpu.wait_dma2 semaphore(%arg13 : memref<!tpu.dma_semaphore, #tpu.memory_space<semaphore_mem>>) src(%dma_wait3A_171 : memref<40x512xf32, #tpu.memory_space<vmem>>) dst(%dma_wait3A_167 : memref<40x512xf32, #tpu.memory_space<hbm>>)
        } else {
        }
        %add3A_139 = arith.constant 1 : i32
        %add3A_140 = arith.addi %add3A_108, %add3A_139 : i32
        %mul3A_141 = arith.constant 40 : i32
        %mul3A_142 = arith.muli %add3A_140, %mul3A_141 : i32
        %add3A_143 = arith.addi %mul3A_2, %mul3A_142 : i32
        %run_scoped3A_144 = arith.constant 1 : i32
        "tpu.region"() ({
          %run_scoped3A_157 = tpu.sem_alloc : memref<!tpu.dma_semaphore, #tpu.memory_space<semaphore_mem>>
          %dma_start3A_158 = arith.constant 0 : i32
          %dma_start3A_159 = tpu.memref_slice %arg8[%run_scoped3A_144, %dma_start3A_158] : memref<2x40xi32, #tpu.memory_space<vmem>> -> memref<1x40xi32, #tpu.memory_space<vmem>>
          %dma_start3A_160 = tpu.memref_squeeze %dma_start3A_159 : memref<1x40xi32, #tpu.memory_space<vmem>> -> memref<40xi32, #tpu.memory_space<vmem>>
          %dma_start3A_161 = tpu.memref_slice %arg5[%add3A_143] : memref<160000xi32, #tpu.memory_space<hbm>> -> memref<40xi32, #tpu.memory_space<hbm>>
          %dma_start3A_162 = arith.constant 0 : i32
          %dma_start3A_163 = tpu.memref_slice %arg8[%run_scoped3A_144, %dma_start3A_162] : memref<2x40xi32, #tpu.memory_space<vmem>> -> memref<1x40xi32, #tpu.memory_space<vmem>>
          %dma_start3A_164 = tpu.memref_squeeze %dma_start3A_163 : memref<1x40xi32, #tpu.memory_space<vmem>> -> memref<40xi32, #tpu.memory_space<vmem>>
          %dma_start3A_165 = tpu.memref_slice %arg5[%add3A_143] : memref<160000xi32, #tpu.memory_space<hbm>> -> memref<40xi32, #tpu.memory_space<hbm>>
          tpu.enqueue_dma source(%dma_start3A_165 : memref<40xi32, #tpu.memory_space<hbm>>) target(%dma_start3A_164 : memref<40xi32, #tpu.memory_space<vmem>>) target_semaphore(%run_scoped3A_157 : memref<!tpu.dma_semaphore, #tpu.memory_space<semaphore_mem>>)
          %dma_wait3A_166 = arith.constant 0 : i32
          %dma_wait3A_167 = tpu.memref_slice %arg8[%run_scoped3A_144, %dma_wait3A_166] : memref<2x40xi32, #tpu.memory_space<vmem>> -> memref<1x40xi32, #tpu.memory_space<vmem>>
          %dma_wait3A_168 = tpu.memref_squeeze %dma_wait3A_167 : memref<1x40xi32, #tpu.memory_space<vmem>> -> memref<40xi32, #tpu.memory_space<vmem>>
          %dma_wait3A_169 = tpu.memref_slice %arg5[%add3A_143] : memref<160000xi32, #tpu.memory_space<hbm>> -> memref<40xi32, #tpu.memory_space<hbm>>
          %dma_wait3A_170 = arith.constant 0 : i32
          %dma_wait3A_171 = tpu.memref_slice %arg8[%run_scoped3A_144, %dma_wait3A_170] : memref<2x40xi32, #tpu.memory_space<vmem>> -> memref<1x40xi32, #tpu.memory_space<vmem>>
          %dma_wait3A_172 = tpu.memref_squeeze %dma_wait3A_171 : memref<1x40xi32, #tpu.memory_space<vmem>> -> memref<40xi32, #tpu.memory_space<vmem>>
          %dma_wait3A_173 = tpu.memref_slice %arg5[%add3A_143] : memref<160000xi32, #tpu.memory_space<hbm>> -> memref<40xi32, #tpu.memory_space<hbm>>
          tpu.wait_dma2 semaphore(%run_scoped3A_157 : memref<!tpu.dma_semaphore, #tpu.memory_space<semaphore_mem>>) src(%dma_wait3A_173 : memref<40xi32, #tpu.memory_space<hbm>>) dst(%dma_wait3A_172 : memref<40xi32, #tpu.memory_space<vmem>>)
          tpu.yield
        }) : () -> ()
        %dma_start3A_145 = arith.constant 1 : i32
        %dma_start3A_146 = arith.constant 1 : i32
        %dma_start3A_147 = arith.constant 0 : i32
        %dma_start3A_148 = arith.constant 0 : i32
        %dma_start3A_149 = tpu.memref_slice %arg9[%dma_start3A_146, %dma_start3A_147, %dma_start3A_148] : memref<2x40x512xf32, #tpu.memory_space<vmem>> -> memref<1x40x512xf32, #tpu.memory_space<vmem>>
        %dma_start3A_150 = tpu.memref_squeeze %dma_start3A_149 : memref<1x40x512xf32, #tpu.memory_space<vmem>> -> memref<40x512xf32, #tpu.memory_space<vmem>>
        %dma_start3A_151 = arith.constant 0 : i32
        %dma_start3A_152 = tpu.memref_slice %arg8[%dma_start3A_145, %dma_start3A_151] : memref<2x40xi32, #tpu.memory_space<vmem>> -> memref<1x40xi32, #tpu.memory_space<vmem>>
        %dma_start3A_153 = tpu.memref_squeeze %dma_start3A_152 : memref<1x40xi32, #tpu.memory_space<vmem>> -> memref<40xi32, #tpu.memory_space<vmem>>
        %dma_start3A_154 = arith.constant 0 : i32
        %dma_start3A_155 = arith.constant 0 : i32
        %dma_start3A_156 = tpu.memref_slice %arg3[%dma_start3A_154, %dma_start3A_155] : memref<10000x512xf32, #tpu.memory_space<hbm>> -> memref<10000x512xf32, #tpu.memory_space<hbm>>
        tpu.enqueue_indirect_dma source(%dma_start3A_156 : memref<10000x512xf32, #tpu.memory_space<hbm>>) target(%dma_start3A_150 : memref<40x512xf32, #tpu.memory_space<vmem>>) offsets(%dma_start3A_153 : memref<40xi32, #tpu.memory_space<vmem>>) semaphore(%arg11 : memref<!tpu.dma_semaphore, #tpu.memory_space<semaphore_mem>>)
      } else {
      }
      %lt3A_113 = arith.constant 125 : i32
      %lt3A_114 = arith.cmpi slt, %add3A_108, %lt3A_113 : i32
      %convert_element_type3A_115 = arith.extui %lt3A_114 : i1 to i32
      %cond3A_116 = arith.constant 0 : i32
      %cond3A_117 = arith.cmpi ne, %convert_element_type3A_115, %cond3A_116 : i32
      scf.if %cond3A_117 {
        %dma_wait3A_135 = arith.constant 0 : i32
        %dma_wait3A_136 = arith.constant 0 : i32
        %dma_wait3A_137 = arith.constant 0 : i32
        %dma_wait3A_138 = tpu.memref_slice %arg9[%dma_wait3A_135, %dma_wait3A_136, %dma_wait3A_137] : memref<2x40x512xf32, #tpu.memory_space<vmem>> -> memref<1x40x512xf32, #tpu.memory_space<vmem>>
        %dma_wait3A_139 = tpu.memref_squeeze %dma_wait3A_138 : memref<1x40x512xf32, #tpu.memory_space<vmem>> -> memref<40x512xf32, #tpu.memory_space<vmem>>
        %dma_wait3A_140 = arith.constant 0 : i32
        %dma_wait3A_141 = arith.constant 0 : i32
        %dma_wait3A_142 = tpu.memref_slice %arg3[%dma_wait3A_140, %dma_wait3A_141] : memref<10000x512xf32, #tpu.memory_space<hbm>> -> memref<40x512xf32, #tpu.memory_space<hbm>>
        %dma_wait3A_143 = arith.constant 0 : i32
        %dma_wait3A_144 = arith.constant 0 : i32
        %dma_wait3A_145 = tpu.memref_slice %arg9[%dma_wait3A_135, %dma_wait3A_143, %dma_wait3A_144] : memref<2x40x512xf32, #tpu.memory_space<vmem>> -> memref<1x40x512xf32, #tpu.memory_space<vmem>>
        %dma_wait3A_146 = tpu.memref_squeeze %dma_wait3A_145 : memref<1x40x512xf32, #tpu.memory_space<vmem>> -> memref<40x512xf32, #tpu.memory_space<vmem>>
        %dma_wait3A_147 = arith.constant 0 : i32
        %dma_wait3A_148 = arith.constant 0 : i32
        %dma_wait3A_149 = tpu.memref_slice %arg3[%dma_wait3A_147, %dma_wait3A_148] : memref<10000x512xf32, #tpu.memory_space<hbm>> -> memref<40x512xf32, #tpu.memory_space<hbm>>
        tpu.wait_dma2 semaphore(%arg10 : memref<!tpu.dma_semaphore, #tpu.memory_space<semaphore_mem>>) src(%dma_wait3A_149 : memref<40x512xf32, #tpu.memory_space<hbm>>) dst(%dma_wait3A_146 : memref<40x512xf32, #tpu.memory_space<vmem>>)
        %mul3A_150 = arith.constant 40 : i32
        %mul3A_151 = arith.muli %add3A_108, %mul3A_150 : i32
        %add3A_152 = arith.addi %mul3A_2, %mul3A_151 : i32
        %dma_start3A_153 = arith.constant 0 : i32
        %dma_start3A_154 = arith.constant 0 : i32
        %dma_start3A_155 = arith.constant 0 : i32
        %dma_start3A_156 = tpu.memref_slice %arg9[%dma_start3A_153, %dma_start3A_154, %dma_start3A_155] : memref<2x40x512xf32, #tpu.memory_space<vmem>> -> memref<1x40x512xf32, #tpu.memory_space<vmem>>
        %dma_start3A_157 = tpu.memref_squeeze %dma_start3A_156 : memref<1x40x512xf32, #tpu.memory_space<vmem>> -> memref<40x512xf32, #tpu.memory_space<vmem>>
        %dma_start3A_158 = arith.constant 0 : i32
        %dma_start3A_159 = tpu.memref_slice %arg7[%add3A_152, %dma_start3A_158] : memref<160000x512xf32, #tpu.memory_space<hbm>> -> memref<40x512xf32, #tpu.memory_space<hbm>>
        %dma_start3A_160 = arith.constant 0 : i32
        %dma_start3A_161 = tpu.memref_slice %arg7[%add3A_152, %dma_start3A_160] : memref<160000x512xf32, #tpu.memory_space<hbm>> -> memref<40x512xf32, #tpu.memory_space<hbm>>
        %dma_start3A_162 = arith.constant 0 : i32
        %dma_start3A_163 = arith.constant 0 : i32
        %dma_start3A_164 = tpu.memref_slice %arg9[%dma_start3A_153, %dma_start3A_162, %dma_start3A_163] : memref<2x40x512xf32, #tpu.memory_space<vmem>> -> memref<1x40x512xf32, #tpu.memory_space<vmem>>
        %dma_start3A_165 = tpu.memref_squeeze %dma_start3A_164 : memref<1x40x512xf32, #tpu.memory_space<vmem>> -> memref<40x512xf32, #tpu.memory_space<vmem>>
        tpu.enqueue_dma source(%dma_start3A_165 : memref<40x512xf32, #tpu.memory_space<vmem>>) target(%dma_start3A_161 : memref<40x512xf32, #tpu.memory_space<hbm>>) target_semaphore(%arg12 : memref<!tpu.dma_semaphore, #tpu.memory_space<semaphore_mem>>)
      } else {
      }
      %mul3A_118 = arith.constant 2 : i32
      %mul3A_119 = arith.muli %mul3A_118, %scan3A_103 : i32
      %add3A_120 = arith.constant 1 : i32
      %add3A_121 = arith.addi %mul3A_119, %add3A_120 : i32
      %add3A_122 = arith.constant 1 : i32
      %add3A_123 = arith.addi %add3A_121, %add3A_122 : i32
      %lt3A_124 = arith.constant 125 : i32
      %lt3A_125 = arith.cmpi slt, %add3A_123, %lt3A_124 : i32
      %convert_element_type3A_126 = arith.extui %lt3A_125 : i1 to i32
      %cond3A_127 = arith.constant 0 : i32
      %cond3A_128 = arith.cmpi ne, %convert_element_type3A_126, %cond3A_127 : i32
      scf.if %cond3A_128 {
        %ge3A = arith.constant 1 : i32
        %ge3A_135 = arith.cmpi sge, %add3A_121, %ge3A : i32
        %convert_element_type3A_136 = arith.extui %ge3A_135 : i1 to i32
        %cond3A_137 = arith.constant 0 : i32
        %cond3A_138 = arith.cmpi ne, %convert_element_type3A_136, %cond3A_137 : i32
        scf.if %cond3A_138 {
          %dma_wait3A_157 = arith.constant 0 : i32
          %dma_wait3A_158 = arith.constant 0 : i32
          %dma_wait3A_159 = arith.constant 0 : i32
          %dma_wait3A_160 = tpu.memref_slice %arg9[%dma_wait3A_157, %dma_wait3A_158, %dma_wait3A_159] : memref<2x40x512xf32, #tpu.memory_space<vmem>> -> memref<1x40x512xf32, #tpu.memory_space<vmem>>
          %dma_wait3A_161 = tpu.memref_squeeze %dma_wait3A_160 : memref<1x40x512xf32, #tpu.memory_space<vmem>> -> memref<40x512xf32, #tpu.memory_space<vmem>>
          %dma_wait3A_162 = arith.constant 0 : i32
          %dma_wait3A_163 = arith.constant 0 : i32
          %dma_wait3A_164 = tpu.memref_slice %arg7[%dma_wait3A_162, %dma_wait3A_163] : memref<160000x512xf32, #tpu.memory_space<hbm>> -> memref<40x512xf32, #tpu.memory_space<hbm>>
          %dma_wait3A_165 = arith.constant 0 : i32
          %dma_wait3A_166 = arith.constant 0 : i32
          %dma_wait3A_167 = tpu.memref_slice %arg7[%dma_wait3A_165, %dma_wait3A_166] : memref<160000x512xf32, #tpu.memory_space<hbm>> -> memref<40x512xf32, #tpu.memory_space<hbm>>
          %dma_wait3A_168 = arith.constant 0 : i32
          %dma_wait3A_169 = arith.constant 0 : i32
          %dma_wait3A_170 = tpu.memref_slice %arg9[%dma_wait3A_157, %dma_wait3A_168, %dma_wait3A_169] : memref<2x40x512xf32, #tpu.memory_space<vmem>> -> memref<1x40x512xf32, #tpu.memory_space<vmem>>
          %dma_wait3A_171 = tpu.memref_squeeze %dma_wait3A_170 : memref<1x40x512xf32, #tpu.memory_space<vmem>> -> memref<40x512xf32, #tpu.memory_space<vmem>>
          tpu.wait_dma2 semaphore(%arg12 : memref<!tpu.dma_semaphore, #tpu.memory_space<semaphore_mem>>) src(%dma_wait3A_171 : memref<40x512xf32, #tpu.memory_space<vmem>>) dst(%dma_wait3A_167 : memref<40x512xf32, #tpu.memory_space<hbm>>)
        } else {
        }
        %add3A_139 = arith.constant 1 : i32
        %add3A_140 = arith.addi %add3A_121, %add3A_139 : i32
        %mul3A_141 = arith.constant 40 : i32
        %mul3A_142 = arith.muli %add3A_140, %mul3A_141 : i32
        %add3A_143 = arith.addi %mul3A_2, %mul3A_142 : i32
        %run_scoped3A_144 = arith.constant 0 : i32
        "tpu.region"() ({
          %run_scoped3A_157 = tpu.sem_alloc : memref<!tpu.dma_semaphore, #tpu.memory_space<semaphore_mem>>
          %dma_start3A_158 = arith.constant 0 : i32
          %dma_start3A_159 = tpu.memref_slice %arg8[%run_scoped3A_144, %dma_start3A_158] : memref<2x40xi32, #tpu.memory_space<vmem>> -> memref<1x40xi32, #tpu.memory_space<vmem>>
          %dma_start3A_160 = tpu.memref_squeeze %dma_start3A_159 : memref<1x40xi32, #tpu.memory_space<vmem>> -> memref<40xi32, #tpu.memory_space<vmem>>
          %dma_start3A_161 = tpu.memref_slice %arg5[%add3A_143] : memref<160000xi32, #tpu.memory_space<hbm>> -> memref<40xi32, #tpu.memory_space<hbm>>
          %dma_start3A_162 = arith.constant 0 : i32
          %dma_start3A_163 = tpu.memref_slice %arg8[%run_scoped3A_144, %dma_start3A_162] : memref<2x40xi32, #tpu.memory_space<vmem>> -> memref<1x40xi32, #tpu.memory_space<vmem>>
          %dma_start3A_164 = tpu.memref_squeeze %dma_start3A_163 : memref<1x40xi32, #tpu.memory_space<vmem>> -> memref<40xi32, #tpu.memory_space<vmem>>
          %dma_start3A_165 = tpu.memref_slice %arg5[%add3A_143] : memref<160000xi32, #tpu.memory_space<hbm>> -> memref<40xi32, #tpu.memory_space<hbm>>
          tpu.enqueue_dma source(%dma_start3A_165 : memref<40xi32, #tpu.memory_space<hbm>>) target(%dma_start3A_164 : memref<40xi32, #tpu.memory_space<vmem>>) target_semaphore(%run_scoped3A_157 : memref<!tpu.dma_semaphore, #tpu.memory_space<semaphore_mem>>)
          %dma_wait3A_166 = arith.constant 0 : i32
          %dma_wait3A_167 = tpu.memref_slice %arg8[%run_scoped3A_144, %dma_wait3A_166] : memref<2x40xi32, #tpu.memory_space<vmem>> -> memref<1x40xi32, #tpu.memory_space<vmem>>
          %dma_wait3A_168 = tpu.memref_squeeze %dma_wait3A_167 : memref<1x40xi32, #tpu.memory_space<vmem>> -> memref<40xi32, #tpu.memory_space<vmem>>
          %dma_wait3A_169 = tpu.memref_slice %arg5[%add3A_143] : memref<160000xi32, #tpu.memory_space<hbm>> -> memref<40xi32, #tpu.memory_space<hbm>>
          %dma_wait3A_170 = arith.constant 0 : i32
          %dma_wait3A_171 = tpu.memref_slice %arg8[%run_scoped3A_144, %dma_wait3A_170] : memref<2x40xi32, #tpu.memory_space<vmem>> -> memref<1x40xi32, #tpu.memory_space<vmem>>
          %dma_wait3A_172 = tpu.memref_squeeze %dma_wait3A_171 : memref<1x40xi32, #tpu.memory_space<vmem>> -> memref<40xi32, #tpu.memory_space<vmem>>
          %dma_wait3A_173 = tpu.memref_slice %arg5[%add3A_143] : memref<160000xi32, #tpu.memory_space<hbm>> -> memref<40xi32, #tpu.memory_space<hbm>>
          tpu.wait_dma2 semaphore(%run_scoped3A_157 : memref<!tpu.dma_semaphore, #tpu.memory_space<semaphore_mem>>) src(%dma_wait3A_173 : memref<40xi32, #tpu.memory_space<hbm>>) dst(%dma_wait3A_172 : memref<40xi32, #tpu.memory_space<vmem>>)
          tpu.yield
        }) : () -> ()
        %dma_start3A_145 = arith.constant 0 : i32
        %dma_start3A_146 = arith.constant 0 : i32
        %dma_start3A_147 = arith.constant 0 : i32
        %dma_start3A_148 = arith.constant 0 : i32
        %dma_start3A_149 = tpu.memref_slice %arg9[%dma_start3A_146, %dma_start3A_147, %dma_start3A_148] : memref<2x40x512xf32, #tpu.memory_space<vmem>> -> memref<1x40x512xf32, #tpu.memory_space<vmem>>
        %dma_start3A_150 = tpu.memref_squeeze %dma_start3A_149 : memref<1x40x512xf32, #tpu.memory_space<vmem>> -> memref<40x512xf32, #tpu.memory_space<vmem>>
        %dma_start3A_151 = arith.constant 0 : i32
        %dma_start3A_152 = tpu.memref_slice %arg8[%dma_start3A_145, %dma_start3A_151] : memref<2x40xi32, #tpu.memory_space<vmem>> -> memref<1x40xi32, #tpu.memory_space<vmem>>
        %dma_start3A_153 = tpu.memref_squeeze %dma_start3A_152 : memref<1x40xi32, #tpu.memory_space<vmem>> -> memref<40xi32, #tpu.memory_space<vmem>>
        %dma_start3A_154 = arith.constant 0 : i32
        %dma_start3A_155 = arith.constant 0 : i32
        %dma_start3A_156 = tpu.memref_slice %arg3[%dma_start3A_154, %dma_start3A_155] : memref<10000x512xf32, #tpu.memory_space<hbm>> -> memref<10000x512xf32, #tpu.memory_space<hbm>>
        tpu.enqueue_indirect_dma source(%dma_start3A_156 : memref<10000x512xf32, #tpu.memory_space<hbm>>) target(%dma_start3A_150 : memref<40x512xf32, #tpu.memory_space<vmem>>) offsets(%dma_start3A_153 : memref<40xi32, #tpu.memory_space<vmem>>) semaphore(%arg10 : memref<!tpu.dma_semaphore, #tpu.memory_space<semaphore_mem>>)
      } else {
      }
      %lt3A_129 = arith.constant 125 : i32
      %lt3A_130 = arith.cmpi slt, %add3A_121, %lt3A_129 : i32
      %convert_element_type3A_131 = arith.extui %lt3A_130 : i1 to i32
      %cond3A_132 = arith.constant 0 : i32
      %cond3A_133 = arith.cmpi ne, %convert_element_type3A_131, %cond3A_132 : i32
      scf.if %cond3A_133 {
        %dma_wait3A_135 = arith.constant 1 : i32
        %dma_wait3A_136 = arith.constant 0 : i32
        %dma_wait3A_137 = arith.constant 0 : i32
        %dma_wait3A_138 = tpu.memref_slice %arg9[%dma_wait3A_135, %dma_wait3A_136, %dma_wait3A_137] : memref<2x40x512xf32, #tpu.memory_space<vmem>> -> memref<1x40x512xf32, #tpu.memory_space<vmem>>
        %dma_wait3A_139 = tpu.memref_squeeze %dma_wait3A_138 : memref<1x40x512xf32, #tpu.memory_space<vmem>> -> memref<40x512xf32, #tpu.memory_space<vmem>>
        %dma_wait3A_140 = arith.constant 0 : i32
        %dma_wait3A_141 = arith.constant 0 : i32
        %dma_wait3A_142 = tpu.memref_slice %arg3[%dma_wait3A_140, %dma_wait3A_141] : memref<10000x512xf32, #tpu.memory_space<hbm>> -> memref<40x512xf32, #tpu.memory_space<hbm>>
        %dma_wait3A_143 = arith.constant 0 : i32
        %dma_wait3A_144 = arith.constant 0 : i32
        %dma_wait3A_145 = tpu.memref_slice %arg9[%dma_wait3A_135, %dma_wait3A_143, %dma_wait3A_144] : memref<2x40x512xf32, #tpu.memory_space<vmem>> -> memref<1x40x512xf32, #tpu.memory_space<vmem>>
        %dma_wait3A_146 = tpu.memref_squeeze %dma_wait3A_145 : memref<1x40x512xf32, #tpu.memory_space<vmem>> -> memref<40x512xf32, #tpu.memory_space<vmem>>
        %dma_wait3A_147 = arith.constant 0 : i32
        %dma_wait3A_148 = arith.constant 0 : i32
        %dma_wait3A_149 = tpu.memref_slice %arg3[%dma_wait3A_147, %dma_wait3A_148] : memref<10000x512xf32, #tpu.memory_space<hbm>> -> memref<40x512xf32, #tpu.memory_space<hbm>>
        tpu.wait_dma2 semaphore(%arg11 : memref<!tpu.dma_semaphore, #tpu.memory_space<semaphore_mem>>) src(%dma_wait3A_149 : memref<40x512xf32, #tpu.memory_space<hbm>>) dst(%dma_wait3A_146 : memref<40x512xf32, #tpu.memory_space<vmem>>)
        %mul3A_150 = arith.constant 40 : i32
        %mul3A_151 = arith.muli %add3A_121, %mul3A_150 : i32
        %add3A_152 = arith.addi %mul3A_2, %mul3A_151 : i32
        %dma_start3A_153 = arith.constant 1 : i32
        %dma_start3A_154 = arith.constant 0 : i32
        %dma_start3A_155 = arith.constant 0 : i32
        %dma_start3A_156 = tpu.memref_slice %arg9[%dma_start3A_153, %dma_start3A_154, %dma_start3A_155] : memref<2x40x512xf32, #tpu.memory_space<vmem>> -> memref<1x40x512xf32, #tpu.memory_space<vmem>>
        %dma_start3A_157 = tpu.memref_squeeze %dma_start3A_156 : memref<1x40x512xf32, #tpu.memory_space<vmem>> -> memref<40x512xf32, #tpu.memory_space<vmem>>
        %dma_start3A_158 = arith.constant 0 : i32
        %dma_start3A_159 = tpu.memref_slice %arg7[%add3A_152, %dma_start3A_158] : memref<160000x512xf32, #tpu.memory_space<hbm>> -> memref<40x512xf32, #tpu.memory_space<hbm>>
        %dma_start3A_160 = arith.constant 0 : i32
        %dma_start3A_161 = tpu.memref_slice %arg7[%add3A_152, %dma_start3A_160] : memref<160000x512xf32, #tpu.memory_space<hbm>> -> memref<40x512xf32, #tpu.memory_space<hbm>>
        %dma_start3A_162 = arith.constant 0 : i32
        %dma_start3A_163 = arith.constant 0 : i32
        %dma_start3A_164 = tpu.memref_slice %arg9[%dma_start3A_153, %dma_start3A_162, %dma_start3A_163] : memref<2x40x512xf32, #tpu.memory_space<vmem>> -> memref<1x40x512xf32, #tpu.memory_space<vmem>>
        %dma_start3A_165 = tpu.memref_squeeze %dma_start3A_164 : memref<1x40x512xf32, #tpu.memory_space<vmem>> -> memref<40x512xf32, #tpu.memory_space<vmem>>
        tpu.enqueue_dma source(%dma_start3A_165 : memref<40x512xf32, #tpu.memory_space<vmem>>) target(%dma_start3A_161 : memref<40x512xf32, #tpu.memory_space<hbm>>) target_semaphore(%arg13 : memref<!tpu.dma_semaphore, #tpu.memory_space<semaphore_mem>>)
      } else {
      }
      %scan3A_134 = arith.constant 0 : i32
      scf.yield %scan3A_134 : i32
    }
    %scan3A_72 = arith.constant 63 : i32
    %dma_wait3A_73 = arith.constant 0 : i32
    %dma_wait3A_74 = arith.constant 0 : i32
    %dma_wait3A_75 = arith.constant 0 : i32
    %dma_wait3A_76 = tpu.memref_slice %arg9[%dma_wait3A_73, %dma_wait3A_74, %dma_wait3A_75] : memref<2x40x512xf32, #tpu.memory_space<vmem>> -> memref<1x40x512xf32, #tpu.memory_space<vmem>>
    %dma_wait3A_77 = tpu.memref_squeeze %dma_wait3A_76 : memref<1x40x512xf32, #tpu.memory_space<vmem>> -> memref<40x512xf32, #tpu.memory_space<vmem>>
    %dma_wait3A_78 = arith.constant 0 : i32
    %dma_wait3A_79 = arith.constant 0 : i32
    %dma_wait3A_80 = tpu.memref_slice %arg7[%dma_wait3A_78, %dma_wait3A_79] : memref<160000x512xf32, #tpu.memory_space<hbm>> -> memref<40x512xf32, #tpu.memory_space<hbm>>
    %dma_wait3A_81 = arith.constant 0 : i32
    %dma_wait3A_82 = arith.constant 0 : i32
    %dma_wait3A_83 = tpu.memref_slice %arg7[%dma_wait3A_81, %dma_wait3A_82] : memref<160000x512xf32, #tpu.memory_space<hbm>> -> memref<40x512xf32, #tpu.memory_space<hbm>>
    %dma_wait3A_84 = arith.constant 0 : i32
    %dma_wait3A_85 = arith.constant 0 : i32
    %dma_wait3A_86 = tpu.memref_slice %arg9[%dma_wait3A_73, %dma_wait3A_84, %dma_wait3A_85] : memref<2x40x512xf32, #tpu.memory_space<vmem>> -> memref<1x40x512xf32, #tpu.memory_space<vmem>>
    %dma_wait3A_87 = tpu.memref_squeeze %dma_wait3A_86 : memref<1x40x512xf32, #tpu.memory_space<vmem>> -> memref<40x512xf32, #tpu.memory_space<vmem>>
    tpu.wait_dma2 semaphore(%arg12 : memref<!tpu.dma_semaphore, #tpu.memory_space<semaphore_mem>>) src(%dma_wait3A_87 : memref<40x512xf32, #tpu.memory_space<vmem>>) dst(%dma_wait3A_83 : memref<40x512xf32, #tpu.memory_space<hbm>>)
    %dma_wait3A_88 = arith.constant 1 : i32
    %dma_wait3A_89 = arith.constant 0 : i32
    %dma_wait3A_90 = arith.constant 0 : i32
    %dma_wait3A_91 = tpu.memref_slice %arg9[%dma_wait3A_88, %dma_wait3A_89, %dma_wait3A_90] : memref<2x40x512xf32, #tpu.memory_space<vmem>> -> memref<1x40x512xf32, #tpu.memory_space<vmem>>
    %dma_wait3A_92 = tpu.memref_squeeze %dma_wait3A_91 : memref<1x40x512xf32, #tpu.memory_space<vmem>> -> memref<40x512xf32, #tpu.memory_space<vmem>>
    %dma_wait3A_93 = arith.constant 0 : i32
    %dma_wait3A_94 = arith.constant 0 : i32
    %dma_wait3A_95 = tpu.memref_slice %arg7[%dma_wait3A_93, %dma_wait3A_94] : memref<160000x512xf32, #tpu.memory_space<hbm>> -> memref<40x512xf32, #tpu.memory_space<hbm>>
    %dma_wait3A_96 = arith.constant 0 : i32
    %dma_wait3A_97 = arith.constant 0 : i32
    %dma_wait3A_98 = tpu.memref_slice %arg7[%dma_wait3A_96, %dma_wait3A_97] : memref<160000x512xf32, #tpu.memory_space<hbm>> -> memref<40x512xf32, #tpu.memory_space<hbm>>
    %dma_wait3A_99 = arith.constant 0 : i32
    %dma_wait3A_100 = arith.constant 0 : i32
    %dma_wait3A_101 = tpu.memref_slice %arg9[%dma_wait3A_88, %dma_wait3A_99, %dma_wait3A_100] : memref<2x40x512xf32, #tpu.memory_space<vmem>> -> memref<1x40x512xf32, #tpu.memory_space<vmem>>
    %dma_wait3A_102 = tpu.memref_squeeze %dma_wait3A_101 : memref<1x40x512xf32, #tpu.memory_space<vmem>> -> memref<40x512xf32, #tpu.memory_space<vmem>>
    tpu.wait_dma2 semaphore(%arg13 : memref<!tpu.dma_semaphore, #tpu.memory_space<semaphore_mem>>) src(%dma_wait3A_102 : memref<40x512xf32, #tpu.memory_space<vmem>>) dst(%dma_wait3A_98 : memref<40x512xf32, #tpu.memory_space<hbm>>)
    return
  }
}

module attributes {stable_mosaic.version = 14 : i64} {
  func.func @_score_body(%arg0: i32, %arg1: memref<2000x256xf32, #tpu.memory_space<vmem>>, %arg2: memref<2000x256xf32, #tpu.memory_space<vmem>>, %arg3: memref<2000x8xf32, #tpu.memory_space<vmem>>, %arg4: memref<1x8xf32, #tpu.memory_space<vmem>>) attributes {dimension_semantics = [#tpu.dimension_semantics<arbitrary>], iteration_bounds = array<i64: 80>, scalar_prefetch = 0 : i64, scratch_operands = 0 : i64, tpu.core_type = #tpu.core_type<tc>, window_params = [{transform_indices = @transform_0, window_bounds = array<i64: 2000, 256>}, {transform_indices = @transform_1, window_bounds = array<i64: 2000, 256>}, {transform_indices = @transform_2, window_bounds = array<i64: 2000, 8>}, {pipeline_mode = #tpu.pipeline_mode<synchronous>, transform_indices = @transform_3, window_bounds = array<i64: 1, 8>}]} {
    %get3A = arith.constant 0 : index
    %get3A_0 = arith.constant 0 : index
    %get3A_1 = vector.load %arg1[%get3A, %get3A_0] : memref<2000x256xf32, #tpu.memory_space<vmem>>, vector<2000x256xf32>
    %get3A_2 = arith.constant 0 : index
    %get3A_3 = arith.constant 0 : index
    %get3A_4 = vector.load %arg2[%get3A_2, %get3A_3] : memref<2000x256xf32, #tpu.memory_space<vmem>>, vector<2000x256xf32>
    %mul3A = arith.mulf %get3A_1, %get3A_4 : vector<2000x256xf32>
    %iota3A = tpu.iota {dimensions = array<i32: 0>} : vector<256x8xi32>
    %jit3A = arith.constant 32 : i32
    %div3A = vector.broadcast %jit3A : i32 to vector<256x8xi32>
    %div3A_5 = arith.divsi %iota3A, %div3A : vector<256x8xi32>
    %sign3A = arith.constant 0 : i32
    %sign3A_6 = vector.broadcast %sign3A : i32 to vector<256x8xi32>
    %sign3A_7 = arith.cmpi sgt, %iota3A, %sign3A_6 : vector<256x8xi32>
    %sign3A_8 = arith.extui %sign3A_7 : vector<256x8xi1> to vector<256x8xi32>
    %sign3A_9 = arith.constant 0 : i32
    %sign3A_10 = vector.broadcast %sign3A_9 : i32 to vector<256x8xi32>
    %sign3A_11 = arith.cmpi slt, %iota3A, %sign3A_10 : vector<256x8xi32>
    %sign3A_12 = arith.extui %sign3A_11 : vector<256x8xi1> to vector<256x8xi32>
    %sign3A_13 = arith.subi %sign3A_8, %sign3A_12 : vector<256x8xi32>
    %sign3A_14 = arith.constant 0 : i32
    %sign3A_15 = arith.cmpi sgt, %jit3A, %sign3A_14 : i32
    %sign3A_16 = arith.extui %sign3A_15 : i1 to i32
    %sign3A_17 = arith.constant 0 : i32
    %sign3A_18 = arith.cmpi slt, %jit3A, %sign3A_17 : i32
    %sign3A_19 = arith.extui %sign3A_18 : i1 to i32
    %sign3A_20 = arith.subi %sign3A_16, %sign3A_19 : i32
    %ne3A = vector.broadcast %sign3A_20 : i32 to vector<256x8xi32>
    %ne3A_21 = arith.cmpi ne, %sign3A_13, %ne3A : vector<256x8xi32>
    %rem3A = vector.broadcast %jit3A : i32 to vector<256x8xi32>
    %rem3A_22 = arith.remsi %iota3A, %rem3A : vector<256x8xi32>
    %ne3A_23 = arith.constant 0 : i32
    %ne3A_24 = vector.broadcast %ne3A_23 : i32 to vector<256x8xi32>
    %ne3A_25 = arith.cmpi ne, %rem3A_22, %ne3A_24 : vector<256x8xi32>
    %and3A = arith.andi %ne3A_21, %ne3A_25 : vector<256x8xi1>
    %sub3A = arith.constant 1 : i32
    %sub3A_26 = vector.broadcast %sub3A : i32 to vector<256x8xi32>
    %sub3A_27 = arith.subi %div3A_5, %sub3A_26 : vector<256x8xi32>
    %select_n3A = arith.select %and3A, %sub3A_27, %div3A_5 : vector<256x8xi1>, vector<256x8xi32>
    %iota3A_28 = tpu.iota {dimensions = array<i32: 1>} : vector<256x8xi32>
    %eq3A = arith.cmpi eq, %select_n3A, %iota3A_28 : vector<256x8xi32>
    %convert_element_type3A = arith.extui %eq3A : vector<256x8xi1> to vector<256x8xi32>
    %convert_element_type3A_29 = arith.sitofp %convert_element_type3A : vector<256x8xi32> to vector<256x8xf32>
    %dot_general3A = arith.constant dense<0.000000e+00> : vector<2000x8xf32>
    %dot_general3A_30 = tpu.matmul %mul3A, %convert_element_type3A_29, %dot_general3A {dimension_numbers = #tpu.dot_dimension_numbers<[1], [0], [0], [1], [0, 0, 1, 1], [], []>, transpose_lhs_hint = false} : vector<2000x256xf32>, vector<256x8xf32>, vector<2000x8xf32> -> vector<2000x8xf32>
    %mul3A_31 = arith.constant 0.176776692 : f32
    %mul3A_32 = vector.broadcast %mul3A_31 : f32 to vector<2000x8xf32>
    %mul3A_33 = arith.mulf %dot_general3A_30, %mul3A_32 : vector<2000x8xf32>
    %swap3A = arith.constant 0 : index
    %swap3A_34 = arith.constant 0 : index
    %swap3A_35 = vector.load %arg3[%swap3A, %swap3A_34] : memref<2000x8xf32, #tpu.memory_space<vmem>>, vector<2000x8xf32>
    tpu.vector_store %arg3[%swap3A, %swap3A_34], %mul3A_33 {strides = array<i32>} : memref<2000x8xf32, #tpu.memory_space<vmem>>, vector<2000x8xf32>,
    %reduce_max3A = arith.constant dense<0xFF800000> : vector<8xf32>
    %reduce_max3A_36 = vector.multi_reduction <maximumf>, %mul3A_33, %reduce_max3A [0] : vector<2000x8xf32> to vector<8xf32>
    %broadcast_in_dim3A = vector.shape_cast %reduce_max3A_36 : vector<8xf32> to vector<1x8xf32>
    %eq3A_37 = arith.constant 0 : i32
    %eq3A_38 = arith.cmpi eq, %arg0, %eq3A_37 : i32
    %convert_element_type3A_39 = arith.extui %eq3A_38 : i1 to i32
    %cond3A = arith.constant 0 : i32
    %cond3A_40 = arith.cmpi ne, %convert_element_type3A_39, %cond3A : i32
    scf.if %cond3A_40 {
      %swap3A_46 = arith.constant 0 : index
      %swap3A_47 = arith.constant 0 : index
      %swap3A_48 = vector.load %arg4[%swap3A_46, %swap3A_47] : memref<1x8xf32, #tpu.memory_space<vmem>>, vector<1x8xf32>
      tpu.vector_store %arg4[%swap3A_46, %swap3A_47], %broadcast_in_dim3A {strides = array<i32>} : memref<1x8xf32, #tpu.memory_space<vmem>>, vector<1x8xf32>,
    } else {
    }
    %ne3A_41 = arith.constant 0 : i32
    %ne3A_42 = arith.cmpi ne, %arg0, %ne3A_41 : i32
    %convert_element_type3A_43 = arith.extui %ne3A_42 : i1 to i32
    %cond3A_44 = arith.constant 0 : i32
    %cond3A_45 = arith.cmpi ne, %convert_element_type3A_43, %cond3A_44 : i32
    scf.if %cond3A_45 {
      %get3A_46 = arith.constant 0 : index
      %get3A_47 = arith.constant 0 : index
      %get3A_48 = vector.load %arg4[%get3A_46, %get3A_47] : memref<1x8xf32, #tpu.memory_space<vmem>>, vector<1x8xf32>
      %max3A = arith.maximumf %get3A_48, %broadcast_in_dim3A : vector<1x8xf32>
      %swap3A_49 = arith.constant 0 : index
      %swap3A_50 = arith.constant 0 : index
      %swap3A_51 = vector.load %arg4[%swap3A_49, %swap3A_50] : memref<1x8xf32, #tpu.memory_space<vmem>>, vector<1x8xf32>
      tpu.vector_store %arg4[%swap3A_49, %swap3A_50], %max3A {strides = array<i32>} : memref<1x8xf32, #tpu.memory_space<vmem>>, vector<1x8xf32>,
    } else {
    }
    return
  }
  func.func @transform_0(%arg0: i32) -> (i32, i32) {
    %c0_i32 = arith.constant 0 : i32
    %c0_i32_0 = arith.constant 0 : i32
    return %arg0, %c0_i32 : i32, i32
  }
  func.func @transform_1(%arg0: i32) -> (i32, i32) {
    %c0_i32 = arith.constant 0 : i32
    %c0_i32_0 = arith.constant 0 : i32
    return %arg0, %c0_i32 : i32, i32
  }
  func.func @transform_2(%arg0: i32) -> (i32, i32) {
    %c0_i32 = arith.constant 0 : i32
    %c0_i32_0 = arith.constant 0 : i32
    return %arg0, %c0_i32 : i32, i32
  }
  func.func @transform_3(%arg0: i32) -> (i32, i32) {
    %c0_i32 = arith.constant 0 : i32
    %c0_i32_0 = arith.constant 0 : i32
    %c0_i32_1 = arith.constant 0 : i32
    return %c0_i32, %c0_i32_0 : i32, i32
  }
}

module attributes {stable_mosaic.version = 14 : i64} {
  func.func @_prep_body(%arg0: i32, %arg1: memref<1000x256xf32, #tpu.memory_space<vmem>>, %arg2: memref<1000x256xf32, #tpu.memory_space<vmem>>, %arg3: memref<256x256xf32, #tpu.memory_space<vmem>>, %arg4: memref<256x256xf32, #tpu.memory_space<vmem>>, %arg5: memref<256x256xf32, #tpu.memory_space<vmem>>, %arg6: memref<256x256xf32, #tpu.memory_space<vmem>>, %arg7: memref<1x256xf32, #tpu.memory_space<vmem>>, %arg8: memref<1x256xf32, #tpu.memory_space<vmem>>, %arg9: memref<1x256xf32, #tpu.memory_space<vmem>>, %arg10: memref<1x256xf32, #tpu.memory_space<vmem>>, %arg11: memref<1000x512xf32, #tpu.memory_space<vmem>>, %arg12: memref<1000x512xf32, #tpu.memory_space<vmem>>) attributes {dimension_semantics = [#tpu.dimension_semantics<arbitrary>], iteration_bounds = array<i64: 10>, scalar_prefetch = 0 : i64, scratch_operands = 0 : i64, tpu.core_type = #tpu.core_type<tc>, window_params = [{transform_indices = @transform_0, window_bounds = array<i64: 1000, 256>}, {transform_indices = @transform_1, window_bounds = array<i64: 1000, 256>}, {pipeline_mode = #tpu.pipeline_mode<synchronous>, transform_indices = @transform_2, window_bounds = array<i64: 256, 256>}, {pipeline_mode = #tpu.pipeline_mode<synchronous>, transform_indices = @transform_3, window_bounds = array<i64: 256, 256>}, {pipeline_mode = #tpu.pipeline_mode<synchronous>, transform_indices = @transform_4, window_bounds = array<i64: 256, 256>}, {pipeline_mode = #tpu.pipeline_mode<synchronous>, transform_indices = @transform_5, window_bounds = array<i64: 256, 256>}, {pipeline_mode = #tpu.pipeline_mode<synchronous>, transform_indices = @transform_6, window_bounds = array<i64: 1, 256>}, {pipeline_mode = #tpu.pipeline_mode<synchronous>, transform_indices = @transform_7, window_bounds = array<i64: 1, 256>}, {pipeline_mode = #tpu.pipeline_mode<synchronous>, transform_indices = @transform_8, window_bounds = array<i64: 1, 256>}, {pipeline_mode = #tpu.pipeline_mode<synchronous>, transform_indices = @transform_9, window_bounds = array<i64: 1, 256>}, {transform_indices = @transform_10, window_bounds = array<i64: 1000, 512>}, {transform_indices = @transform_11, window_bounds = array<i64: 1000, 512>}]} {
    %get3A = arith.constant 0 : index
    %get3A_0 = arith.constant 0 : index
    %get3A_1 = vector.load %arg1[%get3A, %get3A_0] : memref<1000x256xf32, #tpu.memory_space<vmem>>, vector<1000x256xf32>
    %get3A_2 = arith.constant 0 : index
    %get3A_3 = arith.constant 0 : index
    %get3A_4 = vector.load %arg7[%get3A_2, %get3A_3] : memref<1x256xf32, #tpu.memory_space<vmem>>, vector<1x256xf32>
    %get3A_5 = arith.constant 0 : index
    %get3A_6 = arith.constant 0 : index
    %get3A_7 = vector.load %arg8[%get3A_5, %get3A_6] : memref<1x256xf32, #tpu.memory_space<vmem>>, vector<1x256xf32>
    %reduce_sum3A = arith.constant dense<0.000000e+00> : vector<1000xf32>
    %reduce_sum3A_8 = vector.multi_reduction <add>, %get3A_1, %reduce_sum3A [1] : vector<1000x256xf32> to vector<1000xf32>
    %broadcast_in_dim3A = vector.shape_cast %reduce_sum3A_8 : vector<1000xf32> to vector<1000x1xf32>
    %div3A = arith.constant 2.560000e+02 : f32
    %div3A_9 = vector.broadcast %div3A : f32 to vector<1000x1xf32>
    %div3A_10 = arith.divf %broadcast_in_dim3A, %div3A_9 : vector<1000x1xf32>
    %sub3A = vector.broadcast %div3A_10 : vector<1000x1xf32> to vector<1000x256xf32>
    %sub3A_11 = arith.subf %get3A_1, %sub3A : vector<1000x256xf32>
    %sub3A_12 = vector.broadcast %div3A_10 : vector<1000x1xf32> to vector<1000x256xf32>
    %sub3A_13 = arith.subf %get3A_1, %sub3A_12 : vector<1000x256xf32>
    %mul3A = arith.mulf %sub3A_11, %sub3A_13 : vector<1000x256xf32>
    %reduce_sum3A_14 = arith.constant dense<0.000000e+00> : vector<1000xf32>
    %reduce_sum3A_15 = vector.multi_reduction <add>, %mul3A, %reduce_sum3A_14 [1] : vector<1000x256xf32> to vector<1000xf32>
    %broadcast_in_dim3A_16 = vector.shape_cast %reduce_sum3A_15 : vector<1000xf32> to vector<1000x1xf32>
    %div3A_17 = arith.constant 2.560000e+02 : f32
    %div3A_18 = vector.broadcast %div3A_17 : f32 to vector<1000x1xf32>
    %div3A_19 = arith.divf %broadcast_in_dim3A_16, %div3A_18 : vector<1000x1xf32>
    %sub3A_20 = vector.broadcast %div3A_10 : vector<1000x1xf32> to vector<1000x256xf32>
    %sub3A_21 = arith.subf %get3A_1, %sub3A_20 : vector<1000x256xf32>
    %add3A = arith.constant 9.99999974E-6 : f32
    %add3A_22 = vector.broadcast %add3A : f32 to vector<1000x1xf32>
    %add3A_23 = arith.addf %div3A_19, %add3A_22 : vector<1000x1xf32>
    %rsqrt3A = math.rsqrt %add3A_23 : vector<1000x1xf32>
    %mul3A_24 = vector.broadcast %rsqrt3A : vector<1000x1xf32> to vector<1000x256xf32>
    %mul3A_25 = arith.mulf %sub3A_21, %mul3A_24 : vector<1000x256xf32>
    %mul3A_26 = vector.broadcast %get3A_4 : vector<1x256xf32> to vector<1000x256xf32>
    %mul3A_27 = arith.mulf %mul3A_25, %mul3A_26 : vector<1000x256xf32>
    %add3A_28 = vector.broadcast %get3A_7 : vector<1x256xf32> to vector<1000x256xf32>
    %add3A_29 = arith.addf %mul3A_27, %add3A_28 : vector<1000x256xf32>
    %get3A_30 = arith.constant 0 : index
    %get3A_31 = arith.constant 0 : index
    %get3A_32 = vector.load %arg2[%get3A_30, %get3A_31] : memref<1000x256xf32, #tpu.memory_space<vmem>>, vector<1000x256xf32>
    %get3A_33 = arith.constant 0 : index
    %get3A_34 = arith.constant 0 : index
    %get3A_35 = vector.load %arg9[%get3A_33, %get3A_34] : memref<1x256xf32, #tpu.memory_space<vmem>>, vector<1x256xf32>
    %get3A_36 = arith.constant 0 : index
    %get3A_37 = arith.constant 0 : index
    %get3A_38 = vector.load %arg10[%get3A_36, %get3A_37] : memref<1x256xf32, #tpu.memory_space<vmem>>, vector<1x256xf32>
    %reduce_sum3A_39 = arith.constant dense<0.000000e+00> : vector<1000xf32>
    %reduce_sum3A_40 = vector.multi_reduction <add>, %get3A_32, %reduce_sum3A_39 [1] : vector<1000x256xf32> to vector<1000xf32>
    %broadcast_in_dim3A_41 = vector.shape_cast %reduce_sum3A_40 : vector<1000xf32> to vector<1000x1xf32>
    %div3A_42 = arith.constant 2.560000e+02 : f32
    %div3A_43 = vector.broadcast %div3A_42 : f32 to vector<1000x1xf32>
    %div3A_44 = arith.divf %broadcast_in_dim3A_41, %div3A_43 : vector<1000x1xf32>
    %sub3A_45 = vector.broadcast %div3A_44 : vector<1000x1xf32> to vector<1000x256xf32>
    %sub3A_46 = arith.subf %get3A_32, %sub3A_45 : vector<1000x256xf32>
    %sub3A_47 = vector.broadcast %div3A_44 : vector<1000x1xf32> to vector<1000x256xf32>
    %sub3A_48 = arith.subf %get3A_32, %sub3A_47 : vector<1000x256xf32>
    %mul3A_49 = arith.mulf %sub3A_46, %sub3A_48 : vector<1000x256xf32>
    %reduce_sum3A_50 = arith.constant dense<0.000000e+00> : vector<1000xf32>
    %reduce_sum3A_51 = vector.multi_reduction <add>, %mul3A_49, %reduce_sum3A_50 [1] : vector<1000x256xf32> to vector<1000xf32>
    %broadcast_in_dim3A_52 = vector.shape_cast %reduce_sum3A_51 : vector<1000xf32> to vector<1000x1xf32>
    %div3A_53 = arith.constant 2.560000e+02 : f32
    %div3A_54 = vector.broadcast %div3A_53 : f32 to vector<1000x1xf32>
    %div3A_55 = arith.divf %broadcast_in_dim3A_52, %div3A_54 : vector<1000x1xf32>
    %sub3A_56 = vector.broadcast %div3A_44 : vector<1000x1xf32> to vector<1000x256xf32>
    %sub3A_57 = arith.subf %get3A_32, %sub3A_56 : vector<1000x256xf32>
    %add3A_58 = arith.constant 9.99999974E-6 : f32
    %add3A_59 = vector.broadcast %add3A_58 : f32 to vector<1000x1xf32>
    %add3A_60 = arith.addf %div3A_55, %add3A_59 : vector<1000x1xf32>
    %rsqrt3A_61 = math.rsqrt %add3A_60 : vector<1000x1xf32>
    %mul3A_62 = vector.broadcast %rsqrt3A_61 : vector<1000x1xf32> to vector<1000x256xf32>
    %mul3A_63 = arith.mulf %sub3A_57, %mul3A_62 : vector<1000x256xf32>
    %mul3A_64 = vector.broadcast %get3A_35 : vector<1x256xf32> to vector<1000x256xf32>
    %mul3A_65 = arith.mulf %mul3A_63, %mul3A_64 : vector<1000x256xf32>
    %add3A_66 = vector.broadcast %get3A_38 : vector<1x256xf32> to vector<1000x256xf32>
    %add3A_67 = arith.addf %mul3A_65, %add3A_66 : vector<1000x256xf32>
    %get3A_68 = arith.constant 0 : index
    %get3A_69 = arith.constant 0 : index
    %get3A_70 = vector.load %arg3[%get3A_68, %get3A_69] : memref<256x256xf32, #tpu.memory_space<vmem>>, vector<256x256xf32>
    %dot_general3A = arith.constant dense<0.000000e+00> : vector<1000x256xf32>
    %dot_general3A_71 = tpu.matmul %add3A_29, %get3A_70, %dot_general3A {dimension_numbers = #tpu.dot_dimension_numbers<[1], [0], [0], [1], [0, 0, 1, 1], [], []>, transpose_lhs_hint = false} : vector<1000x256xf32>, vector<256x256xf32>, vector<1000x256xf32> -> vector<1000x256xf32>
    %get3A_72 = arith.constant 0 : index
    %get3A_73 = arith.constant 0 : index
    %get3A_74 = vector.load %arg6[%get3A_72, %get3A_73] : memref<256x256xf32, #tpu.memory_space<vmem>>, vector<256x256xf32>
    %dot_general3A_75 = arith.constant dense<0.000000e+00> : vector<1000x256xf32>
    %dot_general3A_76 = tpu.matmul %add3A_29, %get3A_74, %dot_general3A_75 {dimension_numbers = #tpu.dot_dimension_numbers<[1], [0], [0], [1], [0, 0, 1, 1], [], []>, transpose_lhs_hint = false} : vector<1000x256xf32>, vector<256x256xf32>, vector<1000x256xf32> -> vector<1000x256xf32>
    %get3A_77 = arith.constant 0 : index
    %get3A_78 = arith.constant 0 : index
    %get3A_79 = vector.load %arg4[%get3A_77, %get3A_78] : memref<256x256xf32, #tpu.memory_space<vmem>>, vector<256x256xf32>
    %dot_general3A_80 = arith.constant dense<0.000000e+00> : vector<1000x256xf32>
    %dot_general3A_81 = tpu.matmul %add3A_67, %get3A_79, %dot_general3A_80 {dimension_numbers = #tpu.dot_dimension_numbers<[1], [0], [0], [1], [0, 0, 1, 1], [], []>, transpose_lhs_hint = false} : vector<1000x256xf32>, vector<256x256xf32>, vector<1000x256xf32> -> vector<1000x256xf32>
    %get3A_82 = arith.constant 0 : index
    %get3A_83 = arith.constant 0 : index
    %get3A_84 = vector.load %arg5[%get3A_82, %get3A_83] : memref<256x256xf32, #tpu.memory_space<vmem>>, vector<256x256xf32>
    %dot_general3A_85 = arith.constant dense<0.000000e+00> : vector<1000x256xf32>
    %dot_general3A_86 = tpu.matmul %add3A_67, %get3A_84, %dot_general3A_85 {dimension_numbers = #tpu.dot_dimension_numbers<[1], [0], [0], [1], [0, 0, 1, 1], [], []>, transpose_lhs_hint = false} : vector<1000x256xf32>, vector<256x256xf32>, vector<1000x256xf32> -> vector<1000x256xf32>
    %concatenate3A = tpu.concatenate %dot_general3A_71, %dot_general3A_76 in 1 : vector<1000x256xf32>, vector<1000x256xf32> -> vector<1000x512xf32>
    %swap3A = arith.constant 0 : index
    %swap3A_87 = arith.constant 0 : index
    %swap3A_88 = vector.load %arg11[%swap3A, %swap3A_87] : memref<1000x512xf32, #tpu.memory_space<vmem>>, vector<1000x512xf32>
    tpu.vector_store %arg11[%swap3A, %swap3A_87], %concatenate3A {strides = array<i32>} : memref<1000x512xf32, #tpu.memory_space<vmem>>, vector<1000x512xf32>,
    %concatenate3A_89 = tpu.concatenate %dot_general3A_81, %dot_general3A_86 in 1 : vector<1000x256xf32>, vector<1000x256xf32> -> vector<1000x512xf32>
    %swap3A_90 = arith.constant 0 : index
    %swap3A_91 = arith.constant 0 : index
    %swap3A_92 = vector.load %arg12[%swap3A_90, %swap3A_91] : memref<1000x512xf32, #tpu.memory_space<vmem>>, vector<1000x512xf32>
    tpu.vector_store %arg12[%swap3A_90, %swap3A_91], %concatenate3A_89 {strides = array<i32>} : memref<1000x512xf32, #tpu.memory_space<vmem>>, vector<1000x512xf32>,
    return
  }
  func.func @transform_0(%arg0: i32) -> (i32, i32) {
    %c0_i32 = arith.constant 0 : i32
    %c0_i32_0 = arith.constant 0 : i32
    return %arg0, %c0_i32 : i32, i32
  }
  func.func @transform_1(%arg0: i32) -> (i32, i32) {
    %c0_i32 = arith.constant 0 : i32
    %c0_i32_0 = arith.constant 0 : i32
    return %arg0, %c0_i32 : i32, i32
  }
  func.func @transform_2(%arg0: i32) -> (i32, i32) {
    %c0_i32 = arith.constant 0 : i32
    %c0_i32_0 = arith.constant 0 : i32
    %c0_i32_1 = arith.constant 0 : i32
    return %c0_i32, %c0_i32_0 : i32, i32
  }
  func.func @transform_3(%arg0: i32) -> (i32, i32) {
    %c0_i32 = arith.constant 0 : i32
    %c0_i32_0 = arith.constant 0 : i32
    %c0_i32_1 = arith.constant 0 : i32
    return %c0_i32, %c0_i32_0 : i32, i32
  }
  func.func @transform_4(%arg0: i32) -> (i32, i32) {
    %c0_i32 = arith.constant 0 : i32
    %c0_i32_0 = arith.constant 0 : i32
    %c0_i32_1 = arith.constant 0 : i32
    return %c0_i32, %c0_i32_0 : i32, i32
  }
  func.func @transform_5(%arg0: i32) -> (i32, i32) {
    %c0_i32 = arith.constant 0 : i32
    %c0_i32_0 = arith.constant 0 : i32
    %c0_i32_1 = arith.constant 0 : i32
    return %c0_i32, %c0_i32_0 : i32, i32
  }
  func.func @transform_6(%arg0: i32) -> (i32, i32) {
    %c0_i32 = arith.constant 0 : i32
    %c0_i32_0 = arith.constant 0 : i32
    %c0_i32_1 = arith.constant 0 : i32
    return %c0_i32, %c0_i32_0 : i32, i32
  }
  func.func @transform_7(%arg0: i32) -> (i32, i32) {
    %c0_i32 = arith.constant 0 : i32
    %c0_i32_0 = arith.constant 0 : i32
    %c0_i32_1 = arith.constant 0 : i32
    return %c0_i32, %c0_i32_0 : i32, i32
  }
  func.func @transform_8(%arg0: i32) -> (i32, i32) {
    %c0_i32 = arith.constant 0 : i32
    %c0_i32_0 = arith.constant 0 : i32
    %c0_i32_1 = arith.constant 0 : i32
    return %c0_i32, %c0_i32_0 : i32, i32
  }
  func.func @transform_9(%arg0: i32) -> (i32, i32) {
    %c0_i32 = arith.constant 0 : i32
    %c0_i32_0 = arith.constant 0 : i32
    %c0_i32_1 = arith.constant 0 : i32
    return %c0_i32, %c0_i32_0 : i32, i32
  }
  func.func @transform_10(%arg0: i32) -> (i32, i32) {
    %c0_i32 = arith.constant 0 : i32
    %c0_i32_0 = arith.constant 0 : i32
    return %arg0, %c0_i32 : i32, i32
  }
  func.func @transform_11(%arg0: i32) -> (i32, i32) {
    %c0_i32 = arith.constant 0 : i32
    %c0_i32_0 = arith.constant 0 : i32
    return %arg0, %c0_i32 : i32, i32
  }
}

module attributes {stable_mosaic.version = 14 : i64} {
  func.func @_weight_body(%arg0: i32, %arg1: memref<2000x8xf32, #tpu.memory_space<vmem>>, %arg2: memref<1x8xf32, #tpu.memory_space<vmem>>, %arg3: memref<2000x256xf32, #tpu.memory_space<vmem>>, %arg4: memref<2000x256xf32, #tpu.memory_space<vmem>>, %arg5: memref<2000x256xf32, #tpu.memory_space<vmem>>, %arg6: memref<2000x256xf32, #tpu.memory_space<vmem>>, %arg7: memref<2000x128xf32, #tpu.memory_space<vmem>>) attributes {dimension_semantics = [#tpu.dimension_semantics<arbitrary>], iteration_bounds = array<i64: 80>, scalar_prefetch = 0 : i64, scratch_operands = 0 : i64, tpu.core_type = #tpu.core_type<tc>, window_params = [{transform_indices = @transform_0, window_bounds = array<i64: 2000, 8>}, {pipeline_mode = #tpu.pipeline_mode<synchronous>, transform_indices = @transform_1, window_bounds = array<i64: 1, 8>}, {transform_indices = @transform_2, window_bounds = array<i64: 2000, 256>}, {transform_indices = @transform_3, window_bounds = array<i64: 2000, 256>}, {transform_indices = @transform_4, window_bounds = array<i64: 2000, 256>}, {transform_indices = @transform_5, window_bounds = array<i64: 2000, 256>}, {transform_indices = @transform_6, window_bounds = array<i64: 2000, 128>}]} {
    %get3A = arith.constant 0 : index
    %get3A_0 = arith.constant 0 : index
    %get3A_1 = vector.load %arg1[%get3A, %get3A_0] : memref<2000x8xf32, #tpu.memory_space<vmem>>, vector<2000x8xf32>
    %get3A_2 = arith.constant 0 : index
    %get3A_3 = arith.constant 0 : index
    %get3A_4 = vector.load %arg2[%get3A_2, %get3A_3] : memref<1x8xf32, #tpu.memory_space<vmem>>, vector<1x8xf32>
    %sub3A = vector.broadcast %get3A_4 : vector<1x8xf32> to vector<2000x8xf32>
    %sub3A_5 = arith.subf %get3A_1, %sub3A : vector<2000x8xf32>
    %exp3A = math.exp %sub3A_5 : vector<2000x8xf32>
    %mul3A = arith.constant 5.000000e+00 : f32
    %mul3A_6 = vector.broadcast %mul3A : f32 to vector<2000x8xf32>
    %mul3A_7 = arith.mulf %sub3A_5, %mul3A_6 : vector<2000x8xf32>
    %exp3A_8 = math.exp %mul3A_7 : vector<2000x8xf32>
    %broadcast_in_dim3A = arith.constant 0.000000e+00 : f32
    %broadcast_in_dim3A_9 = vector.broadcast %broadcast_in_dim3A : f32 to vector<2000x112xf32>
    %concatenate3A = tpu.concatenate %exp3A, %exp3A_8, %broadcast_in_dim3A_9 in 1 : vector<2000x8xf32>, vector<2000x8xf32>, vector<2000x112xf32> -> vector<2000x128xf32>
    %swap3A = arith.constant 0 : index
    %swap3A_10 = arith.constant 0 : index
    %swap3A_11 = vector.load %arg7[%swap3A, %swap3A_10] : memref<2000x128xf32, #tpu.memory_space<vmem>>, vector<2000x128xf32>
    tpu.vector_store %arg7[%swap3A, %swap3A_10], %concatenate3A {strides = array<i32>} : memref<2000x128xf32, #tpu.memory_space<vmem>>, vector<2000x128xf32>,
    %iota3A = tpu.iota {dimensions = array<i32: 1>} : vector<8x256xi32>
    %jit3A = arith.constant 32 : i32
    %div3A = vector.broadcast %jit3A : i32 to vector<8x256xi32>
    %div3A_12 = arith.divsi %iota3A, %div3A : vector<8x256xi32>
    %sign3A = arith.constant 0 : i32
    %sign3A_13 = vector.broadcast %sign3A : i32 to vector<8x256xi32>
    %sign3A_14 = arith.cmpi sgt, %iota3A, %sign3A_13 : vector<8x256xi32>
    %sign3A_15 = arith.extui %sign3A_14 : vector<8x256xi1> to vector<8x256xi32>
    %sign3A_16 = arith.constant 0 : i32
    %sign3A_17 = vector.broadcast %sign3A_16 : i32 to vector<8x256xi32>
    %sign3A_18 = arith.cmpi slt, %iota3A, %sign3A_17 : vector<8x256xi32>
    %sign3A_19 = arith.extui %sign3A_18 : vector<8x256xi1> to vector<8x256xi32>
    %sign3A_20 = arith.subi %sign3A_15, %sign3A_19 : vector<8x256xi32>
    %sign3A_21 = arith.constant 0 : i32
    %sign3A_22 = arith.cmpi sgt, %jit3A, %sign3A_21 : i32
    %sign3A_23 = arith.extui %sign3A_22 : i1 to i32
    %sign3A_24 = arith.constant 0 : i32
    %sign3A_25 = arith.cmpi slt, %jit3A, %sign3A_24 : i32
    %sign3A_26 = arith.extui %sign3A_25 : i1 to i32
    %sign3A_27 = arith.subi %sign3A_23, %sign3A_26 : i32
    %ne3A = vector.broadcast %sign3A_27 : i32 to vector<8x256xi32>
    %ne3A_28 = arith.cmpi ne, %sign3A_20, %ne3A : vector<8x256xi32>
    %rem3A = vector.broadcast %jit3A : i32 to vector<8x256xi32>
    %rem3A_29 = arith.remsi %iota3A, %rem3A : vector<8x256xi32>
    %ne3A_30 = arith.constant 0 : i32
    %ne3A_31 = vector.broadcast %ne3A_30 : i32 to vector<8x256xi32>
    %ne3A_32 = arith.cmpi ne, %rem3A_29, %ne3A_31 : vector<8x256xi32>
    %and3A = arith.andi %ne3A_28, %ne3A_32 : vector<8x256xi1>
    %sub3A_33 = arith.constant 1 : i32
    %sub3A_34 = vector.broadcast %sub3A_33 : i32 to vector<8x256xi32>
    %sub3A_35 = arith.subi %div3A_12, %sub3A_34 : vector<8x256xi32>
    %select_n3A = arith.select %and3A, %sub3A_35, %div3A_12 : vector<8x256xi1>, vector<8x256xi32>
    %iota3A_36 = tpu.iota {dimensions = array<i32: 0>} : vector<8x256xi32>
    %eq3A = arith.cmpi eq, %select_n3A, %iota3A_36 : vector<8x256xi32>
    %convert_element_type3A = arith.extui %eq3A : vector<8x256xi1> to vector<8x256xi32>
    %convert_element_type3A_37 = arith.sitofp %convert_element_type3A : vector<8x256xi32> to vector<8x256xf32>
    %get3A_38 = arith.constant 0 : index
    %get3A_39 = arith.constant 0 : index
    %get3A_40 = vector.load %arg3[%get3A_38, %get3A_39] : memref<2000x256xf32, #tpu.memory_space<vmem>>, vector<2000x256xf32>
    %dot_general3A = arith.constant dense<0.000000e+00> : vector<2000x256xf32>
    %dot_general3A_41 = tpu.matmul %exp3A, %convert_element_type3A_37, %dot_general3A {dimension_numbers = #tpu.dot_dimension_numbers<[1], [0], [0], [1], [0, 0, 1, 1], [], []>, transpose_lhs_hint = false} : vector<2000x8xf32>, vector<8x256xf32>, vector<2000x256xf32> -> vector<2000x256xf32>
    %mul3A_42 = arith.mulf %get3A_40, %dot_general3A_41 : vector<2000x256xf32>
    %swap3A_43 = arith.constant 0 : index
    %swap3A_44 = arith.constant 0 : index
    %swap3A_45 = vector.load %arg5[%swap3A_43, %swap3A_44] : memref<2000x256xf32, #tpu.memory_space<vmem>>, vector<2000x256xf32>
    tpu.vector_store %arg5[%swap3A_43, %swap3A_44], %mul3A_42 {strides = array<i32>} : memref<2000x256xf32, #tpu.memory_space<vmem>>, vector<2000x256xf32>,
    %get3A_46 = arith.constant 0 : index
    %get3A_47 = arith.constant 0 : index
    %get3A_48 = vector.load %arg4[%get3A_46, %get3A_47] : memref<2000x256xf32, #tpu.memory_space<vmem>>, vector<2000x256xf32>
    %dot_general3A_49 = arith.constant dense<0.000000e+00> : vector<2000x256xf32>
    %dot_general3A_50 = tpu.matmul %exp3A_8, %convert_element_type3A_37, %dot_general3A_49 {dimension_numbers = #tpu.dot_dimension_numbers<[1], [0], [0], [1], [0, 0, 1, 1], [], []>, transpose_lhs_hint = false} : vector<2000x8xf32>, vector<8x256xf32>, vector<2000x256xf32> -> vector<2000x256xf32>
    %mul3A_51 = arith.mulf %get3A_48, %dot_general3A_50 : vector<2000x256xf32>
    %swap3A_52 = arith.constant 0 : index
    %swap3A_53 = arith.constant 0 : index
    %swap3A_54 = vector.load %arg6[%swap3A_52, %swap3A_53] : memref<2000x256xf32, #tpu.memory_space<vmem>>, vector<2000x256xf32>
    tpu.vector_store %arg6[%swap3A_52, %swap3A_53], %mul3A_51 {strides = array<i32>} : memref<2000x256xf32, #tpu.memory_space<vmem>>, vector<2000x256xf32>,
    return
  }
  func.func @transform_0(%arg0: i32) -> (i32, i32) {
    %c0_i32 = arith.constant 0 : i32
    %c0_i32_0 = arith.constant 0 : i32
    return %arg0, %c0_i32 : i32, i32
  }
  func.func @transform_1(%arg0: i32) -> (i32, i32) {
    %c0_i32 = arith.constant 0 : i32
    %c0_i32_0 = arith.constant 0 : i32
    %c0_i32_1 = arith.constant 0 : i32
    return %c0_i32, %c0_i32_0 : i32, i32
  }
  func.func @transform_2(%arg0: i32) -> (i32, i32) {
    %c1_i32 = arith.constant 1 : i32
    %c0_i32 = arith.constant 0 : i32
    return %arg0, %c1_i32 : i32, i32
  }
  func.func @transform_3(%arg0: i32) -> (i32, i32) {
    %c1_i32 = arith.constant 1 : i32
    %c0_i32 = arith.constant 0 : i32
    return %arg0, %c1_i32 : i32, i32
  }
  func.func @transform_4(%arg0: i32) -> (i32, i32) {
    %c0_i32 = arith.constant 0 : i32
    %c0_i32_0 = arith.constant 0 : i32
    return %arg0, %c0_i32 : i32, i32
  }
  func.func @transform_5(%arg0: i32) -> (i32, i32) {
    %c0_i32 = arith.constant 0 : i32
    %c0_i32_0 = arith.constant 0 : i32
    return %arg0, %c0_i32 : i32, i32
  }
  func.func @transform_6(%arg0: i32) -> (i32, i32) {
    %c0_i32 = arith.constant 0 : i32
    %c0_i32_0 = arith.constant 0 : i32
    return %arg0, %c0_i32 : i32, i32
  }
}

module attributes {stable_mosaic.version = 14 : i64} {
  func.func @_final_body(%arg0: i32, %arg1: memref<1000x256xf32, #tpu.memory_space<vmem>>, %arg2: memref<1000x256xf32, #tpu.memory_space<vmem>>, %arg3: memref<1000x8xf32, #tpu.memory_space<vmem>>, %arg4: memref<1x256xf32, #tpu.memory_space<vmem>>, %arg5: memref<1x256xf32, #tpu.memory_space<vmem>>, %arg6: memref<512x512xf32, #tpu.memory_space<vmem>>, %arg7: memref<1x512xf32, #tpu.memory_space<vmem>>, %arg8: memref<512x256xf32, #tpu.memory_space<vmem>>, %arg9: memref<1x256xf32, #tpu.memory_space<vmem>>, %arg10: memref<1x256xf32, #tpu.memory_space<vmem>>, %arg11: memref<1x256xf32, #tpu.memory_space<vmem>>, %arg12: memref<1000x256xf32, #tpu.memory_space<vmem>>) attributes {dimension_semantics = [#tpu.dimension_semantics<arbitrary>], iteration_bounds = array<i64: 10>, scalar_prefetch = 0 : i64, scratch_operands = 0 : i64, tpu.core_type = #tpu.core_type<tc>, window_params = [{transform_indices = @transform_0, window_bounds = array<i64: 1000, 256>}, {transform_indices = @transform_1, window_bounds = array<i64: 1000, 256>}, {transform_indices = @transform_2, window_bounds = array<i64: 1000, 8>}, {pipeline_mode = #tpu.pipeline_mode<synchronous>, transform_indices = @transform_3, window_bounds = array<i64: 1, 256>}, {pipeline_mode = #tpu.pipeline_mode<synchronous>, transform_indices = @transform_4, window_bounds = array<i64: 1, 256>}, {pipeline_mode = #tpu.pipeline_mode<synchronous>, transform_indices = @transform_5, window_bounds = array<i64: 512, 512>}, {pipeline_mode = #tpu.pipeline_mode<synchronous>, transform_indices = @transform_6, window_bounds = array<i64: 1, 512>}, {pipeline_mode = #tpu.pipeline_mode<synchronous>, transform_indices = @transform_7, window_bounds = array<i64: 512, 256>}, {pipeline_mode = #tpu.pipeline_mode<synchronous>, transform_indices = @transform_8, window_bounds = array<i64: 1, 256>}, {pipeline_mode = #tpu.pipeline_mode<synchronous>, transform_indices = @transform_9, window_bounds = array<i64: 1, 256>}, {pipeline_mode = #tpu.pipeline_mode<synchronous>, transform_indices = @transform_10, window_bounds = array<i64: 1, 256>}, {transform_indices = @transform_11, window_bounds = array<i64: 1000, 256>}]} {
    %get3A = arith.constant 0 : index
    %get3A_0 = arith.constant 0 : index
    %get3A_1 = vector.load %arg2[%get3A, %get3A_0] : memref<1000x256xf32, #tpu.memory_space<vmem>>, vector<1000x256xf32>
    %get3A_2 = arith.constant 0 : index
    %get3A_3 = arith.constant 0 : index
    %get3A_4 = vector.load %arg3[%get3A_2, %get3A_3] : memref<1000x8xf32, #tpu.memory_space<vmem>>, vector<1000x8xf32>
    %eq3A = arith.constant 0.000000e+00 : f32
    %eq3A_5 = vector.broadcast %eq3A : f32 to vector<1000x8xf32>
    %eq3A_6 = arith.cmpf oeq, %get3A_4, %eq3A_5 : vector<1000x8xf32>
    %div3A = arith.constant 1.000000e+00 : f32
    %div3A_7 = vector.broadcast %div3A : f32 to vector<1000x8xf32>
    %div3A_8 = arith.divf %div3A_7, %get3A_4 : vector<1000x8xf32>
    %jit3A = arith.constant 0.000000e+00 : f32
    %broadcast_in_dim3A = vector.broadcast %jit3A : f32 to vector<1000x8xf32>
    %select_n3A = arith.select %eq3A_6, %broadcast_in_dim3A, %div3A_8 : vector<1000x8xi1>, vector<1000x8xf32>
    %iota3A = tpu.iota {dimensions = array<i32: 1>} : vector<8x256xi32>
    %jit3A_9 = arith.constant 32 : i32
    %div3A_10 = vector.broadcast %jit3A_9 : i32 to vector<8x256xi32>
    %div3A_11 = arith.divsi %iota3A, %div3A_10 : vector<8x256xi32>
    %sign3A = arith.constant 0 : i32
    %sign3A_12 = vector.broadcast %sign3A : i32 to vector<8x256xi32>
    %sign3A_13 = arith.cmpi sgt, %iota3A, %sign3A_12 : vector<8x256xi32>
    %sign3A_14 = arith.extui %sign3A_13 : vector<8x256xi1> to vector<8x256xi32>
    %sign3A_15 = arith.constant 0 : i32
    %sign3A_16 = vector.broadcast %sign3A_15 : i32 to vector<8x256xi32>
    %sign3A_17 = arith.cmpi slt, %iota3A, %sign3A_16 : vector<8x256xi32>
    %sign3A_18 = arith.extui %sign3A_17 : vector<8x256xi1> to vector<8x256xi32>
    %sign3A_19 = arith.subi %sign3A_14, %sign3A_18 : vector<8x256xi32>
    %sign3A_20 = arith.constant 0 : i32
    %sign3A_21 = arith.cmpi sgt, %jit3A_9, %sign3A_20 : i32
    %sign3A_22 = arith.extui %sign3A_21 : i1 to i32
    %sign3A_23 = arith.constant 0 : i32
    %sign3A_24 = arith.cmpi slt, %jit3A_9, %sign3A_23 : i32
    %sign3A_25 = arith.extui %sign3A_24 : i1 to i32
    %sign3A_26 = arith.subi %sign3A_22, %sign3A_25 : i32
    %ne3A = vector.broadcast %sign3A_26 : i32 to vector<8x256xi32>
    %ne3A_27 = arith.cmpi ne, %sign3A_19, %ne3A : vector<8x256xi32>
    %rem3A = vector.broadcast %jit3A_9 : i32 to vector<8x256xi32>
    %rem3A_28 = arith.remsi %iota3A, %rem3A : vector<8x256xi32>
    %ne3A_29 = arith.constant 0 : i32
    %ne3A_30 = vector.broadcast %ne3A_29 : i32 to vector<8x256xi32>
    %ne3A_31 = arith.cmpi ne, %rem3A_28, %ne3A_30 : vector<8x256xi32>
    %and3A = arith.andi %ne3A_27, %ne3A_31 : vector<8x256xi1>
    %sub3A = arith.constant 1 : i32
    %sub3A_32 = vector.broadcast %sub3A : i32 to vector<8x256xi32>
    %sub3A_33 = arith.subi %div3A_11, %sub3A_32 : vector<8x256xi32>
    %select_n3A_34 = arith.select %and3A, %sub3A_33, %div3A_11 : vector<8x256xi1>, vector<8x256xi32>
    %iota3A_35 = tpu.iota {dimensions = array<i32: 0>} : vector<8x256xi32>
    %eq3A_36 = arith.cmpi eq, %select_n3A_34, %iota3A_35 : vector<8x256xi32>
    %convert_element_type3A = arith.extui %eq3A_36 : vector<8x256xi1> to vector<8x256xi32>
    %convert_element_type3A_37 = arith.sitofp %convert_element_type3A : vector<8x256xi32> to vector<8x256xf32>
    %dot_general3A = arith.constant dense<0.000000e+00> : vector<1000x256xf32>
    %dot_general3A_38 = tpu.matmul %select_n3A, %convert_element_type3A_37, %dot_general3A {dimension_numbers = #tpu.dot_dimension_numbers<[1], [0], [0], [1], [0, 0, 1, 1], [], []>, transpose_lhs_hint = false} : vector<1000x8xf32>, vector<8x256xf32>, vector<1000x256xf32> -> vector<1000x256xf32>
    %mul3A = arith.mulf %get3A_1, %dot_general3A_38 : vector<1000x256xf32>
    %get3A_39 = arith.constant 0 : index
    %get3A_40 = arith.constant 0 : index
    %get3A_41 = vector.load %arg4[%get3A_39, %get3A_40] : memref<1x256xf32, #tpu.memory_space<vmem>>, vector<1x256xf32>
    %get3A_42 = arith.constant 0 : index
    %get3A_43 = arith.constant 0 : index
    %get3A_44 = vector.load %arg5[%get3A_42, %get3A_43] : memref<1x256xf32, #tpu.memory_space<vmem>>, vector<1x256xf32>
    %reduce_sum3A = arith.constant dense<0.000000e+00> : vector<1000xf32>
    %reduce_sum3A_45 = vector.multi_reduction <add>, %mul3A, %reduce_sum3A [1] : vector<1000x256xf32> to vector<1000xf32>
    %broadcast_in_dim3A_46 = vector.shape_cast %reduce_sum3A_45 : vector<1000xf32> to vector<1000x1xf32>
    %div3A_47 = arith.constant 2.560000e+02 : f32
    %div3A_48 = vector.broadcast %div3A_47 : f32 to vector<1000x1xf32>
    %div3A_49 = arith.divf %broadcast_in_dim3A_46, %div3A_48 : vector<1000x1xf32>
    %sub3A_50 = vector.broadcast %div3A_49 : vector<1000x1xf32> to vector<1000x256xf32>
    %sub3A_51 = arith.subf %mul3A, %sub3A_50 : vector<1000x256xf32>
    %sub3A_52 = vector.broadcast %div3A_49 : vector<1000x1xf32> to vector<1000x256xf32>
    %sub3A_53 = arith.subf %mul3A, %sub3A_52 : vector<1000x256xf32>
    %mul3A_54 = arith.mulf %sub3A_51, %sub3A_53 : vector<1000x256xf32>
    %reduce_sum3A_55 = arith.constant dense<0.000000e+00> : vector<1000xf32>
    %reduce_sum3A_56 = vector.multi_reduction <add>, %mul3A_54, %reduce_sum3A_55 [1] : vector<1000x256xf32> to vector<1000xf32>
    %broadcast_in_dim3A_57 = vector.shape_cast %reduce_sum3A_56 : vector<1000xf32> to vector<1000x1xf32>
    %div3A_58 = arith.constant 2.560000e+02 : f32
    %div3A_59 = vector.broadcast %div3A_58 : f32 to vector<1000x1xf32>
    %div3A_60 = arith.divf %broadcast_in_dim3A_57, %div3A_59 : vector<1000x1xf32>
    %sub3A_61 = vector.broadcast %div3A_49 : vector<1000x1xf32> to vector<1000x256xf32>
    %sub3A_62 = arith.subf %mul3A, %sub3A_61 : vector<1000x256xf32>
    %add3A = arith.constant 9.99999974E-6 : f32
    %add3A_63 = vector.broadcast %add3A : f32 to vector<1000x1xf32>
    %add3A_64 = arith.addf %div3A_60, %add3A_63 : vector<1000x1xf32>
    %rsqrt3A = math.rsqrt %add3A_64 : vector<1000x1xf32>
    %mul3A_65 = vector.broadcast %rsqrt3A : vector<1000x1xf32> to vector<1000x256xf32>
    %mul3A_66 = arith.mulf %sub3A_62, %mul3A_65 : vector<1000x256xf32>
    %mul3A_67 = vector.broadcast %get3A_41 : vector<1x256xf32> to vector<1000x256xf32>
    %mul3A_68 = arith.mulf %mul3A_66, %mul3A_67 : vector<1000x256xf32>
    %add3A_69 = vector.broadcast %get3A_44 : vector<1x256xf32> to vector<1000x256xf32>
    %add3A_70 = arith.addf %mul3A_68, %add3A_69 : vector<1000x256xf32>
    %get3A_71 = arith.constant 0 : index
    %get3A_72 = arith.constant 0 : index
    %get3A_73 = vector.load %arg1[%get3A_71, %get3A_72] : memref<1000x256xf32, #tpu.memory_space<vmem>>, vector<1000x256xf32>
    %concatenate3A = tpu.concatenate %get3A_73, %add3A_70 in 1 : vector<1000x256xf32>, vector<1000x256xf32> -> vector<1000x512xf32>
    %get3A_74 = arith.constant 0 : index
    %get3A_75 = arith.constant 0 : index
    %get3A_76 = vector.load %arg6[%get3A_74, %get3A_75] : memref<512x512xf32, #tpu.memory_space<vmem>>, vector<512x512xf32>
    %dot_general3A_77 = arith.constant dense<0.000000e+00> : vector<1000x512xf32>
    %dot_general3A_78 = tpu.matmul %concatenate3A, %get3A_76, %dot_general3A_77 {dimension_numbers = #tpu.dot_dimension_numbers<[1], [0], [0], [1], [0, 0, 1, 1], [], []>, transpose_lhs_hint = false} : vector<1000x512xf32>, vector<512x512xf32>, vector<1000x512xf32> -> vector<1000x512xf32>
    %get3A_79 = arith.constant 0 : index
    %get3A_80 = arith.constant 0 : index
    %get3A_81 = vector.load %arg7[%get3A_79, %get3A_80] : memref<1x512xf32, #tpu.memory_space<vmem>>, vector<1x512xf32>
    %add3A_82 = vector.broadcast %get3A_81 : vector<1x512xf32> to vector<1000x512xf32>
    %add3A_83 = arith.addf %dot_general3A_78, %add3A_82 : vector<1000x512xf32>
    %max3A = arith.constant 0.000000e+00 : f32
    %max3A_84 = vector.broadcast %max3A : f32 to vector<1000x512xf32>
    %max3A_85 = arith.maximumf %add3A_83, %max3A_84 : vector<1000x512xf32>
    %get3A_86 = arith.constant 0 : index
    %get3A_87 = arith.constant 0 : index
    %get3A_88 = vector.load %arg8[%get3A_86, %get3A_87] : memref<512x256xf32, #tpu.memory_space<vmem>>, vector<512x256xf32>
    %dot_general3A_89 = arith.constant dense<0.000000e+00> : vector<1000x256xf32>
    %dot_general3A_90 = tpu.matmul %max3A_85, %get3A_88, %dot_general3A_89 {dimension_numbers = #tpu.dot_dimension_numbers<[1], [0], [0], [1], [0, 0, 1, 1], [], []>, transpose_lhs_hint = false} : vector<1000x512xf32>, vector<512x256xf32>, vector<1000x256xf32> -> vector<1000x256xf32>
    %get3A_91 = arith.constant 0 : index
    %get3A_92 = arith.constant 0 : index
    %get3A_93 = vector.load %arg9[%get3A_91, %get3A_92] : memref<1x256xf32, #tpu.memory_space<vmem>>, vector<1x256xf32>
    %add3A_94 = vector.broadcast %get3A_93 : vector<1x256xf32> to vector<1000x256xf32>
    %add3A_95 = arith.addf %dot_general3A_90, %add3A_94 : vector<1000x256xf32>
    %get3A_96 = arith.constant 0 : index
    %get3A_97 = arith.constant 0 : index
    %get3A_98 = vector.load %arg10[%get3A_96, %get3A_97] : memref<1x256xf32, #tpu.memory_space<vmem>>, vector<1x256xf32>
    %get3A_99 = arith.constant 0 : index
    %get3A_100 = arith.constant 0 : index
    %get3A_101 = vector.load %arg11[%get3A_99, %get3A_100] : memref<1x256xf32, #tpu.memory_space<vmem>>, vector<1x256xf32>
    %reduce_sum3A_102 = arith.constant dense<0.000000e+00> : vector<1000xf32>
    %reduce_sum3A_103 = vector.multi_reduction <add>, %add3A_95, %reduce_sum3A_102 [1] : vector<1000x256xf32> to vector<1000xf32>
    %broadcast_in_dim3A_104 = vector.shape_cast %reduce_sum3A_103 : vector<1000xf32> to vector<1000x1xf32>
    %div3A_105 = arith.constant 2.560000e+02 : f32
    %div3A_106 = vector.broadcast %div3A_105 : f32 to vector<1000x1xf32>
    %div3A_107 = arith.divf %broadcast_in_dim3A_104, %div3A_106 : vector<1000x1xf32>
    %sub3A_108 = vector.broadcast %div3A_107 : vector<1000x1xf32> to vector<1000x256xf32>
    %sub3A_109 = arith.subf %add3A_95, %sub3A_108 : vector<1000x256xf32>
    %sub3A_110 = vector.broadcast %div3A_107 : vector<1000x1xf32> to vector<1000x256xf32>
    %sub3A_111 = arith.subf %add3A_95, %sub3A_110 : vector<1000x256xf32>
    %mul3A_112 = arith.mulf %sub3A_109, %sub3A_111 : vector<1000x256xf32>
    %reduce_sum3A_113 = arith.constant dense<0.000000e+00> : vector<1000xf32>
    %reduce_sum3A_114 = vector.multi_reduction <add>, %mul3A_112, %reduce_sum3A_113 [1] : vector<1000x256xf32> to vector<1000xf32>
    %broadcast_in_dim3A_115 = vector.shape_cast %reduce_sum3A_114 : vector<1000xf32> to vector<1000x1xf32>
    %div3A_116 = arith.constant 2.560000e+02 : f32
    %div3A_117 = vector.broadcast %div3A_116 : f32 to vector<1000x1xf32>
    %div3A_118 = arith.divf %broadcast_in_dim3A_115, %div3A_117 : vector<1000x1xf32>
    %sub3A_119 = vector.broadcast %div3A_107 : vector<1000x1xf32> to vector<1000x256xf32>
    %sub3A_120 = arith.subf %add3A_95, %sub3A_119 : vector<1000x256xf32>
    %add3A_121 = arith.constant 9.99999974E-6 : f32
    %add3A_122 = vector.broadcast %add3A_121 : f32 to vector<1000x1xf32>
    %add3A_123 = arith.addf %div3A_118, %add3A_122 : vector<1000x1xf32>
    %rsqrt3A_124 = math.rsqrt %add3A_123 : vector<1000x1xf32>
    %mul3A_125 = vector.broadcast %rsqrt3A_124 : vector<1000x1xf32> to vector<1000x256xf32>
    %mul3A_126 = arith.mulf %sub3A_120, %mul3A_125 : vector<1000x256xf32>
    %mul3A_127 = vector.broadcast %get3A_98 : vector<1x256xf32> to vector<1000x256xf32>
    %mul3A_128 = arith.mulf %mul3A_126, %mul3A_127 : vector<1000x256xf32>
    %add3A_129 = vector.broadcast %get3A_101 : vector<1x256xf32> to vector<1000x256xf32>
    %add3A_130 = arith.addf %mul3A_128, %add3A_129 : vector<1000x256xf32>
    %swap3A = arith.constant 0 : index
    %swap3A_131 = arith.constant 0 : index
    %swap3A_132 = vector.load %arg12[%swap3A, %swap3A_131] : memref<1000x256xf32, #tpu.memory_space<vmem>>, vector<1000x256xf32>
    tpu.vector_store %arg12[%swap3A, %swap3A_131], %add3A_130 {strides = array<i32>} : memref<1000x256xf32, #tpu.memory_space<vmem>>, vector<1000x256xf32>,
    return
  }
  func.func @transform_0(%arg0: i32) -> (i32, i32) {
    %c0_i32 = arith.constant 0 : i32
    %c0_i32_0 = arith.constant 0 : i32
    return %arg0, %c0_i32 : i32, i32
  }
  func.func @transform_1(%arg0: i32) -> (i32, i32) {
    %c0_i32 = arith.constant 0 : i32
    %c0_i32_0 = arith.constant 0 : i32
    return %arg0, %c0_i32 : i32, i32
  }
  func.func @transform_2(%arg0: i32) -> (i32, i32) {
    %c0_i32 = arith.constant 0 : i32
    %c0_i32_0 = arith.constant 0 : i32
    return %arg0, %c0_i32 : i32, i32
  }
  func.func @transform_3(%arg0: i32) -> (i32, i32) {
    %c0_i32 = arith.constant 0 : i32
    %c0_i32_0 = arith.constant 0 : i32
    %c0_i32_1 = arith.constant 0 : i32
    return %c0_i32, %c0_i32_0 : i32, i32
  }
  func.func @transform_4(%arg0: i32) -> (i32, i32) {
    %c0_i32 = arith.constant 0 : i32
    %c0_i32_0 = arith.constant 0 : i32
    %c0_i32_1 = arith.constant 0 : i32
    return %c0_i32, %c0_i32_0 : i32, i32
  }
  func.func @transform_5(%arg0: i32) -> (i32, i32) {
    %c0_i32 = arith.constant 0 : i32
    %c0_i32_0 = arith.constant 0 : i32
    %c0_i32_1 = arith.constant 0 : i32
    return %c0_i32, %c0_i32_0 : i32, i32
  }
  func.func @transform_6(%arg0: i32) -> (i32, i32) {
    %c0_i32 = arith.constant 0 : i32
    %c0_i32_0 = arith.constant 0 : i32
    %c0_i32_1 = arith.constant 0 : i32
    return %c0_i32, %c0_i32_0 : i32, i32
  }
  func.func @transform_7(%arg0: i32) -> (i32, i32) {
    %c0_i32 = arith.constant 0 : i32
    %c0_i32_0 = arith.constant 0 : i32
    %c0_i32_1 = arith.constant 0 : i32
    return %c0_i32, %c0_i32_0 : i32, i32
  }
  func.func @transform_8(%arg0: i32) -> (i32, i32) {
    %c0_i32 = arith.constant 0 : i32
    %c0_i32_0 = arith.constant 0 : i32
    %c0_i32_1 = arith.constant 0 : i32
    return %c0_i32, %c0_i32_0 : i32, i32
  }
  func.func @transform_9(%arg0: i32) -> (i32, i32) {
    %c0_i32 = arith.constant 0 : i32
    %c0_i32_0 = arith.constant 0 : i32
    %c0_i32_1 = arith.constant 0 : i32
    return %c0_i32, %c0_i32_0 : i32, i32
  }
  func.func @transform_10(%arg0: i32) -> (i32, i32) {
    %c0_i32 = arith.constant 0 : i32
    %c0_i32_0 = arith.constant 0 : i32
    %c0_i32_1 = arith.constant 0 : i32
    return %c0_i32, %c0_i32_0 : i32, i32
  }
  func.func @transform_11(%arg0: i32) -> (i32, i32) {
    %c0_i32 = arith.constant 0 : i32
    %c0_i32_0 = arith.constant 0 : i32
    return %arg0, %c0_i32 : i32, i32
  }
}

</mosaic_0001>

<sc_bundles>
// kernel: kernel.12.cloned.1.call-start
scs
__scs_entry_jumppad:
0x0: {  	(pc) =	sbr.rel $0x88, $3  }
0x1: {  	(tag) =	ssettag $0x0;
	lr =	simm.s32 $0x1  }
0x2: {  	[smem:$0x3F86] =	sst lr;
	_ =	strace $0xD0000000  }
0x3: {  	_ = 	snop  }
0x4: {  	_ = 	snop  }
0x5: {  	_ = 	snop  }
0x6: {  	_ = 	snop  }
0x7: {  	_ = 	snop  }
__scs_overlays_trampoline_lowered:
0x8: {  	[smem:$0x3F95] =	sst s0  }
0x9: {  	[smem:$0x3F96] =	sst s1  }
0xa: {  	[smem:$0x3F97] =	sst s2  }
0xb: {  	[smem:$0x3F98] =	sst s3  }
0xc: {  	[smem:$0x3F99] =	sst s4  }
0xd: {  	[smem:$0x3F9A] =	sst s5  }
0xe: {  	[smem:$0x3F9B] =	sst s6  }
0xf: {  	[smem:$0x3F9C] =	sst s7  }
0x10: {  	[smem:$0x3F9D] =	sst s8  }
0x11: {  	[smem:$0x3F9E] =	sst s9;
	s0 =	simm.s32 @!p0 $0x0  }
0x12: {  	s1 =	sld [smem:$0x3F84];
	s0 =	simm.s32 @p0 $0x1  }
0x13: {  	[smem:$0x3F9F] =	sst s0;
	s0 =	simm.s32 @!p1 $0x0  }
0x14: {  	s2 =	sld [smem:$0x3F83];
	s0 =	simm.s32 @p1 $0x1  }
0x15: {  	[smem:$0x3FA0] =	sst s0;
	s0 =	simm.s32 @!p2 $0x0  }
0x16: {  	s3 =	sld [smem:$0x3FDB];
	s0 =	simm.s32 @p2 $0x1  }
0x17: {  	s4 =	simm.s32 $0x1BF5;
	[smem:$0x3FA2] =	sst s0  }
0x18: {  	s0 =	sld [smem:$0x3F85];
	_ =	swait.ge [sflag:s4], $0x0  }
0x19: {  	s7 =	sld [smem:$0x3F86]  }
0x1a: {  	s8 =	sadd.s32 $0xFFFFE003, lr  }
0x1b: {  	s9 =	sadd.s32 $0xFFFFFEF7, lr;
	s5 =	simm.s32 $0xFFFFFFFF;
	p2 =	slt.u32 s8, $0xFFFFF086  }
0x1c: {  	p1 =	slt.u32 s9, $0xF7A;
	s5 =	simm.s32 @!p2 $0x0  }
0x1d: {  	s5 =	simm.s32 @p1 $0x1;
	p0 =	seq.s32 s7, s2  }
0x1e: {  	s7 =	smul.u32 @!p0 $0xF7A, s2;
	p2 =	seq.s32 @!p0 s5, $0x0  }
0x1f: {  	s9 =	smul.u32 $0xF7A, s1;
	s8 =	simm.s32 @!p0 $0x1BF5;
	p2 =	por !p2, p0  }
0x20: {  	[sflag:s8] =	ssyncset.s32 @!p0 $0xFFFFF086;
	s6 =	sadd.s32 @!p0 s3, s7;
	s7 =	simm.s32 @!p0 $0x108  }
0x21: {  	s3 =	sadd.s32 s3, s9;
	s6 =	sadd.s32 @!p0 $0x88, s6;
	s7 =	simm.s32 @p2 $0x1082  }
0x22: {  	[simem:s7], [sflag:s8] =	dma.local @!p0 [hbm:s6], $0xF7A  }
0x23: {  	s9 =	sor.u32 $0xD0000000, s2;
	s6 =	simm.s32 $0x108;
	_ =	swait.ge @!p0 [sflag:s8], $0x0  }
0x24: {  	s3 =	sadd.s32 $0x88, s3;
	s6 =	simm.s32 @!p1 $0x1082;
	[sflag:s4] =	ssyncset.s32 $0xFFFFF086  }
0x25: {  	[simem:s6], [sflag:s4] =	dma.local [hbm:s3], $0xF7A  }
0x26: {  	[smem:$0x3F86] =	sst s1;
	(tag) =	ssettag s2;
	_ =	strace s9  }
0x27: {  	s1 =	sld [smem:$0x3F96]  }
0x28: {  	s2 =	sld [smem:$0x3F97]  }
0x29: {  	s4 =	sld [smem:$0x3F99]  }
0x2a: {  	p0 =	seq.s32 s5, $0x0;
	s5 =	sld [smem:$0x3F9A]  }
0x2b: {  	s6 =	sld [smem:$0x3F9B]  }
0x2c: {  	s7 =	sld [smem:$0x3F9C]  }
0x2d: {  	s3 =	simm.s32 $0x108;
	s8 =	sld [smem:$0x3F9D]  }
0x2e: {  	s3 =	simm.s32 @!p0 $0x1082;
	s9 =	sld [smem:$0x3F9E]  }
0x2f: {  	lr =	sadd.s32 s0, s3;
	s0 =	sld [smem:$0x3F95]  }
0x30: {  	s3 =	sld [smem:$0x3F98]  }
0x31: {  	[smem:$0x3FA1] =	sst s10  }
0x32: {  	s10 =	sld [smem:$0x3F9F];
	_ =	sdelay $0x3  }
0x33: {  	p0 =	seq.s32 s10, $0x1;
	s10 =	sld [smem:$0x3FA1];
	_ =	sdelay $0x3  }
0x34: {  	[smem:$0x3FA1] =	sst s10  }
0x35: {  	s10 =	sld [smem:$0x3FA0];
	_ =	sdelay $0x3  }
0x36: {  	p1 =	seq.s32 s10, $0x1;
	s10 =	sld [smem:$0x3FA1];
	_ =	sdelay $0x3  }
0x37: {  	[smem:$0x3FA1] =	sst s10  }
0x38: {  	s10 =	sld [smem:$0x3FA2]  }
0x39: {  	_ = 	snop;
	(pc) =	sbr.ind lr, $3  }
0x3a: {  	_ = 	snop  }
0x3b: {  	_ = 	snop  }
0x3c: {  	p2 =	seq.s32 s10, $0x1;
	s10 =	sld [smem:$0x3FA1]  }
0x3d: {  	_ =	shalt  }
0x3e: {  	_ =	shalt  }
0x3f: {  	_ =	shalt  }
0x40: {  	_ =	shalt  }
0x41: {  	_ =	shalt  }
0x42: {  	_ =	shalt  }
0x43: {  	_ =	shalt  }
0x44: {  	_ =	shalt  }
0x45: {  	_ =	shalt  }
0x46: {  	_ =	shalt  }
0x47: {  	_ =	shalt  }
0x48: {  	_ =	shalt  }
0x49: {  	_ =	shalt  }
0x4a: {  	_ =	shalt  }
0x4b: {  	_ =	shalt  }
0x4c: {  	_ =	shalt  }
0x4d: {  	_ =	shalt  }
0x4e: {  	_ =	shalt  }
0x4f: {  	_ =	shalt  }
0x50: {  	_ =	shalt  }
0x51: {  	_ =	shalt  }
0x52: {  	_ =	shalt  }
0x53: {  	_ =	shalt  }
0x54: {  	_ =	shalt  }
0x55: {  	_ =	shalt  }
0x56: {  	_ =	shalt  }
0x57: {  	_ =	shalt  }
0x58: {  	_ =	shalt  }
0x59: {  	_ =	shalt  }
0x5a: {  	_ =	shalt  }
0x5b: {  	_ =	shalt  }
0x5c: {  	_ =	shalt  }
0x5d: {  	_ =	shalt  }
0x5e: {  	_ =	shalt  }
0x5f: {  	_ =	shalt  }
0x60: {  	_ =	shalt  }
0x61: {  	_ =	shalt  }
0x62: {  	_ =	shalt  }
0x63: {  	_ =	shalt  }
0x64: {  	_ =	shalt  }
0x65: {  	_ =	shalt  }
0x66: {  	_ =	shalt  }
0x67: {  	_ =	shalt  }
0x68: {  	_ =	shalt  }
0x69: {  	_ =	shalt  }
0x6a: {  	_ =	shalt  }
0x6b: {  	_ =	shalt  }
0x6c: {  	_ =	shalt  }
0x6d: {  	_ =	shalt  }
0x6e: {  	_ =	shalt  }
0x6f: {  	_ =	shalt  }
0x70: {  	_ =	shalt  }
0x71: {  	_ =	shalt  }
0x72: {  	_ =	shalt  }
0x73: {  	_ =	shalt  }
0x74: {  	_ =	shalt  }
0x75: {  	_ =	shalt  }
0x76: {  	_ =	shalt  }
0x77: {  	_ =	shalt  }
0x78: {  	_ =	shalt  }
0x79: {  	_ =	shalt  }
0x7a: {  	_ =	shalt  }
0x7b: {  	_ =	shalt  }
0x7c: {  	_ =	shalt  }
0x7d: {  	_ =	shalt  }
0x7e: {  	_ =	shalt  }
0x7f: {  	_ =	shalt  }
0x80: {  	_ =	shalt  }
0x81: {  	_ =	shalt  }
0x82: {  	_ =	shalt  }
0x83: {  	_ =	shalt  }
0x84: {  	_ =	shalt  }
0x85: {  	_ =	shalt  }
0x86: {  	_ =	shalt  }
0x87: {  	_ =	shalt  }
.Lfunc_end0:
.L_simem_size_0:
called_computation.1_lowered:
.L_overlay_start_0:
0x88: {  	s2 =	sld [smem:$0x3FD9]  }
0x89: {  	s3 =	sld [smem:$0x3FFE];
	_ =	sdelay $0x1  }
0x8a: {  	s1 =	srdreg.scid  }
0x8b: {  	s0 =	sand.u32 $0x1, s1  }
0x8c: {  	s17 =	sshll.u32 s0, $0xA;
	s2 =	sadd.s32 s3, s2  }
0x8d: {  	s2 =	sadd.s32 s2, s17  }
0x8e: {  	[smem:$0x3FAD] =	sst s2  }
0x8f: {  	_ = 	snop  }
0x90: {  	s2 =	sld [smem:$0x3FD0];
	(tm) =	ssettm $0x1  }
0x91: {  	s18 =	sld [smem:$0x3FFB];
	_ =	sdelay $0x3  }
0x92: {  	_ =	strace s18  }
0x93: {  	s3 =	sld [smem:$0x3FFC];
	_ =	sdelay $0x3  }
0x94: {  	_ =	strace s3  }
0x95: {  	s3 =	sld [smem:$0x3FFD];
	_ =	sdelay $0x3  }
0x96: {  	_ =	strace s3  }
0x97: {  	_ =	strace $0x8FFFFFFF  }
0x98: {  	s19 =	sld [smem:$0x3FDB];
	_ =	sdelay $0x1  }
0x99: {  	s4 =	simm.s32 $_scs_section_size  }
0x9a: {  	s5 =	simm.s32 $_size__tile_overlayer_lowered;
	s6 =	simm.s32 $_tile_overlayer_lowered  }
0x9b: {  	s22 =	simm.s32 $0x1BFF;
	s21 =	sshll.u32 s6, $0x1;
	s3 =	sadd.s32 s4, s19  }
0x9c: {  	s7 =	simm.s32 $0x0;
	s20 =	sshll.u32 s5, $0x1;
	s5 =	sadd.s32 s21, s3  }
0x9d: {  	[timem:s7], [sflag:s22] =	dma.local [hbm:s5], s20  }
0x9e: {  	_ =	swait.ge [sflag:s22], s20  }
0x9f: {  	s4 =	ssub.s32 $0x0, s20;
	[sflag:s22] =	ssyncset.done $0x0  }
0xa0: {  	[sflag:s22] =	ssyncadd.s32 s4;
	_ =	sdelay $0x1  }
0xa1: {  	s23 =	simm.s32 $0x1B8B  }
0xa2: {  	_ =	swait.ge [sflag:s23], $0x1  }
0xa3: {  	[sflag:s23] =	ssyncset.done $0x0  }
0xa4: {  	s25 =	simm.s32 $0x1B8E;
	s24 =	sld [smem:$0x3FFE];
	[sflag:s23] =	ssyncadd.s32 $0xFFFFFFFF  }
0xa5: {  	s26 =	simm.s32 $execute0_lowered;
	[smem:$0x3FD2] =	sst s25  }
0xa6: {  	s5 =	sshll.u32 s26, $0x1;
	_ =	strace $0x80000049;
	[dreg:$0x1] =	wrdreg $0xFFFFFFFF  }
0xa7: {  	s28 =	simm.s32 $_size_execute0_lowered;
	s3 =	sadd.s32 s3, s5;
	[dreg:$0x0] =	wrdreg $0x0  }
0xa8: {  	s5 =	sshll.u32 s28, $0x1;
	[dreg:$0x2] =	wrdreg s3  }
0xa9: {  	[dreg:$0x3] =	wrdreg s5  }
0xaa: {  	[dreg:$0x4] =	wrdreg $0xC0  }
0xab: {  	_ =	task [dreg:s7], $0x5FFFF  }
0xac: {  	[dreg:$0x1] =	wrdreg $0xFFFFFFFF  }
0xad: {  	[dreg:$0x0] =	wrdreg $0x60  }
0xae: {  	[dreg:$0x2] =	wrdreg s24  }
0xaf: {  	[dreg:$0x3] =	wrdreg s2  }
0xb0: {  	[dreg:$0x4] =	wrdreg $0x51000  }
0xb1: {  	[dreg:$0x5] =	wrdreg $0x9  }
0xb2: {  	_ =	task.clear_ibuf [dreg:s7], $0x6FFFF;
	_ =	strace $0x90000049  }
0xb3: {  	s29 =	simm.s32 $0x9;
	_ =	strace $0x8000004B  }
0xb4: {  	_ =	swait.ge [sflag:s29], $0x1  }
0xb5: {  	[sflag:s29] =	ssyncadd.s32 $0xFFFFFFFF  }
0xb6: {  	_ =	strace $0x9000004B  }
0xb7: {  	_ =	sfence  }
0xb8: {  	s30 =	sld [smem:$0x0];
	_ =	sdelay $0x2  }
0xb9: {  	s31 =	sshll.u32 s1, $0xD;
	s1 =	sshrl.u32 s1, $0x2  }
0xba: {  	s3 =	sand.u32 $0x4000, s31;
	s1 =	sadd.s32 s1, s30  }
0xbb: {  	s0 =	sor.u32 s3, s0;
	s1 =	sshll.u32 s1, $0x11  }
0xbc: {  	s0 =	sor.u32 s1, s0  }
0xbd: {  	s0 =	sadd.s32 $0x8F2B, s0  }
0xbe: {  	[sflag:s0] =	ssyncadd.remote.s32 $0x1  }
0xbf: {  	_ =	sfence.sel $0xFFFF  }
0xc0: {  	[dreg:$0x0] =	wrdreg $0xFFFFFFFF;
	(pc) =	sbr.abs _section_cstart, $3  }
0xc1: {  	[dreg:$0x1] =	wrdreg $0xFFFFFFFF  }
0xc2: {  	_ =	task.clear_ibuf [dreg:s7], $0x2FFFF;
	_ =	strace $0x9FFFFFFF  }
0xc3: {  	(tm) =	ssettm $0x7FFFFFFF  }
tec
execute0_lowered:
.L_overlay_start_1:
0x0: {  	(tag) =	ssettag $0x1  }
0x1: {  	s0 =	rddreg [dreg:$0x0]  }
0x2: {  	s3 =	rddreg [dreg:$0x1];
	s19 =	stileid.u32  }
0x3: {  	s1 =	rddreg [dreg:$0x2];
	s2 =	simm.s32 $0x0;
	s6 =	smul.u32 $0x27100, s19  }
0x4: {  	s4 =	srdreg.scid;
	s28 =	simm.s32 $0x400;
	s7 =	smul.u32 $0x3E800, s19  }
0x5: {  	s29 =	simm.s32 $0x800;
	s30 =	simm.s32 $0x100;
	s11 =	smul.u32 $0x1F400, s19  }
0x6: {  	s8 =	sand.u32 $0x1, s4;
	s4 =	sadd.s32 $0x16AD800, s0;
	s14 =	smul.u32 $0x2710, s19  }
0x7: {  	s31 =	simm.s32 $0x80;
	s5 =	sadd.s32 $0x1B8F800, s0;
	s15 =	smul.u32 $0x271000, s19  }
0x8: {  	[smem:$0x7FF] =	sst s2;
	s22 =	sadd.s32 $0x143C800, s0;
	s18 =	smul.u32 $0x7D000, s19  }
0x9: {  	s20 =	smul.u32 $0x4E2, s19;
	p1 =	slt.u32 s19, $0xA;
	p3 =	sgt.u32 s19, $0x9  }
0xa: {  	p0 =	sne.s32 s19, $0x0;
	_ =	strace $0x8000004A;
	s9 =	smul.u32 $0x138800, s8  }
0xb: {  	s10 =	sshll.u32 s8, $0xA;
	[dreg:$0x4] =	wrdreg s22;
	s24 =	ssub.s32 $0x2, s8  }
0xc: {  	s8 =	smul.u32 $0x27100, s8;
	p2 =	sne.s32 @p1 s19, $0x0;
	s12 =	sadd.s32 s6, s0  }
0xd: {  	s6 =	sadd.s32 $0x1432A00, s0;
	s13 =	sor.u32 s10, s7;
	s16 =	sshrl.u32 s24, $0x1  }
0xe: {  	s17 =	sshrl.u32 s14, $0x3;
	s10 =	sor.u32 s10, s15;
	s25 =	sshrl.u32 s18, $0x2  }
0xf: {  	p2 =	por p2, !p1;
	s13 =	sshrl.u32 s13, $0x3;
	s9 =	sadd.s32 s11, s9  }
0x10: {  	s7 =	sadd.s32 s6, s17;
	s15 =	sshrl.u32 s10, $0x3;
	s8 =	sadd.s32 s14, s8  }
0x11: {  	s18 =	sadd.s32 $0x2071800, s12;
	s21 =	sadd.s32 $0x5000, s10;
	s11 =	simm.s32 $0x50  }
0x12: {  	s14 =	simm.s32 $0x3;
	s23 =	sadd.s32 s13, s0;
	[dreg:$0xb] =	wrdreg s18  }
0x13: {  	s9 =	sshrl.u32 s9, $0x3;
	s26 =	sadd.s32 s4, s15;
	[dreg:$0x5] =	wrdreg s7  }
0x14: {  	s3 =	sadd.s32 s3, s13;
	s15 =	sadd.s32 s5, s15;
	[dreg:$0x6] =	wrdreg s26  }
0x15: {  	s17 =	sshrl.u32 s8, $0x3;
	s0 =	sadd.s32 s9, s0;
	[dreg:$0x8] =	wrdreg s3  }
0x16: {  	s9 =	ssub.s32 s24, s16;
	s16 =	sadd.s32 s25, s1;
	[dreg:$0x9] =	wrdreg s15  }
0x17: {  	s13 =	simm.s32 $0x2;
	s3 =	sadd.s32 s6, s17;
	[dreg:$0x7] =	wrdreg s16  }
0x18: {  	s25 =	sadd.s32 $0x50, s8;
	s8 =	sadd.s32 $0xA0, s8;
	[dreg:$0xc] =	wrdreg s3  }
0x19: {  	s26 =	sadd.s32 $0x4E20, s7;
	s15 =	simm.s32 $0x0;
	[dreg:$0x10] =	wrdreg s8  }
0x1a: {  	s16 =	sadd.s32 $0x14B1C00, s23;
	s0 =	sadd.s32 $0x1463A00, s0;
	[dreg:$0x11] =	wrdreg s26  }
0x1b: {  	s22 =	smax.u32 s9, $0x1;
	s23 =	sadd.s32 s20, s6;
	[dreg:$0xa] =	wrdreg s16  }
0x1c: {  	s3 =	sadd.s32 $0xA000, s10;
	s9 =	simm.s32 $0x1;
	[dreg:$0xd] =	wrdreg s0  }
0x1d: {  	[dreg:$0xe] =	wrdreg s22;
	s0 =	sshrl.u32 s21, $0x3;
	s24 =	sadd.s32 $0x14, s23  }
0x1e: {  	s21 =	sadd.s32 $0x4E34, s23;
	[dreg:$0xf] =	wrdreg s24;
	s20 =	sadd.s32 s0, s4  }
0x1f: {  	s22 =	sadd.s32 s0, s5;
	s0 =	sshrl.u32 s25, $0x3;
	s24 =	sadd.s32 $0x2072200, s12  }
0x20: {  	s12 =	simm.s32 $0x4;
	s25 =	sadd.s32 s0, s6;
	s0 =	simm.s32 $0x2900  }
.LBB2_1:
0x21: {  	s8 =	sshrl.u32 @!p0 s1, $0x3;
	s10 =	simm.s32 @!p0 $0x1C03;
	s7 =	rddreg [dreg:$0x4]  }
0x22: {  	[spmem:s8], [sflag:s10] =	dma.local @!p0 [hbm:s7], $0x27100  }
0x23: {  	s8 =	simm.s32 @!p0 $0x3  }
0x24: {  	_ =	swait.ge @!p0 [sflag:s8], $0x27100  }
0x25: {  	[sflag:s8] =	ssyncset.done @!p0 $0x0  }
0x26: {  	[sflag:s8] =	ssyncadd.s32 @!p0 $0xFFFD8F00  }
0x27: {  	[bflag:$0x0] =	sbarrier.arrive $0xFFFF  }
0x28: {  	s10 =	rddreg [dreg:$0x5]  }
0x29: {  	s16 =	rddreg [dreg:$0x6]  }
0x2a: {  	[tilespmem:s2], [sflag:$0x1] =	stream.linear.gather [hbm4b:s10+s2], $0x50, $0x38;
	[tilespmem:$0x18980] =	vst v63  }
0x2b: {  	s17 =	rddreg [dreg:$0xf]  }
0x2c: {  	[tilespmem:s30], [sflag:$0x1] =	stream.strided.gather [hbm4b:s16+s28], $0x2800, s29, s28, $0x38;
	[tilespmem:$0x18980] =	vst v63  }
0x2d: {  	s18 =	sadd.s32 $0xFFFFFFF6, s17  }
0x2e: {  	[tilespmem:s31], [sflag:$0x2] =	stream.linear.gather [hbm4b:s18+s2], $0x50, $0x38;
	[tilespmem:$0x18980] =	vst v63  }
0x2f: {  	s23 =	sadd.s32 $0x0, s20  }
0x30: {  	[tilespmem:s0], [sflag:$0x2] =	stream.strided.gather [hbm4b:s23+s28], $0x2800, s29, s28, $0x38;
	[tilespmem:$0x18980] =	vst v63  }
0x31: {  	_ =	swait.ge [sflag:s9], $0x50  }
0x32: {  	[sflag:s9] =	ssyncset.done $0x0  }
0x33: {  	[sflag:s9] =	ssyncadd.s32 $0xFFFFFFB0  }
0x34: {  	_ =	swait.ge [sflag:s9], $0x2800  }
0x35: {  	[sflag:s9] =	ssyncset.done $0x0  }
0x36: {  	[sflag:s9] =	ssyncadd.s32 $0xFFFFD800  }
0x37: {  	[spmem:s1] =	stream.indirect.scatter.add.f32 [tilespmem:s30], [sflag:$0x4], $0x80, s2, s11, $0xb8;
	[tilespmem:$0x18980] =	vst v63  }
0x38: {  	_ =	swait.ge [sflag:s12], $0x2800  }
0x39: {  	[sflag:s12] =	ssyncset.done $0x0  }
0x3a: {  	s8 =	sshrl.u32 s3, $0x3;
	[sflag:s12] =	ssyncadd.s32 $0xFFFFD800  }
0x3b: {  	[tilespmem:s2], [sflag:$0x1] =	stream.linear.gather [hbm4b:s17+s2], $0x50, $0x38;
	[tilespmem:$0x18980] =	vst v63  }
0x3c: {  	s26 =	sadd.s32 s4, s8  }
0x3d: {  	[tilespmem:s30], [sflag:$0x1] =	stream.strided.gather [hbm4b:s26+s28], $0x2800, s29, s28, $0x38;
	[tilespmem:$0x18980] =	vst v63  }
0x3e: {  	_ =	swait.ge [sflag:s13], $0x50  }
0x3f: {  	[sflag:s13] =	ssyncset.done $0x0  }
0x40: {  	[sflag:s13] =	ssyncadd.s32 $0xFFFFFFB0  }
0x41: {  	_ =	swait.ge [sflag:s13], $0x2800  }
0x42: {  	[sflag:s13] =	ssyncset.done $0x0  }
0x43: {  	[sflag:s13] =	ssyncadd.s32 $0xFFFFD800  }
0x44: {  	[spmem:s1] =	stream.indirect.scatter.add.f32 [tilespmem:s0], [sflag:$0x3], $0x80, s31, s11, $0xb8;
	[tilespmem:$0x18980] =	vst v63  }
0x45: {  	s10 =	simm.s32 $0x2800;
	s16 =	sadd.s32 $0x14, s17;
	_ =	swait.ge [sflag:s14], $0x2800  }
0x46: {  	s18 =	simm.s32 $0x1400;
	s17 =	smov.u32 s3;
	[sflag:s14] =	ssyncset.done $0x0  }
.LBB2_2:
0x47: {  	s23 =	sadd.s32 $0xFFFFFFF6, s16  }
0x48: {  	[sflag:s14] =	ssyncadd.s32 $0xFFFFD800;
	s17 =	sadd.s32 $0xA000, s17;
	s26 =	smov.u32 s10  }
0x49: {  	[tilespmem:s31], [sflag:$0x2] =	stream.linear.gather [hbm4b:s23+s2], $0x50, $0x38;
	[tilespmem:$0x18980] =	vst v63  }
0x4a: {  	p4 =	sne.s32 s10, $0x4C400;
	s10 =	sadd.s32 $0x1400, s10;
	s18 =	sadd.s32 s18, s20  }
0x4b: {  	[tilespmem:s0], [sflag:$0x2] =	stream.strided.gather [hbm4b:s18+s28], $0x2800, s29, s28, $0x38;
	[tilespmem:$0x18980] =	vst v63  }
0x4c: {  	s18 =	smov.u32 s26;
	_ =	swait.ge [sflag:s9], $0x50  }
0x4d: {  	[sflag:s9] =	ssyncset.done $0x0  }
0x4e: {  	[sflag:s9] =	ssyncadd.s32 $0xFFFFFFB0  }
0x4f: {  	_ =	swait.ge [sflag:s9], $0x2800  }
0x50: {  	[sflag:s9] =	ssyncset.done $0x0  }
0x51: {  	[sflag:s9] =	ssyncadd.s32 $0xFFFFD800  }
0x52: {  	[spmem:s1] =	stream.indirect.scatter.add.f32 [tilespmem:s30], [sflag:$0x4], $0x80, s2, s11, $0xb8;
	[tilespmem:$0x18980] =	vst v63  }
0x53: {  	_ =	swait.ge [sflag:s12], $0x2800  }
0x54: {  	[sflag:s12] =	ssyncset.done $0x0  }
0x55: {  	s23 =	sshrl.u32 s17, $0x3;
	[sflag:s12] =	ssyncadd.s32 $0xFFFFD800  }
0x56: {  	[tilespmem:s2], [sflag:$0x1] =	stream.linear.gather [hbm4b:s16+s2], $0x50, $0x38;
	[tilespmem:$0x18980] =	vst v63  }
0x57: {  	s23 =	sadd.s32 s4, s23  }
0x58: {  	[tilespmem:s30], [sflag:$0x1] =	stream.strided.gather [hbm4b:s23+s28], $0x2800, s29, s28, $0x38;
	[tilespmem:$0x18980] =	vst v63  }
0x59: {  	_ =	swait.ge [sflag:s13], $0x50  }
0x5a: {  	[sflag:s13] =	ssyncset.done $0x0  }
0x5b: {  	[sflag:s13] =	ssyncadd.s32 $0xFFFFFFB0  }
0x5c: {  	_ =	swait.ge [sflag:s13], $0x2800  }
.Ltmp0:
0x5d: {  	[sflag:s13] =	ssyncset.done $0x0;
	(pc) =	sbr.rel @p4 .LBB2_2-.Ltmp0, $4  }
0x5e: {  	[sflag:s13] =	ssyncadd.s32 $0xFFFFD800  }
0x5f: {  	[spmem:s1] =	stream.indirect.scatter.add.f32 [tilespmem:s0], [sflag:$0x3], $0x80, s31, s11, $0xb8;
	[tilespmem:$0x18980] =	vst v63  }
0x60: {  	_ =	swait.ge [sflag:s14], $0x2800  }
0x61: {  	s16 =	sadd.s32 $0x14, s16;
	[sflag:s14] =	ssyncset.done $0x0  }
0x62: {  	s10 =	sadd.s32 $0xFFFFFFF6, s16;
	[sflag:s14] =	ssyncadd.s32 $0xFFFFD800  }
0x63: {  	[tilespmem:s31], [sflag:$0x2] =	stream.linear.gather [hbm4b:s10+s2], $0x50, $0x38;
	[tilespmem:$0x18980] =	vst v63  }
0x64: {  	s7 =	sadd.s32 s18, s20  }
0x65: {  	[tilespmem:s0], [sflag:$0x2] =	stream.strided.gather [hbm4b:s7+s28], $0x2800, s29, s28, $0x38;
	[tilespmem:$0x18980] =	vst v63  }
0x66: {  	_ =	swait.ge [sflag:s9], $0x50  }
0x67: {  	[sflag:s9] =	ssyncset.done $0x0  }
0x68: {  	[sflag:s9] =	ssyncadd.s32 $0xFFFFFFB0  }
0x69: {  	_ =	swait.ge [sflag:s9], $0x2800  }
0x6a: {  	[sflag:s9] =	ssyncset.done $0x0  }
0x6b: {  	[sflag:s9] =	ssyncadd.s32 $0xFFFFD800  }
0x6c: {  	[spmem:s1] =	stream.indirect.scatter.add.f32 [tilespmem:s30], [sflag:$0x4], $0x80, s2, s11, $0xb8;
	[tilespmem:$0x18980] =	vst v63  }
0x6d: {  	_ =	swait.ge [sflag:s12], $0x2800  }
0x6e: {  	s18 =	sadd.s32 $0xA000, s17;
	[sflag:s12] =	ssyncset.done $0x0  }
0x6f: {  	s10 =	sshrl.u32 s18, $0x3;
	[sflag:s12] =	ssyncadd.s32 $0xFFFFD800  }
0x70: {  	[tilespmem:s2], [sflag:$0x1] =	stream.linear.gather [hbm4b:s16+s2], $0x50, $0x38;
	[tilespmem:$0x18980] =	vst v63  }
0x71: {  	s10 =	sadd.s32 s4, s10  }
0x72: {  	[tilespmem:s30], [sflag:$0x1] =	stream.strided.gather [hbm4b:s10+s28], $0x2800, s29, s28, $0x38;
	[tilespmem:$0x18980] =	vst v63  }
0x73: {  	_ =	swait.ge [sflag:s13], $0x50  }
0x74: {  	[sflag:s13] =	ssyncset.done $0x0  }
0x75: {  	[sflag:s13] =	ssyncadd.s32 $0xFFFFFFB0  }
0x76: {  	_ =	swait.ge [sflag:s13], $0x2800  }
0x77: {  	[sflag:s13] =	ssyncset.done $0x0  }
0x78: {  	[sflag:s13] =	ssyncadd.s32 $0xFFFFD800  }
0x79: {  	[spmem:s1] =	stream.indirect.scatter.add.f32 [tilespmem:s0], [sflag:$0x3], $0x80, s31, s11, $0xb8;
	[tilespmem:$0x18980] =	vst v63  }
0x7a: {  	_ =	swait.ge [sflag:s14], $0x2800  }
0x7b: {  	[sflag:s14] =	ssyncset.done $0x0  }
0x7c: {  	[sflag:s14] =	ssyncadd.s32 $0xFFFFD800  }
0x7d: {  	_ =	swait.ge [sflag:s9], $0x50  }
0x7e: {  	[sflag:s9] =	ssyncset.done $0x0  }
0x7f: {  	[sflag:s9] =	ssyncadd.s32 $0xFFFFFFB0  }
0x80: {  	_ =	swait.ge [sflag:s9], $0x2800  }
0x81: {  	[sflag:s9] =	ssyncset.done $0x0  }
0x82: {  	[sflag:s9] =	ssyncadd.s32 $0xFFFFD800  }
0x83: {  	[spmem:s1] =	stream.indirect.scatter.add.f32 [tilespmem:s30], [sflag:$0x4], $0x80, s2, s11, $0xb8;
	[tilespmem:$0x18980] =	vst v63  }
0x84: {  	_ =	swait.ge [sflag:s12], $0x2800  }
0x85: {  	[sflag:s12] =	ssyncset.done $0x0  }
0x86: {  	[sflag:s12] =	ssyncadd.s32 $0xFFFFD800  }
0x87: {  	s23 =	simm.s32 @p1 $0x80;
	s10 =	sshll.u32 @p1 s19, $0x6;
	[bflag:$0x0] =	sbarrier.arrive $0xFFFF  }
0x88: {  	s18 =	simm.s32 @p1 $0x100;
	s16 =	sor.u32 @p1 $0x1C03, s10;
	s7 =	rddreg [dreg:$0x7]  }
0x89: {  	s10 =	simm.s32 @p1 $0x8;
	s17 =	sshrl.u32 @p1 s7, $0x3;
	s7 =	rddreg [dreg:$0x8]  }
0x8a: {  	[hbm:s7@s18], [sflag:s16] =	dma.strided @p1 [spmem:s17@s23], $0x3E80, s10, $0x10   }
0x8b: {  	s10 =	simm.s32 @p1 $0x3  }
0x8c: {  	_ =	swait.ge @p1 [sflag:s10], $0x3E80  }
0x8d: {  	[sflag:s10] =	ssyncset.done @p1 $0x0  }
0x8e: {  	[sflag:s10] =	ssyncadd.s32 @p1 $0xFFFFC180  }
0x8f: {  	[bflag:$0x0] =	sbarrier.arrive @p1 $0xFFFF  }
0x90: {  	s26 =	sshrl.u32 @!p2 s1, $0x3;
	s10 =	simm.s32 @!p2 $0x1C03;
	s7 =	rddreg [dreg:$0x4]  }
0x91: {  	[spmem:s26], [sflag:s10] =	dma.local @!p2 [hbm:s7], $0x27100  }
0x92: {  	s10 =	simm.s32 @!p2 $0x3  }
0x93: {  	_ =	swait.ge @!p2 [sflag:s10], $0x27100  }
0x94: {  	[sflag:s10] =	ssyncset.done @!p2 $0x0  }
0x95: {  	[sflag:s10] =	ssyncadd.s32 @!p2 $0xFFFD8F00  }
0x96: {  	[bflag:$0x0] =	sbarrier.arrive @!p1 $0xFFFF  }
0x97: {  	[bflag:$0x0] =	sbarrier.arrive $0xFFFF  }
0x98: {  	s19 =	simm.s32 $0x0;
	s23 =	rddreg [dreg:$0x11]  }
0x99: {  	[tilespmem:s19], [sflag:$0x1] =	stream.linear.gather [hbm4b:s23+s19], $0x50, $0x38;
	[tilespmem:$0x18980] =	vst v63  }
0x9a: {  	s18 =	rddreg [dreg:$0x9]  }
0x9b: {  	[tilespmem:s30], [sflag:$0x1] =	stream.strided.gather [hbm4b:s18+s28], $0x2800, s29, s28, $0x38;
	[tilespmem:$0x18980] =	vst v63  }
0x9c: {  	s19 =	sadd.s32 $0xFFFFFFF6, s21  }
0x9d: {  	[tilespmem:s31], [sflag:$0x2] =	stream.linear.gather [hbm4b:s19+s2], $0x50, $0x38;
	[tilespmem:$0x18980] =	vst v63  }
0x9e: {  	s23 =	sadd.s32 $0x0, s22  }
0x9f: {  	[tilespmem:s0], [sflag:$0x2] =	stream.strided.gather [hbm4b:s23+s28], $0x2800, s29, s28, $0x38;
	[tilespmem:$0x18980] =	vst v63  }
0xa0: {  	_ =	swait.ge [sflag:s9], $0x50  }
0xa1: {  	[sflag:s9] =	ssyncset.done $0x0  }
0xa2: {  	[sflag:s9] =	ssyncadd.s32 $0xFFFFFFB0  }
0xa3: {  	_ =	swait.ge [sflag:s9], $0x2800  }
0xa4: {  	[sflag:s9] =	ssyncset.done $0x0  }
0xa5: {  	[sflag:s9] =	ssyncadd.s32 $0xFFFFD800  }
0xa6: {  	[spmem:s1] =	stream.indirect.scatter.add.f32 [tilespmem:s30], [sflag:$0x4], $0x80, s2, s11, $0xb8;
	[tilespmem:$0x18980] =	vst v63  }
0xa7: {  	_ =	swait.ge [sflag:s12], $0x2800  }
0xa8: {  	[sflag:s12] =	ssyncset.done $0x0  }
0xa9: {  	[sflag:s12] =	ssyncadd.s32 $0xFFFFD800  }
0xaa: {  	[tilespmem:s2], [sflag:$0x1] =	stream.linear.gather [hbm4b:s21+s2], $0x50, $0x38;
	[tilespmem:$0x18980] =	vst v63  }
0xab: {  	s8 =	sadd.s32 s5, s8  }
0xac: {  	[tilespmem:s30], [sflag:$0x1] =	stream.strided.gather [hbm4b:s8+s28], $0x2800, s29, s28, $0x38;
	[tilespmem:$0x18980] =	vst v63  }
0xad: {  	_ =	swait.ge [sflag:s13], $0x50  }
0xae: {  	[sflag:s13] =	ssyncset.done $0x0  }
0xaf: {  	[sflag:s13] =	ssyncadd.s32 $0xFFFFFFB0  }
0xb0: {  	_ =	swait.ge [sflag:s13], $0x2800  }
0xb1: {  	[sflag:s13] =	ssyncset.done $0x0  }
0xb2: {  	[sflag:s13] =	ssyncadd.s32 $0xFFFFD800  }
0xb3: {  	[spmem:s1] =	stream.indirect.scatter.add.f32 [tilespmem:s0], [sflag:$0x3], $0x80, s31, s11, $0xb8;
	[tilespmem:$0x18980] =	vst v63  }
0xb4: {  	s10 =	simm.s32 $0x1400;
	s18 =	smov.u32 s3;
	_ =	swait.ge [sflag:s14], $0x2800  }
0xb5: {  	s23 =	simm.s32 $0x2800;
	s8 =	sadd.s32 $0x14, s21;
	[sflag:s14] =	ssyncset.done $0x0  }
.LBB2_4:
0xb6: {  	s7 =	sadd.s32 $0xFFFFFFF6, s8  }
0xb7: {  	[sflag:s14] =	ssyncadd.s32 $0xFFFFD800;
	s18 =	sadd.s32 $0xA000, s18;
	s19 =	smov.u32 s23  }
0xb8: {  	[tilespmem:s31], [sflag:$0x2] =	stream.linear.gather [hbm4b:s7+s2], $0x50, $0x38;
	[tilespmem:$0x18980] =	vst v63  }
0xb9: {  	p4 =	sne.s32 s23, $0x4C400;
	s23 =	sadd.s32 $0x1400, s23;
	s7 =	sadd.s32 s10, s22  }
0xba: {  	[tilespmem:s0], [sflag:$0x2] =	stream.strided.gather [hbm4b:s7+s28], $0x2800, s29, s28, $0x38;
	[tilespmem:$0x18980] =	vst v63  }
0xbb: {  	s10 =	smov.u32 s19;
	_ =	swait.ge [sflag:s9], $0x50  }
0xbc: {  	[sflag:s9] =	ssyncset.done $0x0  }
0xbd: {  	[sflag:s9] =	ssyncadd.s32 $0xFFFFFFB0  }
0xbe: {  	_ =	swait.ge [sflag:s9], $0x2800  }
0xbf: {  	[sflag:s9] =	ssyncset.done $0x0  }
0xc0: {  	[sflag:s9] =	ssyncadd.s32 $0xFFFFD800  }
0xc1: {  	[spmem:s1] =	stream.indirect.scatter.add.f32 [tilespmem:s30], [sflag:$0x4], $0x80, s2, s11, $0xb8;
	[tilespmem:$0x18980] =	vst v63  }
0xc2: {  	_ =	swait.ge [sflag:s12], $0x2800  }
0xc3: {  	[sflag:s12] =	ssyncset.done $0x0  }
0xc4: {  	s7 =	sshrl.u32 s18, $0x3;
	[sflag:s12] =	ssyncadd.s32 $0xFFFFD800  }
0xc5: {  	[tilespmem:s2], [sflag:$0x1] =	stream.linear.gather [hbm4b:s8+s2], $0x50, $0x38;
	[tilespmem:$0x18980] =	vst v63  }
0xc6: {  	s7 =	sadd.s32 s5, s7  }
0xc7: {  	[tilespmem:s30], [sflag:$0x1] =	stream.strided.gather [hbm4b:s7+s28], $0x2800, s29, s28, $0x38;
	[tilespmem:$0x18980] =	vst v63  }
0xc8: {  	_ =	swait.ge [sflag:s13], $0x50  }
0xc9: {  	[sflag:s13] =	ssyncset.done $0x0  }
0xca: {  	[sflag:s13] =	ssyncadd.s32 $0xFFFFFFB0  }
0xcb: {  	_ =	swait.ge [sflag:s13], $0x2800  }
.Ltmp1:
0xcc: {  	[sflag:s13] =	ssyncset.done $0x0;
	(pc) =	sbr.rel @p4 .LBB2_4-.Ltmp1, $4  }
0xcd: {  	[sflag:s13] =	ssyncadd.s32 $0xFFFFD800  }
0xce: {  	[spmem:s1] =	stream.indirect.scatter.add.f32 [tilespmem:s0], [sflag:$0x3], $0x80, s31, s11, $0xb8;
	[tilespmem:$0x18980] =	vst v63  }
0xcf: {  	_ =	swait.ge [sflag:s14], $0x2800  }
0xd0: {  	s8 =	sadd.s32 $0x14, s8;
	[sflag:s14] =	ssyncset.done $0x0  }
0xd1: {  	s7 =	sadd.s32 $0xFFFFFFF6, s8;
	[sflag:s14] =	ssyncadd.s32 $0xFFFFD800  }
0xd2: {  	[tilespmem:s31], [sflag:$0x2] =	stream.linear.gather [hbm4b:s7+s2], $0x50, $0x38;
	[tilespmem:$0x18980] =	vst v63  }
0xd3: {  	s19 =	sadd.s32 s10, s22  }
0xd4: {  	[tilespmem:s0], [sflag:$0x2] =	stream.strided.gather [hbm4b:s19+s28], $0x2800, s29, s28, $0x38;
	[tilespmem:$0x18980] =	vst v63  }
0xd5: {  	_ =	swait.ge [sflag:s9], $0x50  }
0xd6: {  	[sflag:s9] =	ssyncset.done $0x0  }
0xd7: {  	[sflag:s9] =	ssyncadd.s32 $0xFFFFFFB0  }
0xd8: {  	_ =	swait.ge [sflag:s9], $0x2800  }
0xd9: {  	[sflag:s9] =	ssyncset.done $0x0  }
0xda: {  	[sflag:s9] =	ssyncadd.s32 $0xFFFFD800  }
0xdb: {  	[spmem:s1] =	stream.indirect.scatter.add.f32 [tilespmem:s30], [sflag:$0x4], $0x80, s2, s11, $0xb8;
	[tilespmem:$0x18980] =	vst v63  }
0xdc: {  	_ =	swait.ge [sflag:s12], $0x2800  }
0xdd: {  	s23 =	sadd.s32 $0xA000, s18;
	[sflag:s12] =	ssyncset.done $0x0  }
0xde: {  	s7 =	sshrl.u32 s23, $0x3;
	[sflag:s12] =	ssyncadd.s32 $0xFFFFD800  }
0xdf: {  	[tilespmem:s2], [sflag:$0x1] =	stream.linear.gather [hbm4b:s8+s2], $0x50, $0x38;
	[tilespmem:$0x18980] =	vst v63  }
0xe0: {  	s7 =	sadd.s32 s5, s7  }
0xe1: {  	[tilespmem:s30], [sflag:$0x1] =	stream.strided.gather [hbm4b:s7+s28], $0x2800, s29, s28, $0x38;
	[tilespmem:$0x18980] =	vst v63  }
0xe2: {  	_ =	swait.ge [sflag:s13], $0x50  }
0xe3: {  	[sflag:s13] =	ssyncset.done $0x0  }
0xe4: {  	[sflag:s13] =	ssyncadd.s32 $0xFFFFFFB0  }
0xe5: {  	_ =	swait.ge [sflag:s13], $0x2800  }
0xe6: {  	[sflag:s13] =	ssyncset.done $0x0  }
0xe7: {  	[sflag:s13] =	ssyncadd.s32 $0xFFFFD800  }
0xe8: {  	[spmem:s1] =	stream.indirect.scatter.add.f32 [tilespmem:s0], [sflag:$0x3], $0x80, s31, s11, $0xb8;
	[tilespmem:$0x18980] =	vst v63  }
0xe9: {  	_ =	swait.ge [sflag:s14], $0x2800  }
0xea: {  	[sflag:s14] =	ssyncset.done $0x0  }
0xeb: {  	[sflag:s14] =	ssyncadd.s32 $0xFFFFD800  }
0xec: {  	_ =	swait.ge [sflag:s9], $0x50  }
0xed: {  	[sflag:s9] =	ssyncset.done $0x0  }
0xee: {  	[sflag:s9] =	ssyncadd.s32 $0xFFFFFFB0  }
0xef: {  	_ =	swait.ge [sflag:s9], $0x2800  }
0xf0: {  	[sflag:s9] =	ssyncset.done $0x0  }
0xf1: {  	[sflag:s9] =	ssyncadd.s32 $0xFFFFD800  }
0xf2: {  	[spmem:s1] =	stream.indirect.scatter.add.f32 [tilespmem:s30], [sflag:$0x4], $0x80, s2, s11, $0xb8;
	[tilespmem:$0x18980] =	vst v63  }
0xf3: {  	_ =	swait.ge [sflag:s12], $0x2800  }
0xf4: {  	[sflag:s12] =	ssyncset.done $0x0  }
0xf5: {  	[sflag:s12] =	ssyncadd.s32 $0xFFFFD800  }
0xf6: {  	s10 =	simm.s32 @p1 $0x80;
	[bflag:$0x0] =	sbarrier.arrive $0xFFFF  }
0xf7: {  	s8 =	simm.s32 @p1 $0x100;
	s7 =	simm.s32 @p1 $0x8;
	s18 =	rddreg [dreg:$0xa]  }
0xf8: {  	[hbm:s18@s8], [sflag:s16] =	dma.strided @p1 [spmem:s17@s10], $0x3E80, s7, $0x10   }
0xf9: {  	s7 =	simm.s32 @p1 $0x3  }
0xfa: {  	_ =	swait.ge @p1 [sflag:s7], $0x3E80  }
0xfb: {  	[sflag:s7] =	ssyncset.done @p1 $0x0  }
0xfc: {  	[sflag:s7] =	ssyncadd.s32 @p1 $0xFFFFC180  }
0xfd: {  	[bflag:$0x0] =	sbarrier.arrive @p1 $0xFFFF  }
0xfe: {  	s7 =	simm.s32 @!p2 $0x1C03;
	s8 =	rddreg [dreg:$0x4]  }
0xff: {  	[spmem:s26], [sflag:s7] =	dma.local @!p2 [hbm:s8], $0x27100  }
0x100: {  	s7 =	simm.s32 @!p2 $0x3  }
0x101: {  	_ =	swait.ge @!p2 [sflag:s7], $0x27100  }
0x102: {  	[sflag:s7] =	ssyncset.done @!p2 $0x0  }
0x103: {  	[sflag:s7] =	ssyncadd.s32 @!p2 $0xFFFD8F00  }
0x104: {  	[bflag:$0x0] =	sbarrier.arrive @!p1 $0xFFFF  }
0x105: {  	[bflag:$0x0] =	sbarrier.arrive $0xFFFF  }
0x106: {  	s10 =	simm.s32 $0x0;
	s16 =	rddreg [dreg:$0xc]  }
0x107: {  	[tilespmem:s10], [sflag:$0x1] =	stream.linear.gather [hbm4b:s16+s10], $0x50, $0x38;
	[tilespmem:$0x18980] =	vst v63  }
0x108: {  	s17 =	rddreg [dreg:$0xb]  }
0x109: {  	[tilespmem:s30], [sflag:$0x1] =	stream.linear.gather [hbm4b:s17+s10], $0x2800, $0x38;
	[tilespmem:$0x18980] =	vst v63  }
0x10a: {  	s18 =	sadd.s32 $0x0, s25  }
0x10b: {  	[tilespmem:s31], [sflag:$0x2] =	stream.linear.gather [hbm4b:s18+s2], $0x50, $0x38;
	[tilespmem:$0x18980] =	vst v63  }
0x10c: {  	s19 =	sadd.s32 $0xFFFFFB00, s24  }
0x10d: {  	[tilespmem:s0], [sflag:$0x2] =	stream.linear.gather [hbm4b:s19+s2], $0x2800, $0x38;
	[tilespmem:$0x18980] =	vst v63  }
0x10e: {  	_ =	swait.ge [sflag:s9], $0x50  }
0x10f: {  	[sflag:s9] =	ssyncset.done $0x0  }
0x110: {  	[sflag:s9] =	ssyncadd.s32 $0xFFFFFFB0  }
0x111: {  	_ =	swait.ge [sflag:s9], $0x2800  }
0x112: {  	[sflag:s9] =	ssyncset.done $0x0  }
0x113: {  	[sflag:s9] =	ssyncadd.s32 $0xFFFFD800  }
0x114: {  	[spmem:s1] =	stream.indirect.scatter.add.f32 [tilespmem:s30], [sflag:$0x4], $0x80, s2, s11, $0xb8;
	[tilespmem:$0x18980] =	vst v63  }
0x115: {  	_ =	swait.ge [sflag:s12], $0x2800  }
0x116: {  	s23 =	rddreg [dreg:$0x10]  }
0x117: {  	[sflag:s12] =	ssyncset.done $0x0;
	s26 =	sshrl.u32 s23, $0x3  }
0x118: {  	[sflag:s12] =	ssyncadd.s32 $0xFFFFD800;
	s7 =	sadd.s32 s6, s26  }
0x119: {  	[tilespmem:s2], [sflag:$0x1] =	stream.linear.gather [hbm4b:s7+s2], $0x50, $0x38;
	[tilespmem:$0x18980] =	vst v63  }
0x11a: {  	_ = 	snop  }
0x11b: {  	[tilespmem:s30], [sflag:$0x1] =	stream.linear.gather [hbm4b:s24+s2], $0x2800, $0x38;
	[tilespmem:$0x18980] =	vst v63  }
0x11c: {  	_ =	swait.ge [sflag:s13], $0x50  }
0x11d: {  	[sflag:s13] =	ssyncset.done $0x0  }
0x11e: {  	[sflag:s13] =	ssyncadd.s32 $0xFFFFFFB0  }
0x11f: {  	_ =	swait.ge [sflag:s13], $0x2800  }
0x120: {  	[sflag:s13] =	ssyncset.done $0x0  }
0x121: {  	[sflag:s13] =	ssyncadd.s32 $0xFFFFD800  }
0x122: {  	[spmem:s1] =	stream.indirect.scatter.add.f32 [tilespmem:s0], [sflag:$0x3], $0x80, s31, s11, $0xb8;
	[tilespmem:$0x18980] =	vst v63  }
0x123: {  	s8 =	sadd.s32 $0xA00, s24;
	s10 =	simm.s32 $0x14;
	_ =	swait.ge [sflag:s14], $0x2800  }
0x124: {  	s17 =	simm.s32 $0x28;
	s16 =	sadd.s32 $0xA0, s23;
	[sflag:s14] =	ssyncset.done $0x0  }
.LBB2_6:
0x125: {  	s7 =	sadd.s32 s10, s25  }
0x126: {  	[sflag:s14] =	ssyncadd.s32 $0xFFFFD800;
	s10 =	smov.u32 s17;
	s18 =	sadd.s32 $0x14, s17  }
0x127: {  	[tilespmem:s31], [sflag:$0x2] =	stream.linear.gather [hbm4b:s7+s2], $0x50, $0x38;
	[tilespmem:$0x18980] =	vst v63  }
0x128: {  	p4 =	sne.s32 s17, $0x4C4;
	s7 =	sadd.s32 $0xFFFFFB00, s8  }
0x129: {  	[tilespmem:s0], [sflag:$0x2] =	stream.linear.gather [hbm4b:s7+s2], $0x2800, $0x38;
	[tilespmem:$0x18980] =	vst v63  }
0x12a: {  	_ =	swait.ge [sflag:s9], $0x50  }
0x12b: {  	[sflag:s9] =	ssyncset.done $0x0  }
0x12c: {  	[sflag:s9] =	ssyncadd.s32 $0xFFFFFFB0  }
0x12d: {  	_ =	swait.ge [sflag:s9], $0x2800  }
0x12e: {  	[sflag:s9] =	ssyncset.done $0x0  }
0x12f: {  	[sflag:s9] =	ssyncadd.s32 $0xFFFFD800  }
0x130: {  	[spmem:s1] =	stream.indirect.scatter.add.f32 [tilespmem:s30], [sflag:$0x4], $0x80, s2, s11, $0xb8;
	[tilespmem:$0x18980] =	vst v63  }
0x131: {  	_ =	swait.ge [sflag:s12], $0x2800  }
0x132: {  	s7 =	sshrl.u32 s16, $0x3;
	[sflag:s12] =	ssyncset.done $0x0  }
0x133: {  	s7 =	sadd.s32 s6, s7;
	[sflag:s12] =	ssyncadd.s32 $0xFFFFD800  }
0x134: {  	[tilespmem:s2], [sflag:$0x1] =	stream.linear.gather [hbm4b:s7+s2], $0x50, $0x38;
	[tilespmem:$0x18980] =	vst v63  }
0x135: {  	_ = 	snop  }
0x136: {  	[tilespmem:s30], [sflag:$0x1] =	stream.linear.gather [hbm4b:s8+s2], $0x2800, $0x38;
	[tilespmem:$0x18980] =	vst v63  }
0x137: {  	_ =	swait.ge [sflag:s13], $0x50  }
0x138: {  	[sflag:s13] =	ssyncset.done $0x0  }
0x139: {  	[sflag:s13] =	ssyncadd.s32 $0xFFFFFFB0  }
0x13a: {  	_ =	swait.ge [sflag:s13], $0x2800  }
.Ltmp2:
0x13b: {  	[sflag:s13] =	ssyncset.done $0x0;
	(pc) =	sbr.rel @p4 .LBB2_6-.Ltmp2, $4  }
0x13c: {  	[sflag:s13] =	ssyncadd.s32 $0xFFFFD800  }
0x13d: {  	[spmem:s1] =	stream.indirect.scatter.add.f32 [tilespmem:s0], [sflag:$0x3], $0x80, s31, s11, $0xb8;
	[tilespmem:$0x18980] =	vst v63  }
0x13e: {  	s17 =	smov.u32 s18;
	_ =	swait.ge [sflag:s14], $0x2800  }
0x13f: {  	s16 =	sadd.s32 $0xA0, s16;
	s8 =	sadd.s32 $0xA00, s8;
	[sflag:s14] =	ssyncset.done $0x0  }
0x140: {  	s7 =	sadd.s32 s10, s25;
	[sflag:s14] =	ssyncadd.s32 $0xFFFFD800  }
0x141: {  	[tilespmem:s31], [sflag:$0x2] =	stream.linear.gather [hbm4b:s7+s2], $0x50, $0x38;
	[tilespmem:$0x18980] =	vst v63  }
0x142: {  	s19 =	sadd.s32 $0xFFFFFB00, s8  }
0x143: {  	[tilespmem:s0], [sflag:$0x2] =	stream.linear.gather [hbm4b:s19+s2], $0x2800, $0x38;
	[tilespmem:$0x18980] =	vst v63  }
0x144: {  	_ =	swait.ge [sflag:s9], $0x50  }
0x145: {  	[sflag:s9] =	ssyncset.done $0x0  }
0x146: {  	[sflag:s9] =	ssyncadd.s32 $0xFFFFFFB0  }
0x147: {  	_ =	swait.ge [sflag:s9], $0x2800  }
0x148: {  	[sflag:s9] =	ssyncset.done $0x0  }
0x149: {  	[sflag:s9] =	ssyncadd.s32 $0xFFFFD800  }
0x14a: {  	[spmem:s1] =	stream.indirect.scatter.add.f32 [tilespmem:s30], [sflag:$0x4], $0x80, s2, s11, $0xb8;
	[tilespmem:$0x18980] =	vst v63  }
0x14b: {  	_ =	swait.ge [sflag:s12], $0x2800  }
0x14c: {  	s23 =	sshrl.u32 s16, $0x3;
	[sflag:s12] =	ssyncset.done $0x0  }
0x14d: {  	s7 =	sadd.s32 s6, s23;
	[sflag:s12] =	ssyncadd.s32 $0xFFFFD800  }
0x14e: {  	[tilespmem:s2], [sflag:$0x1] =	stream.linear.gather [hbm4b:s7+s2], $0x50, $0x38;
	[tilespmem:$0x18980] =	vst v63  }
0x14f: {  	_ = 	snop  }
0x150: {  	[tilespmem:s30], [sflag:$0x1] =	stream.linear.gather [hbm4b:s8+s2], $0x2800, $0x38;
	[tilespmem:$0x18980] =	vst v63  }
0x151: {  	_ =	swait.ge [sflag:s13], $0x50  }
0x152: {  	[sflag:s13] =	ssyncset.done $0x0  }
0x153: {  	[sflag:s13] =	ssyncadd.s32 $0xFFFFFFB0  }
0x154: {  	_ =	swait.ge [sflag:s13], $0x2800  }
0x155: {  	[sflag:s13] =	ssyncset.done $0x0  }
0x156: {  	[sflag:s13] =	ssyncadd.s32 $0xFFFFD800  }
0x157: {  	[spmem:s1] =	stream.indirect.scatter.add.f32 [tilespmem:s0], [sflag:$0x3], $0x80, s31, s11, $0xb8;
	[tilespmem:$0x18980] =	vst v63  }
0x158: {  	_ =	swait.ge [sflag:s14], $0x2800  }
0x159: {  	[sflag:s14] =	ssyncset.done $0x0  }
0x15a: {  	[sflag:s14] =	ssyncadd.s32 $0xFFFFD800  }
0x15b: {  	_ =	swait.ge [sflag:s9], $0x50  }
0x15c: {  	[sflag:s9] =	ssyncset.done $0x0  }
0x15d: {  	[sflag:s9] =	ssyncadd.s32 $0xFFFFFFB0  }
0x15e: {  	_ =	swait.ge [sflag:s9], $0x2800  }
0x15f: {  	[sflag:s9] =	ssyncset.done $0x0  }
0x160: {  	[sflag:s9] =	ssyncadd.s32 $0xFFFFD800  }
0x161: {  	[spmem:s1] =	stream.indirect.scatter.add.f32 [tilespmem:s30], [sflag:$0x4], $0x80, s2, s11, $0xb8;
	[tilespmem:$0x18980] =	vst v63  }
0x162: {  	_ =	swait.ge [sflag:s12], $0x2800  }
0x163: {  	[sflag:s12] =	ssyncset.done $0x0  }
0x164: {  	[sflag:s12] =	ssyncadd.s32 $0xFFFFD800  }
0x165: {  	s19 =	stileid.u32;
	[bflag:$0x0] =	sbarrier.arrive $0xFFFF  }
0x166: {  	s7 =	sshll.u32 @!p3 s19, $0x6;
	s8 =	rddreg [dreg:$0x7]  }
0x167: {  	s7 =	sor.u32 @!p3 $0x1C03, s7;
	s10 =	rddreg [dreg:$0xd];
	s8 =	sshrl.u32 @!p3 s8, $0x3  }
0x168: {  	[hbm:s10], [sflag:s7] =	dma.local @!p3 [spmem:s8], $0x3E80  }
0x169: {  	s7 =	simm.s32 @!p3 $0x3  }
0x16a: {  	_ =	swait.ge @!p3 [sflag:s7], $0x3E80  }
0x16b: {  	s15 =	sadd.s32 $0x1, s15;
	s26 =	rddreg [dreg:$0xe]  }
0x16c: {  	p4 =	sne.s32 s15, s26  }
.Ltmp3:
0x16d: {  	_ = 	snop;
	(pc) =	sbr.rel @p4 .LBB2_1-.Ltmp3, $3  }
0x16e: {  	[sflag:s7] =	ssyncset.done @!p3 $0x0  }
0x16f: {  	[sflag:s7] =	ssyncadd.s32 @!p3 $0xFFFFC180  }
0x170: {  	[bflag:$0x0] =	sbarrier.arrive $0xFFFF;
	_ =	sdelay $0x1  }
0x171: {  	_ =	sfence.sel $0x180000  }
0x172: {  	[bflag:$0x0] =	sbarrier.arrive $0xFFFF  }
0x173: {  	_ =	strace $0x9000004A  }
0x174: {  	[bflag:$0x2] =	sbarrier.arrive $0xFFFF  }
0x175: {  	s0 =	rddreg [dreg:$0x3]  }
0x176: {  	s0 =	sadd.s32 @!p0 $0x100000, s0  }
0x177: {  	[sflag:s0] =	ssyncadd.tile.s32 @!p0 $0x1;
	_ =	shalt  }
.Lfunc_end2:
_tile_overlayer_lowered:
.L_overlay_start_2:
0x178: {  	(tag) =	ssettag $0x2  }
0x179: {  	s0 =	rddreg [dreg:$0x0];
	s2 =	stileid.u32  }
0x17a: {  	s1 =	rddreg [dreg:$0x1];
	p0 =	sne.s32 s2, $0x0  }
0x17b: {  	s3 =	rddreg [dreg:$0x2];
	[bflag:$0x3] =	sbarrier.arrive $0xFFFF;
	s2 =	simm.s32 @!p0 $0x1C03  }
0x17c: {  	[timem:s3], [sflag:s2] =	dma.local @!p0 [hbm:s0], s1  }
0x17d: {  	s0 =	simm.s32 @!p0 $0x3  }
0x17e: {  	_ =	swait.ge @!p0 [sflag:s0], s1  }
0x17f: {  	s1 =	ssub.s32 @!p0 $0x0, s1;
	[sflag:s0] =	ssyncset.done @!p0 $0x0  }
0x180: {  	[sflag:s0] =	ssyncadd.s32 @!p0 s1  }
0x181: {  	[bflag:$0x3] =	sbarrier.arrive $0xFFFF  }
0x182: {  	_ =	shalt  }

// kernel: kernel.9.cloned.1.call-start
scs
__scs_entry_jumppad:
0x0: {  	(pc) =	sbr.rel $0x88, $3  }
0x1: {  	(tag) =	ssettag $0x0;
	lr =	simm.s32 $0x1  }
0x2: {  	[smem:$0x3F86] =	sst lr;
	_ =	strace $0xD0000000  }
0x3: {  	_ = 	snop  }
0x4: {  	_ = 	snop  }
0x5: {  	_ = 	snop  }
0x6: {  	_ = 	snop  }
0x7: {  	_ = 	snop  }
__scs_overlays_trampoline_lowered:
0x8: {  	[smem:$0x3F95] =	sst s0  }
0x9: {  	[smem:$0x3F96] =	sst s1  }
0xa: {  	[smem:$0x3F97] =	sst s2  }
0xb: {  	[smem:$0x3F98] =	sst s3  }
0xc: {  	[smem:$0x3F99] =	sst s4  }
0xd: {  	[smem:$0x3F9A] =	sst s5  }
0xe: {  	[smem:$0x3F9B] =	sst s6  }
0xf: {  	[smem:$0x3F9C] =	sst s7  }
0x10: {  	[smem:$0x3F9D] =	sst s8  }
0x11: {  	[smem:$0x3F9E] =	sst s9;
	s0 =	simm.s32 @!p0 $0x0  }
0x12: {  	s1 =	sld [smem:$0x3F84];
	s0 =	simm.s32 @p0 $0x1  }
0x13: {  	[smem:$0x3F9F] =	sst s0;
	s0 =	simm.s32 @!p1 $0x0  }
0x14: {  	s2 =	sld [smem:$0x3F83];
	s0 =	simm.s32 @p1 $0x1  }
0x15: {  	[smem:$0x3FA0] =	sst s0;
	s0 =	simm.s32 @!p2 $0x0  }
0x16: {  	s3 =	sld [smem:$0x3FDB];
	s0 =	simm.s32 @p2 $0x1  }
0x17: {  	s4 =	simm.s32 $0x1BF5;
	[smem:$0x3FA2] =	sst s0  }
0x18: {  	s0 =	sld [smem:$0x3F85];
	_ =	swait.ge [sflag:s4], $0x0  }
0x19: {  	s7 =	sld [smem:$0x3F86]  }
0x1a: {  	s8 =	sadd.s32 $0xFFFFE003, lr  }
0x1b: {  	s9 =	sadd.s32 $0xFFFFFEF7, lr;
	s5 =	simm.s32 $0xFFFFFFFF;
	p2 =	slt.u32 s8, $0xFFFFF086  }
0x1c: {  	p1 =	slt.u32 s9, $0xF7A;
	s5 =	simm.s32 @!p2 $0x0  }
0x1d: {  	s5 =	simm.s32 @p1 $0x1;
	p0 =	seq.s32 s7, s2  }
0x1e: {  	s7 =	smul.u32 @!p0 $0xF7A, s2;
	p2 =	seq.s32 @!p0 s5, $0x0  }
0x1f: {  	s9 =	smul.u32 $0xF7A, s1;
	s8 =	simm.s32 @!p0 $0x1BF5;
	p2 =	por !p2, p0  }
0x20: {  	[sflag:s8] =	ssyncset.s32 @!p0 $0xFFFFF086;
	s6 =	sadd.s32 @!p0 s3, s7;
	s7 =	simm.s32 @!p0 $0x108  }
0x21: {  	s3 =	sadd.s32 s3, s9;
	s6 =	sadd.s32 @!p0 $0x88, s6;
	s7 =	simm.s32 @p2 $0x1082  }
0x22: {  	[simem:s7], [sflag:s8] =	dma.local @!p0 [hbm:s6], $0xF7A  }
0x23: {  	s9 =	sor.u32 $0xD0000000, s2;
	s6 =	simm.s32 $0x108;
	_ =	swait.ge @!p0 [sflag:s8], $0x0  }
0x24: {  	s3 =	sadd.s32 $0x88, s3;
	s6 =	simm.s32 @!p1 $0x1082;
	[sflag:s4] =	ssyncset.s32 $0xFFFFF086  }
0x25: {  	[simem:s6], [sflag:s4] =	dma.local [hbm:s3], $0xF7A  }
0x26: {  	[smem:$0x3F86] =	sst s1;
	(tag) =	ssettag s2;
	_ =	strace s9  }
0x27: {  	s1 =	sld [smem:$0x3F96]  }
0x28: {  	s2 =	sld [smem:$0x3F97]  }
0x29: {  	s4 =	sld [smem:$0x3F99]  }
0x2a: {  	p0 =	seq.s32 s5, $0x0;
	s5 =	sld [smem:$0x3F9A]  }
0x2b: {  	s6 =	sld [smem:$0x3F9B]  }
0x2c: {  	s7 =	sld [smem:$0x3F9C]  }
0x2d: {  	s3 =	simm.s32 $0x108;
	s8 =	sld [smem:$0x3F9D]  }
0x2e: {  	s3 =	simm.s32 @!p0 $0x1082;
	s9 =	sld [smem:$0x3F9E]  }
0x2f: {  	lr =	sadd.s32 s0, s3;
	s0 =	sld [smem:$0x3F95]  }
0x30: {  	s3 =	sld [smem:$0x3F98]  }
0x31: {  	[smem:$0x3FA1] =	sst s10  }
0x32: {  	s10 =	sld [smem:$0x3F9F];
	_ =	sdelay $0x3  }
0x33: {  	p0 =	seq.s32 s10, $0x1;
	s10 =	sld [smem:$0x3FA1];
	_ =	sdelay $0x3  }
0x34: {  	[smem:$0x3FA1] =	sst s10  }
0x35: {  	s10 =	sld [smem:$0x3FA0];
	_ =	sdelay $0x3  }
0x36: {  	p1 =	seq.s32 s10, $0x1;
	s10 =	sld [smem:$0x3FA1];
	_ =	sdelay $0x3  }
0x37: {  	[smem:$0x3FA1] =	sst s10  }
0x38: {  	s10 =	sld [smem:$0x3FA2]  }
0x39: {  	_ = 	snop;
	(pc) =	sbr.ind lr, $3  }
0x3a: {  	_ = 	snop  }
0x3b: {  	_ = 	snop  }
0x3c: {  	p2 =	seq.s32 s10, $0x1;
	s10 =	sld [smem:$0x3FA1]  }
0x3d: {  	_ =	shalt  }
0x3e: {  	_ =	shalt  }
0x3f: {  	_ =	shalt  }
0x40: {  	_ =	shalt  }
0x41: {  	_ =	shalt  }
0x42: {  	_ =	shalt  }
0x43: {  	_ =	shalt  }
0x44: {  	_ =	shalt  }
0x45: {  	_ =	shalt  }
0x46: {  	_ =	shalt  }
0x47: {  	_ =	shalt  }
0x48: {  	_ =	shalt  }
0x49: {  	_ =	shalt  }
0x4a: {  	_ =	shalt  }
0x4b: {  	_ =	shalt  }
0x4c: {  	_ =	shalt  }
0x4d: {  	_ =	shalt  }
0x4e: {  	_ =	shalt  }
0x4f: {  	_ =	shalt  }
0x50: {  	_ =	shalt  }
0x51: {  	_ =	shalt  }
0x52: {  	_ =	shalt  }
0x53: {  	_ =	shalt  }
0x54: {  	_ =	shalt  }
0x55: {  	_ =	shalt  }
0x56: {  	_ =	shalt  }
0x57: {  	_ =	shalt  }
0x58: {  	_ =	shalt  }
0x59: {  	_ =	shalt  }
0x5a: {  	_ =	shalt  }
0x5b: {  	_ =	shalt  }
0x5c: {  	_ =	shalt  }
0x5d: {  	_ =	shalt  }
0x5e: {  	_ =	shalt  }
0x5f: {  	_ =	shalt  }
0x60: {  	_ =	shalt  }
0x61: {  	_ =	shalt  }
0x62: {  	_ =	shalt  }
0x63: {  	_ =	shalt  }
0x64: {  	_ =	shalt  }
0x65: {  	_ =	shalt  }
0x66: {  	_ =	shalt  }
0x67: {  	_ =	shalt  }
0x68: {  	_ =	shalt  }
0x69: {  	_ =	shalt  }
0x6a: {  	_ =	shalt  }
0x6b: {  	_ =	shalt  }
0x6c: {  	_ =	shalt  }
0x6d: {  	_ =	shalt  }
0x6e: {  	_ =	shalt  }
0x6f: {  	_ =	shalt  }
0x70: {  	_ =	shalt  }
0x71: {  	_ =	shalt  }
0x72: {  	_ =	shalt  }
0x73: {  	_ =	shalt  }
0x74: {  	_ =	shalt  }
0x75: {  	_ =	shalt  }
0x76: {  	_ =	shalt  }
0x77: {  	_ =	shalt  }
0x78: {  	_ =	shalt  }
0x79: {  	_ =	shalt  }
0x7a: {  	_ =	shalt  }
0x7b: {  	_ =	shalt  }
0x7c: {  	_ =	shalt  }
0x7d: {  	_ =	shalt  }
0x7e: {  	_ =	shalt  }
0x7f: {  	_ =	shalt  }
0x80: {  	_ =	shalt  }
0x81: {  	_ =	shalt  }
0x82: {  	_ =	shalt  }
0x83: {  	_ =	shalt  }
0x84: {  	_ =	shalt  }
0x85: {  	_ =	shalt  }
0x86: {  	_ =	shalt  }
0x87: {  	_ =	shalt  }
.Lfunc_end0:
.L_simem_size_0:
called_computation_lowered:
.L_overlay_start_0:
0x88: {  	s2 =	sld [smem:$0x3FD9]  }
0x89: {  	s3 =	sld [smem:$0x3FFE];
	_ =	sdelay $0x1  }
0x8a: {  	s1 =	srdreg.scid  }
0x8b: {  	s0 =	sand.u32 $0x1, s1  }
0x8c: {  	s17 =	sshll.u32 s0, $0xA;
	s2 =	sadd.s32 s3, s2  }
0x8d: {  	s2 =	sadd.s32 s2, s17  }
0x8e: {  	[smem:$0x3FAD] =	sst s2  }
0x8f: {  	_ = 	snop  }
0x90: {  	s2 =	sld [smem:$0x3FD0];
	(tm) =	ssettm $0x1  }
0x91: {  	s18 =	sld [smem:$0x3FFB];
	_ =	sdelay $0x3  }
0x92: {  	_ =	strace s18  }
0x93: {  	s3 =	sld [smem:$0x3FFC];
	_ =	sdelay $0x3  }
0x94: {  	_ =	strace s3  }
0x95: {  	s3 =	sld [smem:$0x3FFD];
	_ =	sdelay $0x3  }
0x96: {  	_ =	strace s3  }
0x97: {  	_ =	strace $0x8FFFFFFF  }
0x98: {  	s19 =	sld [smem:$0x3FDB];
	_ =	sdelay $0x1  }
0x99: {  	s4 =	simm.s32 $_scs_section_size  }
0x9a: {  	s5 =	simm.s32 $_size__tile_overlayer_lowered;
	s6 =	simm.s32 $_tile_overlayer_lowered  }
0x9b: {  	s22 =	simm.s32 $0x1BFF;
	s21 =	sshll.u32 s6, $0x1;
	s3 =	sadd.s32 s4, s19  }
0x9c: {  	s7 =	simm.s32 $0x0;
	s20 =	sshll.u32 s5, $0x1;
	s5 =	sadd.s32 s21, s3  }
0x9d: {  	[timem:s7], [sflag:s22] =	dma.local [hbm:s5], s20  }
0x9e: {  	_ =	swait.ge [sflag:s22], s20  }
0x9f: {  	s4 =	ssub.s32 $0x0, s20;
	[sflag:s22] =	ssyncset.done $0x0  }
0xa0: {  	[sflag:s22] =	ssyncadd.s32 s4;
	_ =	sdelay $0x1  }
0xa1: {  	s23 =	simm.s32 $0x1B8B  }
0xa2: {  	_ =	swait.ge [sflag:s23], $0x1  }
0xa3: {  	[sflag:s23] =	ssyncset.done $0x0  }
0xa4: {  	s25 =	simm.s32 $0x1B8E;
	s24 =	sld [smem:$0x3FFE];
	[sflag:s23] =	ssyncadd.s32 $0xFFFFFFFF  }
0xa5: {  	s26 =	simm.s32 $execute0_lowered;
	[smem:$0x3FD2] =	sst s25  }
0xa6: {  	s5 =	sshll.u32 s26, $0x1;
	_ =	strace $0x80000046;
	[dreg:$0x1] =	wrdreg $0xFFFFFFFF  }
0xa7: {  	s28 =	simm.s32 $_size_execute0_lowered;
	s3 =	sadd.s32 s3, s5;
	[dreg:$0x0] =	wrdreg $0x0  }
0xa8: {  	s5 =	sshll.u32 s28, $0x1;
	[dreg:$0x2] =	wrdreg s3  }
0xa9: {  	[dreg:$0x3] =	wrdreg s5  }
0xaa: {  	[dreg:$0x4] =	wrdreg $0xC0  }
0xab: {  	_ =	task [dreg:s7], $0x5FFFF  }
0xac: {  	[dreg:$0x1] =	wrdreg $0xFFFFFFFF  }
0xad: {  	[dreg:$0x0] =	wrdreg $0x60  }
0xae: {  	[dreg:$0x2] =	wrdreg s2  }
0xaf: {  	[dreg:$0x3] =	wrdreg s24  }
0xb0: {  	[dreg:$0x4] =	wrdreg $0x9  }
0xb1: {  	_ =	task.clear_ibuf [dreg:s7], $0x5FFFF;
	_ =	strace $0x90000046  }
0xb2: {  	s29 =	simm.s32 $0x9;
	_ =	strace $0x80000048  }
0xb3: {  	_ =	swait.ge [sflag:s29], $0x1  }
0xb4: {  	[sflag:s29] =	ssyncadd.s32 $0xFFFFFFFF  }
0xb5: {  	_ =	strace $0x90000048  }
0xb6: {  	_ =	sfence  }
0xb7: {  	s30 =	sld [smem:$0x0];
	_ =	sdelay $0x2  }
0xb8: {  	s31 =	sshll.u32 s1, $0xD;
	s1 =	sshrl.u32 s1, $0x2  }
0xb9: {  	s3 =	sand.u32 $0x4000, s31;
	s1 =	sadd.s32 s1, s30  }
0xba: {  	s0 =	sor.u32 s3, s0;
	s1 =	sshll.u32 s1, $0x11  }
0xbb: {  	s0 =	sor.u32 s1, s0  }
0xbc: {  	s0 =	sadd.s32 $0x8F2B, s0  }
0xbd: {  	[sflag:s0] =	ssyncadd.remote.s32 $0x1  }
0xbe: {  	_ =	sfence.sel $0xFFFF  }
0xbf: {  	[dreg:$0x0] =	wrdreg $0xFFFFFFFF;
	(pc) =	sbr.abs _section_cstart, $3  }
0xc0: {  	[dreg:$0x1] =	wrdreg $0xFFFFFFFF  }
0xc1: {  	_ =	task.clear_ibuf [dreg:s7], $0x2FFFF;
	_ =	strace $0x9FFFFFFF  }
0xc2: {  	(tm) =	ssettm $0x7FFFFFFF  }
0xc3: {  	_ =	shalt  }
tec
execute0_lowered:
.L_overlay_start_1:
0x0: {  	(tag) =	ssettag $0x1  }
0x1: {  	s1 =	rddreg [dreg:$0x0]  }
0x2: {  	s0 =	rddreg [dreg:$0x1];
	s3 =	simm.s32 $0x0  }
0x3: {  	s11 =	stileid.u32;
	s2 =	srdreg.scid;
	s17 =	simm.s32 $0x5  }
0x4: {  	s18 =	simm.s32 $0x100;
	s28 =	simm.s32 $0x4900;
	s29 =	simm.s32 $0x1  }
0x5: {  	s30 =	simm.s32 $0x3;
	s31 =	simm.s32 $0x4;
	[smem:$0x7FF] =	sst s3  }
0x6: {  	s4 =	sadd.s32 $0xE600, s0;
	s2 =	sand.u32 $0x1, s2;
	s7 =	smul.u32 $0x9C400, s11  }
0x7: {  	s6 =	sshll.u32 s11, $0x1;
	s5 =	sadd.s32 $0x9600, s0;
	s11 =	smul.u32 $0x2710, s11  }
0x8: {  	_ =	strace $0x80000047;
	s8 =	sor.u32 s2, s6;
	s12 =	smul.u32 $0x1388, s2  }
0x9: {  	s6 =	sadd.s32 $0x4600, s0;
	s9 =	ssub.s32 $0x2, s2;
	s2 =	smul.u32 $0x4E200, s2  }
0xa: {  	s8 =	smul.u32 $0x1388, s8;
	s7 =	sadd.s32 s7, s0;
	s10 =	sshrl.u32 s9, $0x1  }
0xb: {  	s9 =	ssub.s32 s9, s10;
	s24 =	sadd.s32 s12, s11;
	s2 =	sadd.s32 s2, s7  }
0xc: {  	s23 =	sshrl.u32 s8, $0x3;
	s9 =	smax.u32 s9, $0x1;
	s25 =	sadd.s32 $0x28, s24  }
0xd: {  	s13 =	sadd.s32 $0xAAA00, s2;
	s15 =	sadd.s32 $0xA6EA00, s2;
	s8 =	sadd.s32 s5, s23  }
0xe: {  	s10 =	sadd.s32 s6, s23;
	[dreg:$0x5] =	wrdreg s9;
	s9 =	sadd.s32 $0x50, s24  }
0xf: {  	s26 =	sshrl.u32 s25, $0x3;
	s23 =	simm.s32 $0x2900;
	s24 =	simm.s32 $0x3100  }
0x10: {  	v2 =	vlaneseq.u32;
	s25 =	simm.s32 $0x3900;
	[dreg:$0x3] =	wrdreg s8;
	s8 =	sadd.s32 $0x100, s1  }
0x11: {  	vm0 =	vmmov $0xffff;
	v1 =	vshrl.u32 v2, $0x3;
	[dreg:$0x4] =	wrdreg s10;
	s10 =	sadd.s32 $0xE700, s0;
	s7 =	sadd.s32 s26, s5  }
0x12: {  	v0 =	vand.u32 $0x7, v2;
	v2 =	vor.u32 $0x8, v2;
	v1 =	vmul.u32 $0x8, v1;
	s16 =	sadd.s32 s26, s6;
	s26 =	simm.s32 $0x4100;
	s0 =	simm.s32 $0x0  }
.LBB2_1:
0x13: {  	s2 =	rddreg [dreg:$0x3]  }
0x14: {  	[tilespmem:s3], [sflag:$0x5] =	stream.linear.gather [hbm4b:s2+s3], $0x28, $0x38;
	[tilespmem:$0xA100] =	vst v63  }
0x15: {  	_ =	swait.ge [sflag:s17], $0x28  }
0x16: {  	[sflag:s17] =	ssyncset.done $0x0  }
0x17: {  	[sflag:s17] =	ssyncadd.s32 $0xFFFFFFD8  }
0x18: {  	v3 =	vld [tilespmem:$0x0];
	_ =	sdelay $0x4  }
0x19: {  	v4 =	vshll.u32 v3, $0x2  }
0x1a: {  	v3 =	vand.u32 $0x7, v3;
	v4 =	vand.u32 $0xFFFFFFE0, v4  }
0x1b: {  	v3 =	vor.u32 v3, v4  }
0x1c: {  	v4 =	vperm.xlane v3, v0;
	_ =	sdelay $0x1  }
0x1d: {  	v4 =	vadd.s32 v1, v4;
	_ =	sdelay $0x1  }
0x1e: {  	v3 =	vperm.xlane v3, v2;
	_ =	sdelay $0x1  }
0x1f: {  	v3 =	vadd.s32 v1, v3  }
0x20: {  	[tilespmem:s18], [sflag:$0x1] =	stream.indirect_vreg.gather [hbm4b:s1+s3], $0x80, v4, vm0, $0xb8;
	[tilespmem:$0xA100] =	vst v63  }
0x21: {  	s19 =	simm.s32 $0x900  }
0x22: {  	[tilespmem:s19], [sflag:$0x1] =	stream.indirect_vreg.gather [hbm4b:s8+s3], $0x80, v4, vm0, $0xb8;
	[tilespmem:$0xA100] =	vst v63  }
0x23: {  	s20 =	simm.s32 $0x1100  }
0x24: {  	[tilespmem:s20], [sflag:$0x1] =	stream.indirect_vreg.gather [hbm4b:s1+s3], $0x80, v3, vm0, $0xb8;
	[tilespmem:$0xA100] =	vst v63  }
0x25: {  	s21 =	simm.s32 $0x1900  }
0x26: {  	[tilespmem:s21], [sflag:$0x1] =	stream.indirect_vreg.gather [hbm4b:s8+s3], $0x80, v3, vm0, $0xb8;
	[tilespmem:$0xA100] =	vst v63  }
0x27: {  	v3 =	vld [tilespmem:$0x10];
	_ =	sdelay $0x4  }
0x28: {  	v62 =	vshll.u32 v3, $0x2  }
0x29: {  	v3 =	vand.u32 $0x7, v3;
	v4 =	vand.u32 $0xFFFFFFE0, v62  }
0x2a: {  	v3 =	vor.u32 v3, v4  }
0x2b: {  	v4 =	vperm.xlane v3, v0;
	_ =	sdelay $0x1  }
0x2c: {  	v4 =	vadd.s32 v1, v4;
	_ =	sdelay $0x1  }
0x2d: {  	v3 =	vperm.xlane v3, v2;
	_ =	sdelay $0x1  }
0x2e: {  	s22 =	simm.s32 $0x2100;
	v3 =	vadd.s32 v1, v3  }
0x2f: {  	[tilespmem:s22], [sflag:$0x1] =	stream.indirect_vreg.gather [hbm4b:s1+s3], $0x80, v4, vm0, $0xb8;
	[tilespmem:$0xA100] =	vst v63  }
0x30: {  	_ = 	snop  }
0x31: {  	[tilespmem:s23], [sflag:$0x1] =	stream.indirect_vreg.gather [hbm4b:s8+s3], $0x80, v4, vm0, $0xb8;
	[tilespmem:$0xA100] =	vst v63  }
0x32: {  	_ = 	snop  }
0x33: {  	[tilespmem:s24], [sflag:$0x1] =	stream.indirect_vreg.gather [hbm4b:s1+s3], $0x80, v3, vm0, $0xb8;
	[tilespmem:$0xA100] =	vst v63  }
0x34: {  	_ = 	snop  }
0x35: {  	[tilespmem:s25], [sflag:$0x1] =	stream.indirect_vreg.gather [hbm4b:s8+s3], $0x80, v3, vm0, $0xb8;
	[tilespmem:$0xA100] =	vst v63  }
0x36: {  	v3 =	vld.msk [tilespmem:$0x20], $0xff;
	_ =	sdelay $0x4  }
0x37: {  	v63 =	vshll.u32 v3, $0x2  }
0x38: {  	v3 =	vand.u32 $0x7, v3;
	v4 =	vand.u32 $0xFFFFFFE0, v63  }
0x39: {  	v3 =	vor.u32 v3, v4  }
0x3a: {  	v3 =	vperm.xlane v3, v0;
	_ =	sdelay $0x1  }
0x3b: {  	v3 =	vadd.s32 v1, v3;
	_ =	sdelay $0x3  }
0x3c: {  	s14 =	smov.u32 s7  }
0x3d: {  	[tilespmem:s26], [sflag:$0x1] =	stream.indirect_vreg.gather [hbm4b:s1+s3], $0x80, v3, vm0, $0xb8;
	[tilespmem:$0xA100] =	vst v63  }
0x3e: {  	s12 =	smov.u32 s9;
	s11 =	simm.s32 $0x0;
	s2 =	simm.s32 $0x1  }
0x3f: {  	[tilespmem:s28], [sflag:$0x1] =	stream.indirect_vreg.gather [hbm4b:s8+s3], $0x80, v3, vm0, $0xb8;
	[tilespmem:$0xA100] =	vst v63  }
.LBB2_2:
0x40: {  	p0 =	sgt.u32 s2, $0x7C  }
0x41: {  	p1 =	seq.s32 @!p0 s11, $0x0  }
0x42: {  	p1 =	por p1, p0  }
0x43: {  	s19 =	simm.s32 @!p1 $0x4  }
0x44: {  	_ =	swait.ge @!p1 [sflag:s19], $0x5000  }
0x45: {  	[sflag:s19] =	ssyncset.done @!p1 $0x0  }
0x46: {  	s20 =	simm.s32 @!p0 $0x80;
	[sflag:s19] =	ssyncadd.s32 @!p1 $0xFFFFB000;
	s19 =	simm.s32 @!p0 $0x0  }
0x47: {  	[tilespmem:s20], [sflag:$0x5] =	stream.linear.gather @!p0 [hbm4b:s14+s19], $0x28, $0x38;
	[tilespmem:$0xA100] =	vst v63  }
0x48: {  	s20 =	simm.s32 @!p0 $0x5  }
0x49: {  	_ =	swait.ge @!p0 [sflag:s20], $0x28  }
0x4a: {  	[sflag:s20] =	ssyncset.done @!p0 $0x0  }
0x4b: {  	[sflag:s20] =	ssyncadd.s32 @!p0 $0xFFFFFFD8  }
0x4c: {  	v3 =	vld @!p0 [tilespmem:$0x80];
	_ =	sdelay $0x4  }
0x4d: {  	v4 =	vshll.u32 @!p0 v3, $0x2  }
0x4e: {  	v5 =	vlaneseq.u32 @!p0;
	v3 =	vand.u32 @!p0 $0x7, v3;
	v4 =	vand.u32 @!p0 $0xFFFFFFE0, v4  }
0x4f: {  	v6 =	vshrl.u32 @!p0 v5, $0x3;
	v3 =	vor.u32 @!p0 v3, v4;
	v4 =	vand.u32 @!p0 $0x7, v5  }
0x50: {  	v6 =	vmul.u32 @!p0 $0x8, v6;
	v7 =	vperm.xlane @!p0 v3, v4;
	_ =	sdelay $0x1  }
0x51: {  	v7 =	vadd.s32 @!p0 v6, v7  }
0x52: {  	v5 =	vor.u32 @!p0 $0x8, v5  }
0x53: {  	v3 =	vperm.xlane @!p0 v3, v5;
	_ =	sdelay $0x1  }
0x54: {  	vm1 =	vmmov @!p0 $0xffff;
	s20 =	simm.s32 @!p0 $0x5100;
	v3 =	vadd.s32 @!p0 v6, v3  }
0x55: {  	[tilespmem:s20], [sflag:$0x2] =	stream.indirect_vreg.gather @!p0 [hbm4b:s1+s19], $0x80, v7, vm1, $0xb8;
	[tilespmem:$0xA100] =	vst v63  }
0x56: {  	s21 =	simm.s32 @!p0 $0x5900  }
0x57: {  	[tilespmem:s21], [sflag:$0x2] =	stream.indirect_vreg.gather @!p0 [hbm4b:s8+s19], $0x80, v7, vm1, $0xb8;
	[tilespmem:$0xA100] =	vst v63  }
0x58: {  	s21 =	simm.s32 @!p0 $0x6100  }
0x59: {  	[tilespmem:s21], [sflag:$0x2] =	stream.indirect_vreg.gather @!p0 [hbm4b:s1+s19], $0x80, v3, vm1, $0xb8;
	[tilespmem:$0xA100] =	vst v63  }
0x5a: {  	s21 =	simm.s32 @!p0 $0x6900  }
0x5b: {  	[tilespmem:s21], [sflag:$0x2] =	stream.indirect_vreg.gather @!p0 [hbm4b:s8+s19], $0x80, v3, vm1, $0xb8;
	[tilespmem:$0xA100] =	vst v63  }
0x5c: {  	v3 =	vld @!p0 [tilespmem:$0x90];
	_ =	sdelay $0x4  }
0x5d: {  	v7 =	vshll.u32 @!p0 v3, $0x2  }
0x5e: {  	v3 =	vand.u32 @!p0 $0x7, v3;
	v7 =	vand.u32 @!p0 $0xFFFFFFE0, v7  }
0x5f: {  	v3 =	vor.u32 @!p0 v3, v7  }
0x60: {  	v7 =	vperm.xlane @!p0 v3, v4;
	_ =	sdelay $0x1  }
0x61: {  	v7 =	vadd.s32 @!p0 v6, v7;
	_ =	sdelay $0x1  }
0x62: {  	v3 =	vperm.xlane @!p0 v3, v5;
	_ =	sdelay $0x1  }
0x63: {  	s21 =	simm.s32 @!p0 $0x7100;
	v3 =	vadd.s32 @!p0 v6, v3  }
0x64: {  	[tilespmem:s21], [sflag:$0x2] =	stream.indirect_vreg.gather @!p0 [hbm4b:s1+s19], $0x80, v7, vm1, $0xb8;
	[tilespmem:$0xA100] =	vst v63  }
0x65: {  	s21 =	simm.s32 @!p0 $0x7900  }
0x66: {  	[tilespmem:s21], [sflag:$0x2] =	stream.indirect_vreg.gather @!p0 [hbm4b:s8+s19], $0x80, v7, vm1, $0xb8;
	[tilespmem:$0xA100] =	vst v63  }
0x67: {  	s21 =	simm.s32 @!p0 $0x8100  }
0x68: {  	[tilespmem:s21], [sflag:$0x2] =	stream.indirect_vreg.gather @!p0 [hbm4b:s1+s19], $0x80, v3, vm1, $0xb8;
	[tilespmem:$0xA100] =	vst v63  }
0x69: {  	s21 =	simm.s32 @!p0 $0x8900  }
0x6a: {  	[tilespmem:s21], [sflag:$0x2] =	stream.indirect_vreg.gather @!p0 [hbm4b:s8+s19], $0x80, v3, vm1, $0xb8;
	[tilespmem:$0xA100] =	vst v63  }
0x6b: {  	v3 =	vld.msk @!p0 [tilespmem:$0xA0], $0xff;
	_ =	sdelay $0x4  }
0x6c: {  	v5 =	vshll.u32 @!p0 v3, $0x2  }
0x6d: {  	v3 =	vand.u32 @!p0 $0x7, v3;
	v5 =	vand.u32 @!p0 $0xFFFFFFE0, v5  }
0x6e: {  	v3 =	vor.u32 @!p0 v3, v5  }
0x6f: {  	v3 =	vperm.xlane @!p0 v3, v4;
	_ =	sdelay $0x1  }
0x70: {  	v3 =	vadd.s32 @!p0 v6, v3;
	_ =	sdelay $0x3  }
0x71: {  	s21 =	simm.s32 @!p0 $0x9100  }
0x72: {  	[tilespmem:s21], [sflag:$0x2] =	stream.indirect_vreg.gather @!p0 [hbm4b:s1+s19], $0x80, v3, vm1, $0xb8;
	[tilespmem:$0xA100] =	vst v63  }
0x73: {  	s21 =	simm.s32 @!p0 $0x9900  }
0x74: {  	[tilespmem:s21], [sflag:$0x2] =	stream.indirect_vreg.gather @!p0 [hbm4b:s8+s19], $0x80, v3, vm1, $0xb8;
	[tilespmem:$0xA100] =	vst v63  }
0x75: {  	_ =	swait.ge [sflag:s29], $0x5000  }
0x76: {  	p1 =	seq.s32 s11, $0x4D800;
	[sflag:s29] =	ssyncset.done $0x0  }
0x77: {  	s22 =	sadd.s32 s11, s13;
	s21 =	simm.s32 @!p1 $0x3;
	[sflag:s29] =	ssyncadd.s32 $0xFFFFB000  }
0x78: {  	[hbm4b:s22+s3] =	stream.linear.scatter [tilespmem:s18], [sflag:$0x3], $0x5000, $0x38;
	[tilespmem:$0xA100] =	vst v63  }
0x79: {  	_ =	swait.ge @!p1 [sflag:s21], $0x5000  }
0x7a: {  	s22 =	sshrl.u32 @!p1 s12, $0x3;
	[sflag:s21] =	ssyncset.done @!p1 $0x0  }
0x7b: {  	[sflag:s21] =	ssyncadd.s32 @!p1 $0xFFFFB000;
	s21 =	sadd.s32 @!p1 s5, s22;
	s22 =	simm.s32 @!p1 $0x0  }
0x7c: {  	[tilespmem:s22], [sflag:$0x5] =	stream.linear.gather @!p1 [hbm4b:s21+s22], $0x28, $0x38;
	[tilespmem:$0xA100] =	vst v63  }
0x7d: {  	s21 =	simm.s32 @!p1 $0x5  }
0x7e: {  	_ =	swait.ge @!p1 [sflag:s21], $0x28  }
0x7f: {  	[sflag:s21] =	ssyncset.done @!p1 $0x0  }
0x80: {  	[sflag:s21] =	ssyncadd.s32 @!p1 $0xFFFFFFD8  }
0x81: {  	v3 =	vld @!p1 [tilespmem:$0x0];
	_ =	sdelay $0x4  }
0x82: {  	v4 =	vshll.u32 @!p1 v3, $0x2  }
0x83: {  	v5 =	vlaneseq.u32 @!p1;
	v3 =	vand.u32 @!p1 $0x7, v3;
	v4 =	vand.u32 @!p1 $0xFFFFFFE0, v4  }
0x84: {  	v6 =	vshrl.u32 @!p1 v5, $0x3;
	v3 =	vor.u32 @!p1 v3, v4;
	v4 =	vand.u32 @!p1 $0x7, v5  }
0x85: {  	v6 =	vmul.u32 @!p1 $0x8, v6;
	v7 =	vperm.xlane @!p1 v3, v4;
	_ =	sdelay $0x1  }
0x86: {  	v7 =	vadd.s32 @!p1 v6, v7  }
0x87: {  	v5 =	vor.u32 @!p1 $0x8, v5  }
0x88: {  	v3 =	vperm.xlane @!p1 v3, v5;
	_ =	sdelay $0x1  }
0x89: {  	vm1 =	vmmov @!p1 $0xffff;
	s21 =	simm.s32 @!p1 $0x100;
	v3 =	vadd.s32 @!p1 v6, v3  }
0x8a: {  	[tilespmem:s21], [sflag:$0x1] =	stream.indirect_vreg.gather @!p1 [hbm4b:s1+s22], $0x80, v7, vm1, $0xb8;
	[tilespmem:$0xA100] =	vst v63  }
0x8b: {  	s21 =	simm.s32 @!p1 $0x900  }
0x8c: {  	[tilespmem:s21], [sflag:$0x1] =	stream.indirect_vreg.gather @!p1 [hbm4b:s8+s22], $0x80, v7, vm1, $0xb8;
	[tilespmem:$0xA100] =	vst v63  }
0x8d: {  	s21 =	simm.s32 @!p1 $0x1100  }
0x8e: {  	[tilespmem:s21], [sflag:$0x1] =	stream.indirect_vreg.gather @!p1 [hbm4b:s1+s22], $0x80, v3, vm1, $0xb8;
	[tilespmem:$0xA100] =	vst v63  }
0x8f: {  	s21 =	simm.s32 @!p1 $0x1900  }
0x90: {  	[tilespmem:s21], [sflag:$0x1] =	stream.indirect_vreg.gather @!p1 [hbm4b:s8+s22], $0x80, v3, vm1, $0xb8;
	[tilespmem:$0xA100] =	vst v63  }
0x91: {  	v3 =	vld @!p1 [tilespmem:$0x10];
	_ =	sdelay $0x4  }
0x92: {  	v7 =	vshll.u32 @!p1 v3, $0x2  }
0x93: {  	v3 =	vand.u32 @!p1 $0x7, v3;
	v7 =	vand.u32 @!p1 $0xFFFFFFE0, v7  }
0x94: {  	v3 =	vor.u32 @!p1 v3, v7  }
0x95: {  	v7 =	vperm.xlane @!p1 v3, v4;
	_ =	sdelay $0x1  }
0x96: {  	v7 =	vadd.s32 @!p1 v6, v7;
	_ =	sdelay $0x1  }
0x97: {  	v3 =	vperm.xlane @!p1 v3, v5;
	_ =	sdelay $0x1  }
0x98: {  	s21 =	simm.s32 @!p1 $0x2100;
	v3 =	vadd.s32 @!p1 v6, v3  }
0x99: {  	[tilespmem:s21], [sflag:$0x1] =	stream.indirect_vreg.gather @!p1 [hbm4b:s1+s22], $0x80, v7, vm1, $0xb8;
	[tilespmem:$0xA100] =	vst v63  }
0x9a: {  	s21 =	simm.s32 @!p1 $0x2900  }
0x9b: {  	[tilespmem:s21], [sflag:$0x1] =	stream.indirect_vreg.gather @!p1 [hbm4b:s8+s22], $0x80, v7, vm1, $0xb8;
	[tilespmem:$0xA100] =	vst v63  }
0x9c: {  	s21 =	simm.s32 @!p1 $0x3100  }
0x9d: {  	[tilespmem:s21], [sflag:$0x1] =	stream.indirect_vreg.gather @!p1 [hbm4b:s1+s22], $0x80, v3, vm1, $0xb8;
	[tilespmem:$0xA100] =	vst v63  }
0x9e: {  	s21 =	simm.s32 @!p1 $0x3900  }
0x9f: {  	[tilespmem:s21], [sflag:$0x1] =	stream.indirect_vreg.gather @!p1 [hbm4b:s8+s22], $0x80, v3, vm1, $0xb8;
	[tilespmem:$0xA100] =	vst v63  }
0xa0: {  	v3 =	vld.msk @!p1 [tilespmem:$0x20], $0xff;
	_ =	sdelay $0x4  }
0xa1: {  	v5 =	vshll.u32 @!p1 v3, $0x2  }
0xa2: {  	v3 =	vand.u32 @!p1 $0x7, v3;
	v5 =	vand.u32 @!p1 $0xFFFFFFE0, v5  }
0xa3: {  	v3 =	vor.u32 @!p1 v3, v5  }
0xa4: {  	v3 =	vperm.xlane @!p1 v3, v4;
	_ =	sdelay $0x1  }
0xa5: {  	v3 =	vadd.s32 @!p1 v6, v3;
	_ =	sdelay $0x3  }
0xa6: {  	s21 =	simm.s32 @!p1 $0x4100  }
0xa7: {  	[tilespmem:s21], [sflag:$0x1] =	stream.indirect_vreg.gather @!p1 [hbm4b:s1+s22], $0x80, v3, vm1, $0xb8;
	[tilespmem:$0xA100] =	vst v63  }
0xa8: {  	s21 =	simm.s32 @!p1 $0x4900  }
0xa9: {  	[tilespmem:s21], [sflag:$0x1] =	stream.indirect_vreg.gather @!p1 [hbm4b:s8+s22], $0x80, v3, vm1, $0xb8;
	[tilespmem:$0xA100] =	vst v63  }
0xaa: {  	s21 =	simm.s32 @!p0 $0x2  }
0xab: {  	_ =	swait.ge @!p0 [sflag:s21], $0x5000  }
0xac: {  	s22 =	sadd.s32 @!p0 s11, s13;
	[sflag:s21] =	ssyncset.done @!p0 $0x0  }
0xad: {  	s11 =	sadd.s32 $0x1400, s11;
	[sflag:s21] =	ssyncadd.s32 @!p0 $0xFFFFB000;
	s21 =	sadd.s32 @!p0 $0xA00, s22  }
0xae: {  	[hbm4b:s21+s19] =	stream.linear.scatter @!p0 [tilespmem:s20], [sflag:$0x4], $0x5000, $0x38;
	[tilespmem:$0xA100] =	vst v63  }
0xaf: {  	p0 =	sne.s32 s11, $0x4EC00  }
.Ltmp0:
0xb0: {  	_ = 	snop;
	(pc) =	sbr.rel @p0 .LBB2_2-.Ltmp0, $2  }
0xb1: {  	_ =	sdelay $0x2  }
0xb2: {  	s2 =	sadd.s32 $0x2, s2;
	s14 =	sadd.s32 $0xA, s14;
	s12 =	sadd.s32 $0x50, s12  }
0xb3: {  	_ =	swait.ge [sflag:s30], $0x5000  }
0xb4: {  	[sflag:s30] =	ssyncset.done $0x0  }
0xb5: {  	[sflag:s30] =	ssyncadd.s32 $0xFFFFB000  }
0xb6: {  	_ =	swait.ge [sflag:s31], $0x5000  }
0xb7: {  	[sflag:s31] =	ssyncset.done $0x0  }
0xb8: {  	s2 =	simm.s32 $0x0;
	s11 =	rddreg [dreg:$0x4];
	[sflag:s31] =	ssyncadd.s32 $0xFFFFB000  }
0xb9: {  	[tilespmem:s2], [sflag:$0x5] =	stream.linear.gather [hbm4b:s11+s2], $0x28, $0x38;
	[tilespmem:$0xA100] =	vst v63  }
0xba: {  	_ =	swait.ge [sflag:s17], $0x28  }
0xbb: {  	[sflag:s17] =	ssyncset.done $0x0  }
0xbc: {  	[sflag:s17] =	ssyncadd.s32 $0xFFFFFFD8  }
0xbd: {  	v3 =	vld [tilespmem:$0x0];
	_ =	sdelay $0x4  }
0xbe: {  	v4 =	vshll.u32 v3, $0x2  }
0xbf: {  	v3 =	vand.u32 $0x7, v3;
	v4 =	vand.u32 $0xFFFFFFE0, v4  }
0xc0: {  	v3 =	vor.u32 v3, v4  }
0xc1: {  	v4 =	vperm.xlane v3, v0;
	_ =	sdelay $0x1  }
0xc2: {  	v4 =	vadd.s32 v1, v4;
	_ =	sdelay $0x1  }
0xc3: {  	v3 =	vperm.xlane v3, v2;
	_ =	sdelay $0x1  }
0xc4: {  	v3 =	vadd.s32 v1, v3  }
0xc5: {  	[tilespmem:s18], [sflag:$0x1] =	stream.indirect_vreg.gather [hbm4b:s4+s2], $0x80, v4, vm0, $0xb8;
	[tilespmem:$0xA100] =	vst v63  }
0xc6: {  	s19 =	simm.s32 $0x900  }
0xc7: {  	[tilespmem:s19], [sflag:$0x1] =	stream.indirect_vreg.gather [hbm4b:s10+s2], $0x80, v4, vm0, $0xb8;
	[tilespmem:$0xA100] =	vst v63  }
0xc8: {  	s20 =	simm.s32 $0x1100  }
0xc9: {  	[tilespmem:s20], [sflag:$0x1] =	stream.indirect_vreg.gather [hbm4b:s4+s2], $0x80, v3, vm0, $0xb8;
	[tilespmem:$0xA100] =	vst v63  }
0xca: {  	s21 =	simm.s32 $0x1900  }
0xcb: {  	[tilespmem:s21], [sflag:$0x1] =	stream.indirect_vreg.gather [hbm4b:s10+s2], $0x80, v3, vm0, $0xb8;
	[tilespmem:$0xA100] =	vst v63  }
0xcc: {  	v3 =	vld [tilespmem:$0x10];
	_ =	sdelay $0x4  }
0xcd: {  	v62 =	vshll.u32 v3, $0x2  }
0xce: {  	v3 =	vand.u32 $0x7, v3;
	v4 =	vand.u32 $0xFFFFFFE0, v62  }
0xcf: {  	v3 =	vor.u32 v3, v4  }
0xd0: {  	v4 =	vperm.xlane v3, v0;
	_ =	sdelay $0x1  }
0xd1: {  	v4 =	vadd.s32 v1, v4;
	_ =	sdelay $0x1  }
0xd2: {  	v3 =	vperm.xlane v3, v2;
	_ =	sdelay $0x1  }
0xd3: {  	s22 =	simm.s32 $0x2100;
	v3 =	vadd.s32 v1, v3  }
0xd4: {  	[tilespmem:s22], [sflag:$0x1] =	stream.indirect_vreg.gather [hbm4b:s4+s2], $0x80, v4, vm0, $0xb8;
	[tilespmem:$0xA100] =	vst v63  }
0xd5: {  	_ = 	snop  }
0xd6: {  	[tilespmem:s23], [sflag:$0x1] =	stream.indirect_vreg.gather [hbm4b:s10+s2], $0x80, v4, vm0, $0xb8;
	[tilespmem:$0xA100] =	vst v63  }
0xd7: {  	_ = 	snop  }
0xd8: {  	[tilespmem:s24], [sflag:$0x1] =	stream.indirect_vreg.gather [hbm4b:s4+s2], $0x80, v3, vm0, $0xb8;
	[tilespmem:$0xA100] =	vst v63  }
0xd9: {  	_ = 	snop  }
0xda: {  	[tilespmem:s25], [sflag:$0x1] =	stream.indirect_vreg.gather [hbm4b:s10+s2], $0x80, v3, vm0, $0xb8;
	[tilespmem:$0xA100] =	vst v63  }
0xdb: {  	v3 =	vld.msk [tilespmem:$0x20], $0xff;
	_ =	sdelay $0x4  }
0xdc: {  	v63 =	vshll.u32 v3, $0x2  }
0xdd: {  	v3 =	vand.u32 $0x7, v3;
	v4 =	vand.u32 $0xFFFFFFE0, v63  }
0xde: {  	v3 =	vor.u32 v3, v4  }
0xdf: {  	v3 =	vperm.xlane v3, v0;
	_ =	sdelay $0x1  }
0xe0: {  	v3 =	vadd.s32 v1, v3;
	_ =	sdelay $0x4  }
0xe1: {  	[tilespmem:s26], [sflag:$0x1] =	stream.indirect_vreg.gather [hbm4b:s4+s2], $0x80, v3, vm0, $0xb8;
	[tilespmem:$0xA100] =	vst v63  }
0xe2: {  	s14 =	simm.s32 $0x1;
	s12 =	smov.u32 s16;
	s11 =	smov.u32 s9  }
0xe3: {  	[tilespmem:s28], [sflag:$0x1] =	stream.indirect_vreg.gather [hbm4b:s10+s2], $0x80, v3, vm0, $0xb8;
	[tilespmem:$0xA100] =	vst v63  }
.LBB2_4:
0xe4: {  	p0 =	sgt.u32 s14, $0x7C  }
0xe5: {  	p1 =	seq.s32 @!p0 s2, $0x0  }
0xe6: {  	p1 =	por p1, p0  }
0xe7: {  	s19 =	simm.s32 @!p1 $0x4  }
0xe8: {  	_ =	swait.ge @!p1 [sflag:s19], $0x5000  }
0xe9: {  	[sflag:s19] =	ssyncset.done @!p1 $0x0  }
0xea: {  	s20 =	simm.s32 @!p0 $0x80;
	[sflag:s19] =	ssyncadd.s32 @!p1 $0xFFFFB000;
	s19 =	simm.s32 @!p0 $0x0  }
0xeb: {  	[tilespmem:s20], [sflag:$0x5] =	stream.linear.gather @!p0 [hbm4b:s12+s19], $0x28, $0x38;
	[tilespmem:$0xA100] =	vst v63  }
0xec: {  	s20 =	simm.s32 @!p0 $0x5  }
0xed: {  	_ =	swait.ge @!p0 [sflag:s20], $0x28  }
0xee: {  	[sflag:s20] =	ssyncset.done @!p0 $0x0  }
0xef: {  	[sflag:s20] =	ssyncadd.s32 @!p0 $0xFFFFFFD8  }
0xf0: {  	v3 =	vld @!p0 [tilespmem:$0x80];
	_ =	sdelay $0x4  }
0xf1: {  	v4 =	vshll.u32 @!p0 v3, $0x2  }
0xf2: {  	v5 =	vlaneseq.u32 @!p0;
	v3 =	vand.u32 @!p0 $0x7, v3;
	v4 =	vand.u32 @!p0 $0xFFFFFFE0, v4  }
0xf3: {  	v6 =	vshrl.u32 @!p0 v5, $0x3;
	v3 =	vor.u32 @!p0 v3, v4;
	v4 =	vand.u32 @!p0 $0x7, v5  }
0xf4: {  	v6 =	vmul.u32 @!p0 $0x8, v6;
	v7 =	vperm.xlane @!p0 v3, v4;
	_ =	sdelay $0x1  }
0xf5: {  	v7 =	vadd.s32 @!p0 v6, v7  }
0xf6: {  	v5 =	vor.u32 @!p0 $0x8, v5  }
0xf7: {  	v3 =	vperm.xlane @!p0 v3, v5;
	_ =	sdelay $0x1  }
0xf8: {  	vm1 =	vmmov @!p0 $0xffff;
	s20 =	simm.s32 @!p0 $0x5100;
	v3 =	vadd.s32 @!p0 v6, v3  }
0xf9: {  	[tilespmem:s20], [sflag:$0x2] =	stream.indirect_vreg.gather @!p0 [hbm4b:s4+s19], $0x80, v7, vm1, $0xb8;
	[tilespmem:$0xA100] =	vst v63  }
0xfa: {  	s21 =	simm.s32 @!p0 $0x5900  }
0xfb: {  	[tilespmem:s21], [sflag:$0x2] =	stream.indirect_vreg.gather @!p0 [hbm4b:s10+s19], $0x80, v7, vm1, $0xb8;
	[tilespmem:$0xA100] =	vst v63  }
0xfc: {  	s21 =	simm.s32 @!p0 $0x6100  }
0xfd: {  	[tilespmem:s21], [sflag:$0x2] =	stream.indirect_vreg.gather @!p0 [hbm4b:s4+s19], $0x80, v3, vm1, $0xb8;
	[tilespmem:$0xA100] =	vst v63  }
0xfe: {  	s21 =	simm.s32 @!p0 $0x6900  }
0xff: {  	[tilespmem:s21], [sflag:$0x2] =	stream.indirect_vreg.gather @!p0 [hbm4b:s10+s19], $0x80, v3, vm1, $0xb8;
	[tilespmem:$0xA100] =	vst v63  }
0x100: {  	v3 =	vld @!p0 [tilespmem:$0x90];
	_ =	sdelay $0x4  }
0x101: {  	v7 =	vshll.u32 @!p0 v3, $0x2  }
0x102: {  	v3 =	vand.u32 @!p0 $0x7, v3;
	v7 =	vand.u32 @!p0 $0xFFFFFFE0, v7  }
0x103: {  	v3 =	vor.u32 @!p0 v3, v7  }
0x104: {  	v7 =	vperm.xlane @!p0 v3, v4;
	_ =	sdelay $0x1  }
0x105: {  	v7 =	vadd.s32 @!p0 v6, v7;
	_ =	sdelay $0x1  }
0x106: {  	v3 =	vperm.xlane @!p0 v3, v5;
	_ =	sdelay $0x1  }
0x107: {  	s21 =	simm.s32 @!p0 $0x7100;
	v3 =	vadd.s32 @!p0 v6, v3  }
0x108: {  	[tilespmem:s21], [sflag:$0x2] =	stream.indirect_vreg.gather @!p0 [hbm4b:s4+s19], $0x80, v7, vm1, $0xb8;
	[tilespmem:$0xA100] =	vst v63  }
0x109: {  	s21 =	simm.s32 @!p0 $0x7900  }
0x10a: {  	[tilespmem:s21], [sflag:$0x2] =	stream.indirect_vreg.gather @!p0 [hbm4b:s10+s19], $0x80, v7, vm1, $0xb8;
	[tilespmem:$0xA100] =	vst v63  }
0x10b: {  	s21 =	simm.s32 @!p0 $0x8100  }
0x10c: {  	[tilespmem:s21], [sflag:$0x2] =	stream.indirect_vreg.gather @!p0 [hbm4b:s4+s19], $0x80, v3, vm1, $0xb8;
	[tilespmem:$0xA100] =	vst v63  }
0x10d: {  	s21 =	simm.s32 @!p0 $0x8900  }
0x10e: {  	[tilespmem:s21], [sflag:$0x2] =	stream.indirect_vreg.gather @!p0 [hbm4b:s10+s19], $0x80, v3, vm1, $0xb8;
	[tilespmem:$0xA100] =	vst v63  }
0x10f: {  	v3 =	vld.msk @!p0 [tilespmem:$0xA0], $0xff;
	_ =	sdelay $0x4  }
0x110: {  	v5 =	vshll.u32 @!p0 v3, $0x2  }
0x111: {  	v3 =	vand.u32 @!p0 $0x7, v3;
	v5 =	vand.u32 @!p0 $0xFFFFFFE0, v5  }
0x112: {  	v3 =	vor.u32 @!p0 v3, v5  }
0x113: {  	v3 =	vperm.xlane @!p0 v3, v4;
	_ =	sdelay $0x1  }
0x114: {  	v3 =	vadd.s32 @!p0 v6, v3;
	_ =	sdelay $0x3  }
0x115: {  	s21 =	simm.s32 @!p0 $0x9100  }
0x116: {  	[tilespmem:s21], [sflag:$0x2] =	stream.indirect_vreg.gather @!p0 [hbm4b:s4+s19], $0x80, v3, vm1, $0xb8;
	[tilespmem:$0xA100] =	vst v63  }
0x117: {  	s21 =	simm.s32 @!p0 $0x9900  }
0x118: {  	[tilespmem:s21], [sflag:$0x2] =	stream.indirect_vreg.gather @!p0 [hbm4b:s10+s19], $0x80, v3, vm1, $0xb8;
	[tilespmem:$0xA100] =	vst v63  }
0x119: {  	_ =	swait.ge [sflag:s29], $0x5000  }
0x11a: {  	p1 =	seq.s32 s2, $0x4D800;
	[sflag:s29] =	ssyncset.done $0x0  }
0x11b: {  	s22 =	sadd.s32 s2, s15;
	s21 =	simm.s32 @!p1 $0x3;
	[sflag:s29] =	ssyncadd.s32 $0xFFFFB000  }
0x11c: {  	[hbm4b:s22+s3] =	stream.linear.scatter [tilespmem:s18], [sflag:$0x3], $0x5000, $0x38;
	[tilespmem:$0xA100] =	vst v63  }
0x11d: {  	_ =	swait.ge @!p1 [sflag:s21], $0x5000  }
0x11e: {  	s22 =	sshrl.u32 @!p1 s11, $0x3;
	[sflag:s21] =	ssyncset.done @!p1 $0x0  }
0x11f: {  	[sflag:s21] =	ssyncadd.s32 @!p1 $0xFFFFB000;
	s21 =	sadd.s32 @!p1 s6, s22;
	s22 =	simm.s32 @!p1 $0x0  }
0x120: {  	[tilespmem:s22], [sflag:$0x5] =	stream.linear.gather @!p1 [hbm4b:s21+s22], $0x28, $0x38;
	[tilespmem:$0xA100] =	vst v63  }
0x121: {  	s21 =	simm.s32 @!p1 $0x5  }
0x122: {  	_ =	swait.ge @!p1 [sflag:s21], $0x28  }
0x123: {  	[sflag:s21] =	ssyncset.done @!p1 $0x0  }
0x124: {  	[sflag:s21] =	ssyncadd.s32 @!p1 $0xFFFFFFD8  }
0x125: {  	v3 =	vld @!p1 [tilespmem:$0x0];
	_ =	sdelay $0x4  }
0x126: {  	v4 =	vshll.u32 @!p1 v3, $0x2  }
0x127: {  	v5 =	vlaneseq.u32 @!p1;
	v3 =	vand.u32 @!p1 $0x7, v3;
	v4 =	vand.u32 @!p1 $0xFFFFFFE0, v4  }
0x128: {  	v6 =	vshrl.u32 @!p1 v5, $0x3;
	v3 =	vor.u32 @!p1 v3, v4;
	v4 =	vand.u32 @!p1 $0x7, v5  }
0x129: {  	v6 =	vmul.u32 @!p1 $0x8, v6;
	v7 =	vperm.xlane @!p1 v3, v4;
	_ =	sdelay $0x1  }
0x12a: {  	v7 =	vadd.s32 @!p1 v6, v7  }
0x12b: {  	v5 =	vor.u32 @!p1 $0x8, v5  }
0x12c: {  	v3 =	vperm.xlane @!p1 v3, v5;
	_ =	sdelay $0x1  }
0x12d: {  	vm1 =	vmmov @!p1 $0xffff;
	s21 =	simm.s32 @!p1 $0x100;
	v3 =	vadd.s32 @!p1 v6, v3  }
0x12e: {  	[tilespmem:s21], [sflag:$0x1] =	stream.indirect_vreg.gather @!p1 [hbm4b:s4+s22], $0x80, v7, vm1, $0xb8;
	[tilespmem:$0xA100] =	vst v63  }
0x12f: {  	s21 =	simm.s32 @!p1 $0x900  }
0x130: {  	[tilespmem:s21], [sflag:$0x1] =	stream.indirect_vreg.gather @!p1 [hbm4b:s10+s22], $0x80, v7, vm1, $0xb8;
	[tilespmem:$0xA100] =	vst v63  }
0x131: {  	s21 =	simm.s32 @!p1 $0x1100  }
0x132: {  	[tilespmem:s21], [sflag:$0x1] =	stream.indirect_vreg.gather @!p1 [hbm4b:s4+s22], $0x80, v3, vm1, $0xb8;
	[tilespmem:$0xA100] =	vst v63  }
0x133: {  	s21 =	simm.s32 @!p1 $0x1900  }
0x134: {  	[tilespmem:s21], [sflag:$0x1] =	stream.indirect_vreg.gather @!p1 [hbm4b:s10+s22], $0x80, v3, vm1, $0xb8;
	[tilespmem:$0xA100] =	vst v63  }
0x135: {  	v3 =	vld @!p1 [tilespmem:$0x10];
	_ =	sdelay $0x4  }
0x136: {  	v7 =	vshll.u32 @!p1 v3, $0x2  }
0x137: {  	v3 =	vand.u32 @!p1 $0x7, v3;
	v7 =	vand.u32 @!p1 $0xFFFFFFE0, v7  }
0x138: {  	v3 =	vor.u32 @!p1 v3, v7  }
0x139: {  	v7 =	vperm.xlane @!p1 v3, v4;
	_ =	sdelay $0x1  }
0x13a: {  	v7 =	vadd.s32 @!p1 v6, v7;
	_ =	sdelay $0x1  }
0x13b: {  	v3 =	vperm.xlane @!p1 v3, v5;
	_ =	sdelay $0x1  }
0x13c: {  	s21 =	simm.s32 @!p1 $0x2100;
	v3 =	vadd.s32 @!p1 v6, v3  }
0x13d: {  	[tilespmem:s21], [sflag:$0x1] =	stream.indirect_vreg.gather @!p1 [hbm4b:s4+s22], $0x80, v7, vm1, $0xb8;
	[tilespmem:$0xA100] =	vst v63  }
0x13e: {  	s21 =	simm.s32 @!p1 $0x2900  }
0x13f: {  	[tilespmem:s21], [sflag:$0x1] =	stream.indirect_vreg.gather @!p1 [hbm4b:s10+s22], $0x80, v7, vm1, $0xb8;
	[tilespmem:$0xA100] =	vst v63  }
0x140: {  	s21 =	simm.s32 @!p1 $0x3100  }
0x141: {  	[tilespmem:s21], [sflag:$0x1] =	stream.indirect_vreg.gather @!p1 [hbm4b:s4+s22], $0x80, v3, vm1, $0xb8;
	[tilespmem:$0xA100] =	vst v63  }
0x142: {  	s21 =	simm.s32 @!p1 $0x3900  }
0x143: {  	[tilespmem:s21], [sflag:$0x1] =	stream.indirect_vreg.gather @!p1 [hbm4b:s10+s22], $0x80, v3, vm1, $0xb8;
	[tilespmem:$0xA100] =	vst v63  }
0x144: {  	v3 =	vld.msk @!p1 [tilespmem:$0x20], $0xff;
	_ =	sdelay $0x4  }
0x145: {  	v5 =	vshll.u32 @!p1 v3, $0x2  }
0x146: {  	v3 =	vand.u32 @!p1 $0x7, v3;
	v5 =	vand.u32 @!p1 $0xFFFFFFE0, v5  }
0x147: {  	v3 =	vor.u32 @!p1 v3, v5  }
0x148: {  	v3 =	vperm.xlane @!p1 v3, v4;
	_ =	sdelay $0x1  }
0x149: {  	v3 =	vadd.s32 @!p1 v6, v3;
	_ =	sdelay $0x3  }
0x14a: {  	s21 =	simm.s32 @!p1 $0x4100  }
0x14b: {  	[tilespmem:s21], [sflag:$0x1] =	stream.indirect_vreg.gather @!p1 [hbm4b:s4+s22], $0x80, v3, vm1, $0xb8;
	[tilespmem:$0xA100] =	vst v63  }
0x14c: {  	s21 =	simm.s32 @!p1 $0x4900  }
0x14d: {  	[tilespmem:s21], [sflag:$0x1] =	stream.indirect_vreg.gather @!p1 [hbm4b:s10+s22], $0x80, v3, vm1, $0xb8;
	[tilespmem:$0xA100] =	vst v63  }
0x14e: {  	s21 =	simm.s32 @!p0 $0x2  }
0x14f: {  	_ =	swait.ge @!p0 [sflag:s21], $0x5000  }
0x150: {  	s22 =	sadd.s32 @!p0 s2, s15;
	[sflag:s21] =	ssyncset.done @!p0 $0x0  }
0x151: {  	s2 =	sadd.s32 $0x1400, s2;
	[sflag:s21] =	ssyncadd.s32 @!p0 $0xFFFFB000;
	s21 =	sadd.s32 @!p0 $0xA00, s22  }
0x152: {  	[hbm4b:s21+s19] =	stream.linear.scatter @!p0 [tilespmem:s20], [sflag:$0x4], $0x5000, $0x38;
	[tilespmem:$0xA100] =	vst v63  }
0x153: {  	p0 =	sne.s32 s2, $0x4EC00  }
.Ltmp1:
0x154: {  	_ = 	snop;
	(pc) =	sbr.rel @p0 .LBB2_4-.Ltmp1, $2  }
0x155: {  	_ =	sdelay $0x2  }
0x156: {  	s14 =	sadd.s32 $0x2, s14;
	s12 =	sadd.s32 $0xA, s12;
	s11 =	sadd.s32 $0x50, s11  }
0x157: {  	_ =	swait.ge [sflag:s30], $0x5000  }
0x158: {  	[sflag:s30] =	ssyncset.done $0x0  }
0x159: {  	[sflag:s30] =	ssyncadd.s32 $0xFFFFB000  }
0x15a: {  	_ =	swait.ge [sflag:s31], $0x5000  }
0x15b: {  	s0 =	sadd.s32 $0x1, s0;
	s2 =	rddreg [dreg:$0x5]  }
0x15c: {  	p0 =	sne.s32 s0, s2  }
.Ltmp2:
0x15d: {  	_ = 	snop;
	(pc) =	sbr.rel @p0 .LBB2_1-.Ltmp2, $3  }
0x15e: {  	_ =	sdelay $0x1  }
0x15f: {  	[sflag:s31] =	ssyncset.done $0x0  }
0x160: {  	[sflag:s31] =	ssyncadd.s32 $0xFFFFB000  }
0x161: {  	_ =	sfence.sel $0x180000  }
0x162: {  	[bflag:$0x0] =	sbarrier.arrive $0xFFFF  }
0x163: {  	_ =	strace $0x90000047  }
0x164: {  	s0 =	stileid.u32;
	[bflag:$0x2] =	sbarrier.arrive $0xFFFF  }
0x165: {  	p0 =	sne.s32 s0, $0x0;
	s0 =	rddreg [dreg:$0x2]  }
0x166: {  	s0 =	sadd.s32 @!p0 $0x100000, s0  }
0x167: {  	[sflag:s0] =	ssyncadd.tile.s32 @!p0 $0x1;
	_ =	shalt  }
.Lfunc_end2:
_tile_overlayer_lowered:
.L_overlay_start_2:
0x168: {  	(tag) =	ssettag $0x2  }
0x169: {  	s0 =	rddreg [dreg:$0x0];
	s2 =	stileid.u32  }
0x16a: {  	s1 =	rddreg [dreg:$0x1];
	p0 =	sne.s32 s2, $0x0  }
0x16b: {  	s3 =	rddreg [dreg:$0x2];
	[bflag:$0x3] =	sbarrier.arrive $0xFFFF;
	s2 =	simm.s32 @!p0 $0x1C05  }
0x16c: {  	[timem:s3], [sflag:s2] =	dma.local @!p0 [hbm:s0], s1  }
0x16d: {  	s0 =	simm.s32 @!p0 $0x5  }
0x16e: {  	_ =	swait.ge @!p0 [sflag:s0], s1  }
0x16f: {  	s1 =	ssub.s32 @!p0 $0x0, s1;
	[sflag:s0] =	ssyncset.done @!p0 $0x0  }
0x170: {  	[sflag:s0] =	ssyncadd.s32 @!p0 s1  }
0x171: {  	[bflag:$0x3] =	sbarrier.arrive $0xFFFF  }
0x172: {  	_ =	shalt  }

</sc_bundles>
